<compile_context>
chip_gen: v7x
topology: tpu7x:2x2x1
jax: 0.10.2.dev20260603
libtpu: 0.0.44.dev20260713+nightly
codegen_flags: <defaults>
</compile_context>

<pallas_src>
import jax
import jax.numpy as jnp
from jax import lax
from jax.experimental import pallas as pl
from jax.experimental.pallas import tpu as pltpu
from jax.experimental.pallas import tpu_sc as plsc

B = 16384
EMBED = 32
NUM_GENRES = 20
G = 4
NC, NS, L = 2, 16, 16
NW = NC * NS
SPW = B // NW
CH = 2048
NCHUNK = B // CH


def _sc_body(tidx, gens, tabT, gflat, tail, out,
             row_v, gtab_v, gid_v, ogen_v, tidx_v, otit_v,
             sem_row, sem_stage, sem_out):
    wid = lax.axis_index("s") * NC + lax.axis_index("c")

    row_cps = [
        pltpu.async_copy(tabT.at[wid, pl.ds(0, 99968)],
                         row_v.at[pl.ds(0, 99968)], sem_row)
    ]
    row_cps.append(pltpu.async_copy(
        tail.at[pl.ds(wid * 40, 40)], row_v.at[pl.ds(99968, 40)], sem_row))

    t_stage = pltpu.async_copy(tidx.at[pl.ds(0, CH)], tidx_v.at[0], sem_stage)

    pltpu.sync_copy(gflat, gtab_v)
    sbase = wid * SPW
    pltpu.sync_copy(gens.at[pl.ds(sbase * G, SPW * G)], gid_v)

    def gblk(j, carry):
        boff = (j // 8) * (G * 128) + (j % 8) * L
        ids = [gid_v[pl.ds(boff + g * 128, L)] for g in range(G)]
        sl = pl.ds(j * L, L)
        for d in range(EMBED):
            acc = plsc.load_gather(gtab_v, [ids[0] + d * NUM_GENRES])
            for g in range(1, G):
                acc = acc + plsc.load_gather(gtab_v, [ids[g] + d * NUM_GENRES])
            ogen_v[d, sl] = acc * (1.0 / G)
        return carry

    lax.fori_loop(0, SPW // L, gblk, 0)
    g_out = pltpu.async_copy(
        ogen_v, out.at[pl.ds(EMBED, EMBED), pl.ds(sbase, SPW)], sem_out)

    for cp in row_cps:
        cp.wait()
    writes = []
    for m in range(NCHUNK):
        t_stage.wait()
        if m + 1 < NCHUNK:
            t_stage = pltpu.async_copy(
                tidx.at[pl.ds((m + 1) * CH, CH)], tidx_v.at[(m + 1) % 2],
                sem_stage)

        def tblk(j, carry):
            sl = pl.ds(j * L, L)
            otit_v[m % 2, sl] = plsc.load_gather(row_v, [tidx_v[m % 2, sl]])
            return carry

        if m >= 2:
            writes[m - 2].wait()
        lax.fori_loop(0, CH // L, tblk, 0)
        writes.append(pltpu.async_copy(
            otit_v.at[m % 2], out.at[wid, pl.ds(m * CH, CH)], sem_out))

    writes[-2].wait()
    writes[-1].wait()
    g_out.wait()


_sc_call = pl.kernel(
    _sc_body,
    out_type=jax.ShapeDtypeStruct((2 * EMBED, B), jnp.float32),
    mesh=plsc.VectorSubcoreMesh(core_axis_name="c", subcore_axis_name="s"),
    compiler_params=pltpu.CompilerParams(use_tc_tiling_on_sc=True,
                                         needs_layout_passes=False),
    scratch_types=[
        pltpu.VMEM((100008,), jnp.float32),
        pltpu.VMEM((NUM_GENRES * EMBED,), jnp.float32),
        pltpu.VMEM((SPW * G,), jnp.int32),
        pltpu.VMEM((EMBED, SPW), jnp.float32),
        pltpu.VMEM((2, CH), jnp.int32),
        pltpu.VMEM((2, CH), jnp.float32),
        pltpu.SemaphoreType.DMA,
        pltpu.SemaphoreType.DMA,
        pltpu.SemaphoreType.DMA,
    ],
)


@jax.jit
def kernel(movie_title, movie_genres, title_table, genre_table):
    gens = (movie_genres.astype(jnp.int32)
            .reshape(B // 128, 128, G).transpose(0, 2, 1).reshape(-1))
    tail = jnp.pad(title_table[99968:].T, ((0, 0), (0, 7))).reshape(-1)
    outf = _sc_call(movie_title.astype(jnp.int32), gens,
                    title_table.T, genre_table.T.reshape(-1), tail)
    return outf.T

# --- scband reference (transcript-rebuilt; emitter-appended) ---
"""Pipeline reference for scband-movie-model-26920855011570 (READ-ONLY COPY).

The authoritative reference and input builder live on the scoring server;
editing this copy changes nothing except your own understanding.
"""

import jax, jax.numpy as jnp
import numpy as np

B = 16384
TITLE_VOCAB = 100000  # StringLookup maps titles -> [0, vocab]; embedding table has vocab+1 rows
NUM_GENRES = 20       # max(unique_movie_genres) + 1
EMBED = 32

def setup_inputs(seed: int = 0) -> dict:
    key = jax.random.key(seed)
    k1, k2, k3, k4 = jax.random.split(key, 4)
    movie_title = jax.random.randint(k1, (B,), 0, TITLE_VOCAB + 1, dtype=jnp.int64 if jax.config.jax_enable_x64 else jnp.int32)
    movie_genres = jax.random.randint(k2, (B, 4), 0, NUM_GENRES, dtype=jnp.int64 if jax.config.jax_enable_x64 else jnp.int32)
    title_table = jax.random.normal(k3, (TITLE_VOCAB + 1, EMBED), dtype=jnp.float32) * 0.05
    genre_table = jax.random.normal(k4, (NUM_GENRES, EMBED), dtype=jnp.float32) * 0.05
    return {"movie_title": movie_title, "movie_genres": movie_genres,
            "title_table": title_table, "genre_table": genre_table}

def reference(movie_title, movie_genres, title_table, genre_table):
    # title_embedding: StringLookup (precomputed int ids) -> Embedding gather
    title_emb = jnp.take(title_table, movie_title, axis=0)                 # [B, EMBED]
    # movie_genres branch: Embedding -> reduce_mean over genre axis (axis=1)
    genre_emb = jnp.take(genre_table, movie_genres, axis=0)               # [B, G, EMBED]
    genre_emb = jnp.mean(genre_emb, axis=1)                               # [B, EMBED]
    # tf.concat([...], axis=1)
    return jnp.concatenate([title_emb, genre_emb], axis=1)                # [B, 2*EMBED]

if __name__ == "__main__":
    import jax
    _d = setup_inputs()
    print(jax.jit(kernel)(*tuple(_d.values())))

</pallas_src>

<mosaic_0001>
#map = affine_map<(d0, d1) -> (0)>
#map1 = affine_map<(d0, d1) -> (0, 0)>
module attributes {stable_mosaic.version = 14 : i64} {
  func.func @_sc_body(%arg0: i32, %arg1: i32, %arg2: memref<16384xi32, #tpu.memory_space<hbm>>, %arg3: memref<65536xi32, #tpu.memory_space<hbm>>, %arg4: memref<32x100001xf32, #tpu.memory_space<hbm>>, %arg5: memref<640xf32, #tpu.memory_space<hbm>>, %arg6: memref<1280xf32, #tpu.memory_space<hbm>>, %arg7: memref<64x16384xf32, #tpu.memory_space<hbm>>, %arg8: memref<100008xf32, #tpu.memory_space<vmem>>, %arg9: memref<640xf32, #tpu.memory_space<vmem>>, %arg10: memref<2048xi32, #tpu.memory_space<vmem>>, %arg11: memref<32x512xf32, #tpu.memory_space<vmem>>, %arg12: memref<2x2048xi32, #tpu.memory_space<vmem>>, %arg13: memref<2x2048xf32, #tpu.memory_space<vmem>>, %arg14: memref<!tpu.dma_semaphore, #tpu.memory_space<semaphore_mem>>, %arg15: memref<!tpu.dma_semaphore, #tpu.memory_space<semaphore_mem>>, %arg16: memref<!tpu.dma_semaphore, #tpu.memory_space<semaphore_mem>>) attributes {dimension_semantics = [#tpu.dimension_semantics<core_parallel>, #tpu.dimension_semantics<subcore_parallel>], iteration_bounds = array<i64: 2, 16>, scalar_prefetch = 0 : i64, scratch_operands = 9 : i64, tpu.core_type = #tpu.core_type<sc_vector_subcore>, window_params = [{transform_indices = #map}, {transform_indices = #map}, {transform_indices = #map1}, {transform_indices = #map}, {transform_indices = #map}, {transform_indices = #map1}]} {
    %mul3A = arith.constant 2 : i32
    %mul3A_0 = arith.muli %arg1, %mul3A : i32
    %add3A = arith.addi %mul3A_0, %arg0 : i32
    %dma_start3A = arith.constant 0 : i32
    %dma_start3A_1 = tpu.memref_slice %arg8[%dma_start3A] : memref<100008xf32, #tpu.memory_space<vmem>> -> memref<99968xf32, #tpu.memory_space<vmem>>
    %dma_start3A_2 = arith.constant 0 : i32
    %dma_start3A_3 = tpu.memref_slice %arg4[%add3A, %dma_start3A_2] : memref<32x100001xf32, #tpu.memory_space<hbm>> -> memref<1x99968xf32, #tpu.memory_space<hbm>>
    %dma_start3A_4 = tpu.memref_squeeze %dma_start3A_3 : memref<1x99968xf32, #tpu.memory_space<hbm>> -> memref<99968xf32, #tpu.memory_space<hbm>>
    %dma_start3A_5 = arith.constant 0 : i32
    %dma_start3A_6 = tpu.memref_slice %arg8[%dma_start3A_5] : memref<100008xf32, #tpu.memory_space<vmem>> -> memref<99968xf32, #tpu.memory_space<vmem>>
    %dma_start3A_7 = arith.constant 0 : i32
    %dma_start3A_8 = tpu.memref_slice %arg4[%add3A, %dma_start3A_7] : memref<32x100001xf32, #tpu.memory_space<hbm>> -> memref<1x99968xf32, #tpu.memory_space<hbm>>
    %dma_start3A_9 = tpu.memref_squeeze %dma_start3A_8 : memref<1x99968xf32, #tpu.memory_space<hbm>> -> memref<99968xf32, #tpu.memory_space<hbm>>
    tpu.enqueue_dma source(%dma_start3A_9 : memref<99968xf32, #tpu.memory_space<hbm>>) target(%dma_start3A_6 : memref<99968xf32, #tpu.memory_space<vmem>>) target_semaphore(%arg14 : memref<!tpu.dma_semaphore, #tpu.memory_space<semaphore_mem>>)
    %mul3A_10 = arith.constant 40 : i32
    %mul3A_11 = arith.muli %add3A, %mul3A_10 : i32
    %dma_start3A_12 = arith.constant 99968 : i32
    %dma_start3A_13 = tpu.memref_slice %arg8[%dma_start3A_12] : memref<100008xf32, #tpu.memory_space<vmem>> -> memref<40xf32, #tpu.memory_space<vmem>>
    %dma_start3A_14 = tpu.memref_slice %arg6[%mul3A_11] : memref<1280xf32, #tpu.memory_space<hbm>> -> memref<40xf32, #tpu.memory_space<hbm>>
    %dma_start3A_15 = arith.constant 99968 : i32
    %dma_start3A_16 = tpu.memref_slice %arg8[%dma_start3A_15] : memref<100008xf32, #tpu.memory_space<vmem>> -> memref<40xf32, #tpu.memory_space<vmem>>
    %dma_start3A_17 = tpu.memref_slice %arg6[%mul3A_11] : memref<1280xf32, #tpu.memory_space<hbm>> -> memref<40xf32, #tpu.memory_space<hbm>>
    tpu.enqueue_dma source(%dma_start3A_17 : memref<40xf32, #tpu.memory_space<hbm>>) target(%dma_start3A_16 : memref<40xf32, #tpu.memory_space<vmem>>) target_semaphore(%arg14 : memref<!tpu.dma_semaphore, #tpu.memory_space<semaphore_mem>>)
    %dma_start3A_18 = arith.constant 0 : i32
    %dma_start3A_19 = arith.constant 0 : i32
    %dma_start3A_20 = tpu.memref_slice %arg12[%dma_start3A_18, %dma_start3A_19] : memref<2x2048xi32, #tpu.memory_space<vmem>> -> memref<1x2048xi32, #tpu.memory_space<vmem>>
    %dma_start3A_21 = tpu.memref_squeeze %dma_start3A_20 : memref<1x2048xi32, #tpu.memory_space<vmem>> -> memref<2048xi32, #tpu.memory_space<vmem>>
    %dma_start3A_22 = arith.constant 0 : i32
    %dma_start3A_23 = tpu.memref_slice %arg2[%dma_start3A_22] : memref<16384xi32, #tpu.memory_space<hbm>> -> memref<2048xi32, #tpu.memory_space<hbm>>
    %dma_start3A_24 = arith.constant 0 : i32
    %dma_start3A_25 = tpu.memref_slice %arg12[%dma_start3A_18, %dma_start3A_24] : memref<2x2048xi32, #tpu.memory_space<vmem>> -> memref<1x2048xi32, #tpu.memory_space<vmem>>
    %dma_start3A_26 = tpu.memref_squeeze %dma_start3A_25 : memref<1x2048xi32, #tpu.memory_space<vmem>> -> memref<2048xi32, #tpu.memory_space<vmem>>
    %dma_start3A_27 = arith.constant 0 : i32
    %dma_start3A_28 = tpu.memref_slice %arg2[%dma_start3A_27] : memref<16384xi32, #tpu.memory_space<hbm>> -> memref<2048xi32, #tpu.memory_space<hbm>>
    tpu.enqueue_dma source(%dma_start3A_28 : memref<2048xi32, #tpu.memory_space<hbm>>) target(%dma_start3A_26 : memref<2048xi32, #tpu.memory_space<vmem>>) target_semaphore(%arg15 : memref<!tpu.dma_semaphore, #tpu.memory_space<semaphore_mem>>)
    "tpu.region"() ({
      %run_scoped3A = tpu.sem_alloc : memref<!tpu.dma_semaphore, #tpu.memory_space<semaphore_mem>>
      tpu.enqueue_dma source(%arg5 : memref<640xf32, #tpu.memory_space<hbm>>) target(%arg9 : memref<640xf32, #tpu.memory_space<vmem>>) target_semaphore(%run_scoped3A : memref<!tpu.dma_semaphore, #tpu.memory_space<semaphore_mem>>)
      tpu.wait_dma2 semaphore(%run_scoped3A : memref<!tpu.dma_semaphore, #tpu.memory_space<semaphore_mem>>) src(%arg5 : memref<640xf32, #tpu.memory_space<hbm>>) dst(%arg9 : memref<640xf32, #tpu.memory_space<vmem>>)
      tpu.yield
    }) : () -> ()
    %mul3A_29 = arith.constant 512 : i32
    %mul3A_30 = arith.muli %add3A, %mul3A_29 : i32
    %mul3A_31 = arith.constant 4 : i32
    %mul3A_32 = arith.muli %mul3A_30, %mul3A_31 : i32
    "tpu.region"() ({
      %run_scoped3A = tpu.sem_alloc : memref<!tpu.dma_semaphore, #tpu.memory_space<semaphore_mem>>
      %dma_start3A_482 = tpu.memref_slice %arg3[%mul3A_32] : memref<65536xi32, #tpu.memory_space<hbm>> -> memref<2048xi32, #tpu.memory_space<hbm>>
      %dma_start3A_483 = tpu.memref_slice %arg3[%mul3A_32] : memref<65536xi32, #tpu.memory_space<hbm>> -> memref<2048xi32, #tpu.memory_space<hbm>>
      tpu.enqueue_dma source(%dma_start3A_483 : memref<2048xi32, #tpu.memory_space<hbm>>) target(%arg10 : memref<2048xi32, #tpu.memory_space<vmem>>) target_semaphore(%run_scoped3A : memref<!tpu.dma_semaphore, #tpu.memory_space<semaphore_mem>>)
      %dma_wait3A_484 = tpu.memref_slice %arg3[%mul3A_32] : memref<65536xi32, #tpu.memory_space<hbm>> -> memref<2048xi32, #tpu.memory_space<hbm>>
      %dma_wait3A_485 = tpu.memref_slice %arg3[%mul3A_32] : memref<65536xi32, #tpu.memory_space<hbm>> -> memref<2048xi32, #tpu.memory_space<hbm>>
      tpu.wait_dma2 semaphore(%run_scoped3A : memref<!tpu.dma_semaphore, #tpu.memory_space<semaphore_mem>>) src(%dma_wait3A_485 : memref<2048xi32, #tpu.memory_space<hbm>>) dst(%arg10 : memref<2048xi32, #tpu.memory_space<vmem>>)
      tpu.yield
    }) : () -> ()
    %scan3A = arith.constant 0 : i32
    %scan3A_33 = arith.constant 0 : i32
    %scan3A_34 = arith.constant 32 : i32
    %scan3A_35 = arith.addi %scan3A_33, %scan3A_34 : i32
    %scan3A_36 = arith.constant 1 : i32
    scf.for %scan3A_482 = %scan3A_33 to %scan3A_35 step %scan3A_36  : i32 {
      %jit3A = arith.constant 8 : i32
      %div3A = arith.divsi %scan3A_482, %jit3A : i32
      %sign3A = arith.constant 0 : i32
      %sign3A_483 = arith.cmpi sgt, %scan3A_482, %sign3A : i32
      %sign3A_484 = arith.extui %sign3A_483 : i1 to i32
      %sign3A_485 = arith.constant 0 : i32
      %sign3A_486 = arith.cmpi slt, %scan3A_482, %sign3A_485 : i32
      %sign3A_487 = arith.extui %sign3A_486 : i1 to i32
      %sign3A_488 = arith.subi %sign3A_484, %sign3A_487 : i32
      %sign3A_489 = arith.constant 0 : i32
      %sign3A_490 = arith.cmpi sgt, %jit3A, %sign3A_489 : i32
      %sign3A_491 = arith.extui %sign3A_490 : i1 to i32
      %sign3A_492 = arith.constant 0 : i32
      %sign3A_493 = arith.cmpi slt, %jit3A, %sign3A_492 : i32
      %sign3A_494 = arith.extui %sign3A_493 : i1 to i32
      %sign3A_495 = arith.subi %sign3A_491, %sign3A_494 : i32
      %ne3A = arith.cmpi ne, %sign3A_488, %sign3A_495 : i32
      %rem3A = arith.remsi %scan3A_482, %jit3A : i32
      %ne3A_496 = arith.constant 0 : i32
      %ne3A_497 = arith.cmpi ne, %rem3A, %ne3A_496 : i32
      %and3A = arith.andi %ne3A, %ne3A_497 : i1
      %sub3A = arith.constant 1 : i32
      %sub3A_498 = arith.subi %div3A, %sub3A : i32
      %select_n3A = arith.select %and3A, %sub3A_498, %div3A : i32
      %mul3A_499 = arith.constant 512 : i32
      %mul3A_500 = arith.muli %select_n3A, %mul3A_499 : i32
      %jit3A_501 = arith.constant 8 : i32
      %eq3A = arith.constant 0 : i32
      %eq3A_502 = arith.cmpi eq, %jit3A_501, %eq3A : i32
      %jit3A_503 = arith.constant 1 : i32
      %select_n3A_504 = arith.select %eq3A_502, %jit3A_503, %jit3A_501 : i32
      %rem3A_505 = arith.remsi %scan3A_482, %select_n3A_504 : i32
      %ne3A_506 = arith.constant 0 : i32
      %ne3A_507 = arith.cmpi ne, %rem3A_505, %ne3A_506 : i32
      %lt3A = arith.constant 0 : i32
      %lt3A_508 = arith.cmpi slt, %rem3A_505, %lt3A : i32
      %lt3A_509 = arith.constant 0 : i32
      %lt3A_510 = arith.cmpi slt, %select_n3A_504, %lt3A_509 : i32
      %ne3A_511 = arith.xori %lt3A_508, %lt3A_510 : i1
      %and3A_512 = arith.andi %ne3A_511, %ne3A_507 : i1
      %add3A_513 = arith.addi %rem3A_505, %select_n3A_504 : i32
      %select_n3A_514 = arith.select %and3A_512, %add3A_513, %rem3A_505 : i32
      %mul3A_515 = arith.constant 16 : i32
      %mul3A_516 = arith.muli %select_n3A_514, %mul3A_515 : i32
      %add3A_517 = arith.addi %mul3A_500, %mul3A_516 : i32
      %add3A_518 = arith.constant 0 : i32
      %add3A_519 = arith.addi %add3A_517, %add3A_518 : i32
      %get3A = arith.index_cast %add3A_519 : i32 to index
      %get3A_520 = tpu.vector_load %arg10[%get3A] {strides = array<i32>} : memref<2048xi32, #tpu.memory_space<vmem>>, vector<16xi32>,
      %add3A_521 = arith.constant 128 : i32
      %add3A_522 = arith.addi %add3A_517, %add3A_521 : i32
      %get3A_523 = arith.index_cast %add3A_522 : i32 to index
      %get3A_524 = tpu.vector_load %arg10[%get3A_523] {strides = array<i32>} : memref<2048xi32, #tpu.memory_space<vmem>>, vector<16xi32>,
      %add3A_525 = arith.constant 256 : i32
      %add3A_526 = arith.addi %add3A_517, %add3A_525 : i32
      %get3A_527 = arith.index_cast %add3A_526 : i32 to index
      %get3A_528 = tpu.vector_load %arg10[%get3A_527] {strides = array<i32>} : memref<2048xi32, #tpu.memory_space<vmem>>, vector<16xi32>,
      %add3A_529 = arith.constant 384 : i32
      %add3A_530 = arith.addi %add3A_517, %add3A_529 : i32
      %get3A_531 = arith.index_cast %add3A_530 : i32 to index
      %get3A_532 = tpu.vector_load %arg10[%get3A_531] {strides = array<i32>} : memref<2048xi32, #tpu.memory_space<vmem>>, vector<16xi32>,
      %mul3A_533 = arith.constant 16 : i32
      %mul3A_534 = arith.muli %scan3A_482, %mul3A_533 : i32
      %add3A_535 = arith.constant 0 : i32
      %add3A_536 = vector.broadcast %add3A_535 : i32 to vector<16xi32>
      %add3A_537 = arith.addi %get3A_520, %add3A_536 : vector<16xi32>
      %gather3A = tpu.vector_load_idx %arg9[%add3A_537] : memref<640xf32, #tpu.memory_space<vmem>>[vector<16xi32>], vector<16xf32>,
      %add3A_538 = arith.constant 0 : i32
      %add3A_539 = vector.broadcast %add3A_538 : i32 to vector<16xi32>
      %add3A_540 = arith.addi %get3A_524, %add3A_539 : vector<16xi32>
      %gather3A_541 = tpu.vector_load_idx %arg9[%add3A_540] : memref<640xf32, #tpu.memory_space<vmem>>[vector<16xi32>], vector<16xf32>,
      %add3A_542 = arith.addf %gather3A, %gather3A_541 : vector<16xf32>
      %add3A_543 = arith.constant 0 : i32
      %add3A_544 = vector.broadcast %add3A_543 : i32 to vector<16xi32>
      %add3A_545 = arith.addi %get3A_528, %add3A_544 : vector<16xi32>
      %gather3A_546 = tpu.vector_load_idx %arg9[%add3A_545] : memref<640xf32, #tpu.memory_space<vmem>>[vector<16xi32>], vector<16xf32>,
      %add3A_547 = arith.addf %add3A_542, %gather3A_546 : vector<16xf32>
      %add3A_548 = arith.constant 0 : i32
      %add3A_549 = vector.broadcast %add3A_548 : i32 to vector<16xi32>
      %add3A_550 = arith.addi %get3A_532, %add3A_549 : vector<16xi32>
      %gather3A_551 = tpu.vector_load_idx %arg9[%add3A_550] : memref<640xf32, #tpu.memory_space<vmem>>[vector<16xi32>], vector<16xf32>,
      %add3A_552 = arith.addf %add3A_547, %gather3A_551 : vector<16xf32>
      %mul3A_553 = arith.constant 2.500000e-01 : f32
      %mul3A_554 = vector.broadcast %mul3A_553 : f32 to vector<16xf32>
      %mul3A_555 = arith.mulf %add3A_552, %mul3A_554 : vector<16xf32>
      %swap3A = arith.constant 0 : i32
      %swap3A_556 = arith.index_cast %swap3A : i32 to index
      %swap3A_557 = arith.index_cast %mul3A_534 : i32 to index
      %swap3A_558 = tpu.vector_load %arg11[%swap3A_556, %swap3A_557] {strides = array<i32>} : memref<32x512xf32, #tpu.memory_space<vmem>>, vector<16xf32>,
      tpu.vector_store %arg11[%swap3A_556, %swap3A_557], %mul3A_555 {strides = array<i32>} : memref<32x512xf32, #tpu.memory_space<vmem>>, vector<16xf32>,
      %add3A_559 = arith.constant 20 : i32
      %add3A_560 = vector.broadcast %add3A_559 : i32 to vector<16xi32>
      %add3A_561 = arith.addi %get3A_520, %add3A_560 : vector<16xi32>
      %gather3A_562 = tpu.vector_load_idx %arg9[%add3A_561] : memref<640xf32, #tpu.memory_space<vmem>>[vector<16xi32>], vector<16xf32>,
      %add3A_563 = arith.constant 20 : i32
      %add3A_564 = vector.broadcast %add3A_563 : i32 to vector<16xi32>
      %add3A_565 = arith.addi %get3A_524, %add3A_564 : vector<16xi32>
      %gather3A_566 = tpu.vector_load_idx %arg9[%add3A_565] : memref<640xf32, #tpu.memory_space<vmem>>[vector<16xi32>], vector<16xf32>,
      %add3A_567 = arith.addf %gather3A_562, %gather3A_566 : vector<16xf32>
      %add3A_568 = arith.constant 20 : i32
      %add3A_569 = vector.broadcast %add3A_568 : i32 to vector<16xi32>
      %add3A_570 = arith.addi %get3A_528, %add3A_569 : vector<16xi32>
      %gather3A_571 = tpu.vector_load_idx %arg9[%add3A_570] : memref<640xf32, #tpu.memory_space<vmem>>[vector<16xi32>], vector<16xf32>,
      %add3A_572 = arith.addf %add3A_567, %gather3A_571 : vector<16xf32>
      %add3A_573 = arith.constant 20 : i32
      %add3A_574 = vector.broadcast %add3A_573 : i32 to vector<16xi32>
      %add3A_575 = arith.addi %get3A_532, %add3A_574 : vector<16xi32>
      %gather3A_576 = tpu.vector_load_idx %arg9[%add3A_575] : memref<640xf32, #tpu.memory_space<vmem>>[vector<16xi32>], vector<16xf32>,
      %add3A_577 = arith.addf %add3A_572, %gather3A_576 : vector<16xf32>
      %mul3A_578 = arith.constant 2.500000e-01 : f32
      %mul3A_579 = vector.broadcast %mul3A_578 : f32 to vector<16xf32>
      %mul3A_580 = arith.mulf %add3A_577, %mul3A_579 : vector<16xf32>
      %swap3A_581 = arith.constant 1 : i32
      %swap3A_582 = arith.index_cast %swap3A_581 : i32 to index
      %swap3A_583 = arith.index_cast %mul3A_534 : i32 to index
      %swap3A_584 = tpu.vector_load %arg11[%swap3A_582, %swap3A_583] {strides = array<i32>} : memref<32x512xf32, #tpu.memory_space<vmem>>, vector<16xf32>,
      tpu.vector_store %arg11[%swap3A_582, %swap3A_583], %mul3A_580 {strides = array<i32>} : memref<32x512xf32, #tpu.memory_space<vmem>>, vector<16xf32>,
      %add3A_585 = arith.constant 40 : i32
      %add3A_586 = vector.broadcast %add3A_585 : i32 to vector<16xi32>
      %add3A_587 = arith.addi %get3A_520, %add3A_586 : vector<16xi32>
      %gather3A_588 = tpu.vector_load_idx %arg9[%add3A_587] : memref<640xf32, #tpu.memory_space<vmem>>[vector<16xi32>], vector<16xf32>,
      %add3A_589 = arith.constant 40 : i32
      %add3A_590 = vector.broadcast %add3A_589 : i32 to vector<16xi32>
      %add3A_591 = arith.addi %get3A_524, %add3A_590 : vector<16xi32>
      %gather3A_592 = tpu.vector_load_idx %arg9[%add3A_591] : memref<640xf32, #tpu.memory_space<vmem>>[vector<16xi32>], vector<16xf32>,
      %add3A_593 = arith.addf %gather3A_588, %gather3A_592 : vector<16xf32>
      %add3A_594 = arith.constant 40 : i32
      %add3A_595 = vector.broadcast %add3A_594 : i32 to vector<16xi32>
      %add3A_596 = arith.addi %get3A_528, %add3A_595 : vector<16xi32>
      %gather3A_597 = tpu.vector_load_idx %arg9[%add3A_596] : memref<640xf32, #tpu.memory_space<vmem>>[vector<16xi32>], vector<16xf32>,
      %add3A_598 = arith.addf %add3A_593, %gather3A_597 : vector<16xf32>
      %add3A_599 = arith.constant 40 : i32
      %add3A_600 = vector.broadcast %add3A_599 : i32 to vector<16xi32>
      %add3A_601 = arith.addi %get3A_532, %add3A_600 : vector<16xi32>
      %gather3A_602 = tpu.vector_load_idx %arg9[%add3A_601] : memref<640xf32, #tpu.memory_space<vmem>>[vector<16xi32>], vector<16xf32>,
      %add3A_603 = arith.addf %add3A_598, %gather3A_602 : vector<16xf32>
      %mul3A_604 = arith.constant 2.500000e-01 : f32
      %mul3A_605 = vector.broadcast %mul3A_604 : f32 to vector<16xf32>
      %mul3A_606 = arith.mulf %add3A_603, %mul3A_605 : vector<16xf32>
      %swap3A_607 = arith.constant 2 : i32
      %swap3A_608 = arith.index_cast %swap3A_607 : i32 to index
      %swap3A_609 = arith.index_cast %mul3A_534 : i32 to index
      %swap3A_610 = tpu.vector_load %arg11[%swap3A_608, %swap3A_609] {strides = array<i32>} : memref<32x512xf32, #tpu.memory_space<vmem>>, vector<16xf32>,
      tpu.vector_store %arg11[%swap3A_608, %swap3A_609], %mul3A_606 {strides = array<i32>} : memref<32x512xf32, #tpu.memory_space<vmem>>, vector<16xf32>,
      %add3A_611 = arith.constant 60 : i32
      %add3A_612 = vector.broadcast %add3A_611 : i32 to vector<16xi32>
      %add3A_613 = arith.addi %get3A_520, %add3A_612 : vector<16xi32>
      %gather3A_614 = tpu.vector_load_idx %arg9[%add3A_613] : memref<640xf32, #tpu.memory_space<vmem>>[vector<16xi32>], vector<16xf32>,
      %add3A_615 = arith.constant 60 : i32
      %add3A_616 = vector.broadcast %add3A_615 : i32 to vector<16xi32>
      %add3A_617 = arith.addi %get3A_524, %add3A_616 : vector<16xi32>
      %gather3A_618 = tpu.vector_load_idx %arg9[%add3A_617] : memref<640xf32, #tpu.memory_space<vmem>>[vector<16xi32>], vector<16xf32>,
      %add3A_619 = arith.addf %gather3A_614, %gather3A_618 : vector<16xf32>
      %add3A_620 = arith.constant 60 : i32
      %add3A_621 = vector.broadcast %add3A_620 : i32 to vector<16xi32>
      %add3A_622 = arith.addi %get3A_528, %add3A_621 : vector<16xi32>
      %gather3A_623 = tpu.vector_load_idx %arg9[%add3A_622] : memref<640xf32, #tpu.memory_space<vmem>>[vector<16xi32>], vector<16xf32>,
      %add3A_624 = arith.addf %add3A_619, %gather3A_623 : vector<16xf32>
      %add3A_625 = arith.constant 60 : i32
      %add3A_626 = vector.broadcast %add3A_625 : i32 to vector<16xi32>
      %add3A_627 = arith.addi %get3A_532, %add3A_626 : vector<16xi32>
      %gather3A_628 = tpu.vector_load_idx %arg9[%add3A_627] : memref<640xf32, #tpu.memory_space<vmem>>[vector<16xi32>], vector<16xf32>,
      %add3A_629 = arith.addf %add3A_624, %gather3A_628 : vector<16xf32>
      %mul3A_630 = arith.constant 2.500000e-01 : f32
      %mul3A_631 = vector.broadcast %mul3A_630 : f32 to vector<16xf32>
      %mul3A_632 = arith.mulf %add3A_629, %mul3A_631 : vector<16xf32>
      %swap3A_633 = arith.constant 3 : i32
      %swap3A_634 = arith.index_cast %swap3A_633 : i32 to index
      %swap3A_635 = arith.index_cast %mul3A_534 : i32 to index
      %swap3A_636 = tpu.vector_load %arg11[%swap3A_634, %swap3A_635] {strides = array<i32>} : memref<32x512xf32, #tpu.memory_space<vmem>>, vector<16xf32>,
      tpu.vector_store %arg11[%swap3A_634, %swap3A_635], %mul3A_632 {strides = array<i32>} : memref<32x512xf32, #tpu.memory_space<vmem>>, vector<16xf32>,
      %add3A_637 = arith.constant 80 : i32
      %add3A_638 = vector.broadcast %add3A_637 : i32 to vector<16xi32>
      %add3A_639 = arith.addi %get3A_520, %add3A_638 : vector<16xi32>
      %gather3A_640 = tpu.vector_load_idx %arg9[%add3A_639] : memref<640xf32, #tpu.memory_space<vmem>>[vector<16xi32>], vector<16xf32>,
      %add3A_641 = arith.constant 80 : i32
      %add3A_642 = vector.broadcast %add3A_641 : i32 to vector<16xi32>
      %add3A_643 = arith.addi %get3A_524, %add3A_642 : vector<16xi32>
      %gather3A_644 = tpu.vector_load_idx %arg9[%add3A_643] : memref<640xf32, #tpu.memory_space<vmem>>[vector<16xi32>], vector<16xf32>,
      %add3A_645 = arith.addf %gather3A_640, %gather3A_644 : vector<16xf32>
      %add3A_646 = arith.constant 80 : i32
      %add3A_647 = vector.broadcast %add3A_646 : i32 to vector<16xi32>
      %add3A_648 = arith.addi %get3A_528, %add3A_647 : vector<16xi32>
      %gather3A_649 = tpu.vector_load_idx %arg9[%add3A_648] : memref<640xf32, #tpu.memory_space<vmem>>[vector<16xi32>], vector<16xf32>,
      %add3A_650 = arith.addf %add3A_645, %gather3A_649 : vector<16xf32>
      %add3A_651 = arith.constant 80 : i32
      %add3A_652 = vector.broadcast %add3A_651 : i32 to vector<16xi32>
      %add3A_653 = arith.addi %get3A_532, %add3A_652 : vector<16xi32>
      %gather3A_654 = tpu.vector_load_idx %arg9[%add3A_653] : memref<640xf32, #tpu.memory_space<vmem>>[vector<16xi32>], vector<16xf32>,
      %add3A_655 = arith.addf %add3A_650, %gather3A_654 : vector<16xf32>
      %mul3A_656 = arith.constant 2.500000e-01 : f32
      %mul3A_657 = vector.broadcast %mul3A_656 : f32 to vector<16xf32>
      %mul3A_658 = arith.mulf %add3A_655, %mul3A_657 : vector<16xf32>
      %swap3A_659 = arith.constant 4 : i32
      %swap3A_660 = arith.index_cast %swap3A_659 : i32 to index
      %swap3A_661 = arith.index_cast %mul3A_534 : i32 to index
      %swap3A_662 = tpu.vector_load %arg11[%swap3A_660, %swap3A_661] {strides = array<i32>} : memref<32x512xf32, #tpu.memory_space<vmem>>, vector<16xf32>,
      tpu.vector_store %arg11[%swap3A_660, %swap3A_661], %mul3A_658 {strides = array<i32>} : memref<32x512xf32, #tpu.memory_space<vmem>>, vector<16xf32>,
      %add3A_663 = arith.constant 100 : i32
      %add3A_664 = vector.broadcast %add3A_663 : i32 to vector<16xi32>
      %add3A_665 = arith.addi %get3A_520, %add3A_664 : vector<16xi32>
      %gather3A_666 = tpu.vector_load_idx %arg9[%add3A_665] : memref<640xf32, #tpu.memory_space<vmem>>[vector<16xi32>], vector<16xf32>,
      %add3A_667 = arith.constant 100 : i32
      %add3A_668 = vector.broadcast %add3A_667 : i32 to vector<16xi32>
      %add3A_669 = arith.addi %get3A_524, %add3A_668 : vector<16xi32>
      %gather3A_670 = tpu.vector_load_idx %arg9[%add3A_669] : memref<640xf32, #tpu.memory_space<vmem>>[vector<16xi32>], vector<16xf32>,
      %add3A_671 = arith.addf %gather3A_666, %gather3A_670 : vector<16xf32>
      %add3A_672 = arith.constant 100 : i32
      %add3A_673 = vector.broadcast %add3A_672 : i32 to vector<16xi32>
      %add3A_674 = arith.addi %get3A_528, %add3A_673 : vector<16xi32>
      %gather3A_675 = tpu.vector_load_idx %arg9[%add3A_674] : memref<640xf32, #tpu.memory_space<vmem>>[vector<16xi32>], vector<16xf32>,
      %add3A_676 = arith.addf %add3A_671, %gather3A_675 : vector<16xf32>
      %add3A_677 = arith.constant 100 : i32
      %add3A_678 = vector.broadcast %add3A_677 : i32 to vector<16xi32>
      %add3A_679 = arith.addi %get3A_532, %add3A_678 : vector<16xi32>
      %gather3A_680 = tpu.vector_load_idx %arg9[%add3A_679] : memref<640xf32, #tpu.memory_space<vmem>>[vector<16xi32>], vector<16xf32>,
      %add3A_681 = arith.addf %add3A_676, %gather3A_680 : vector<16xf32>
      %mul3A_682 = arith.constant 2.500000e-01 : f32
      %mul3A_683 = vector.broadcast %mul3A_682 : f32 to vector<16xf32>
      %mul3A_684 = arith.mulf %add3A_681, %mul3A_683 : vector<16xf32>
      %swap3A_685 = arith.constant 5 : i32
      %swap3A_686 = arith.index_cast %swap3A_685 : i32 to index
      %swap3A_687 = arith.index_cast %mul3A_534 : i32 to index
      %swap3A_688 = tpu.vector_load %arg11[%swap3A_686, %swap3A_687] {strides = array<i32>} : memref<32x512xf32, #tpu.memory_space<vmem>>, vector<16xf32>,
      tpu.vector_store %arg11[%swap3A_686, %swap3A_687], %mul3A_684 {strides = array<i32>} : memref<32x512xf32, #tpu.memory_space<vmem>>, vector<16xf32>,
      %add3A_689 = arith.constant 120 : i32
      %add3A_690 = vector.broadcast %add3A_689 : i32 to vector<16xi32>
      %add3A_691 = arith.addi %get3A_520, %add3A_690 : vector<16xi32>
      %gather3A_692 = tpu.vector_load_idx %arg9[%add3A_691] : memref<640xf32, #tpu.memory_space<vmem>>[vector<16xi32>], vector<16xf32>,
      %add3A_693 = arith.constant 120 : i32
      %add3A_694 = vector.broadcast %add3A_693 : i32 to vector<16xi32>
      %add3A_695 = arith.addi %get3A_524, %add3A_694 : vector<16xi32>
      %gather3A_696 = tpu.vector_load_idx %arg9[%add3A_695] : memref<640xf32, #tpu.memory_space<vmem>>[vector<16xi32>], vector<16xf32>,
      %add3A_697 = arith.addf %gather3A_692, %gather3A_696 : vector<16xf32>
      %add3A_698 = arith.constant 120 : i32
      %add3A_699 = vector.broadcast %add3A_698 : i32 to vector<16xi32>
      %add3A_700 = arith.addi %get3A_528, %add3A_699 : vector<16xi32>
      %gather3A_701 = tpu.vector_load_idx %arg9[%add3A_700] : memref<640xf32, #tpu.memory_space<vmem>>[vector<16xi32>], vector<16xf32>,
      %add3A_702 = arith.addf %add3A_697, %gather3A_701 : vector<16xf32>
      %add3A_703 = arith.constant 120 : i32
      %add3A_704 = vector.broadcast %add3A_703 : i32 to vector<16xi32>
      %add3A_705 = arith.addi %get3A_532, %add3A_704 : vector<16xi32>
      %gather3A_706 = tpu.vector_load_idx %arg9[%add3A_705] : memref<640xf32, #tpu.memory_space<vmem>>[vector<16xi32>], vector<16xf32>,
      %add3A_707 = arith.addf %add3A_702, %gather3A_706 : vector<16xf32>
      %mul3A_708 = arith.constant 2.500000e-01 : f32
      %mul3A_709 = vector.broadcast %mul3A_708 : f32 to vector<16xf32>
      %mul3A_710 = arith.mulf %add3A_707, %mul3A_709 : vector<16xf32>
      %swap3A_711 = arith.constant 6 : i32
      %swap3A_712 = arith.index_cast %swap3A_711 : i32 to index
      %swap3A_713 = arith.index_cast %mul3A_534 : i32 to index
      %swap3A_714 = tpu.vector_load %arg11[%swap3A_712, %swap3A_713] {strides = array<i32>} : memref<32x512xf32, #tpu.memory_space<vmem>>, vector<16xf32>,
      tpu.vector_store %arg11[%swap3A_712, %swap3A_713], %mul3A_710 {strides = array<i32>} : memref<32x512xf32, #tpu.memory_space<vmem>>, vector<16xf32>,
      %add3A_715 = arith.constant 140 : i32
      %add3A_716 = vector.broadcast %add3A_715 : i32 to vector<16xi32>
      %add3A_717 = arith.addi %get3A_520, %add3A_716 : vector<16xi32>
      %gather3A_718 = tpu.vector_load_idx %arg9[%add3A_717] : memref<640xf32, #tpu.memory_space<vmem>>[vector<16xi32>], vector<16xf32>,
      %add3A_719 = arith.constant 140 : i32
      %add3A_720 = vector.broadcast %add3A_719 : i32 to vector<16xi32>
      %add3A_721 = arith.addi %get3A_524, %add3A_720 : vector<16xi32>
      %gather3A_722 = tpu.vector_load_idx %arg9[%add3A_721] : memref<640xf32, #tpu.memory_space<vmem>>[vector<16xi32>], vector<16xf32>,
      %add3A_723 = arith.addf %gather3A_718, %gather3A_722 : vector<16xf32>
      %add3A_724 = arith.constant 140 : i32
      %add3A_725 = vector.broadcast %add3A_724 : i32 to vector<16xi32>
      %add3A_726 = arith.addi %get3A_528, %add3A_725 : vector<16xi32>
      %gather3A_727 = tpu.vector_load_idx %arg9[%add3A_726] : memref<640xf32, #tpu.memory_space<vmem>>[vector<16xi32>], vector<16xf32>,
      %add3A_728 = arith.addf %add3A_723, %gather3A_727 : vector<16xf32>
      %add3A_729 = arith.constant 140 : i32
      %add3A_730 = vector.broadcast %add3A_729 : i32 to vector<16xi32>
      %add3A_731 = arith.addi %get3A_532, %add3A_730 : vector<16xi32>
      %gather3A_732 = tpu.vector_load_idx %arg9[%add3A_731] : memref<640xf32, #tpu.memory_space<vmem>>[vector<16xi32>], vector<16xf32>,
      %add3A_733 = arith.addf %add3A_728, %gather3A_732 : vector<16xf32>
      %mul3A_734 = arith.constant 2.500000e-01 : f32
      %mul3A_735 = vector.broadcast %mul3A_734 : f32 to vector<16xf32>
      %mul3A_736 = arith.mulf %add3A_733, %mul3A_735 : vector<16xf32>
      %swap3A_737 = arith.constant 7 : i32
      %swap3A_738 = arith.index_cast %swap3A_737 : i32 to index
      %swap3A_739 = arith.index_cast %mul3A_534 : i32 to index
      %swap3A_740 = tpu.vector_load %arg11[%swap3A_738, %swap3A_739] {strides = array<i32>} : memref<32x512xf32, #tpu.memory_space<vmem>>, vector<16xf32>,
      tpu.vector_store %arg11[%swap3A_738, %swap3A_739], %mul3A_736 {strides = array<i32>} : memref<32x512xf32, #tpu.memory_space<vmem>>, vector<16xf32>,
      %add3A_741 = arith.constant 160 : i32
      %add3A_742 = vector.broadcast %add3A_741 : i32 to vector<16xi32>
      %add3A_743 = arith.addi %get3A_520, %add3A_742 : vector<16xi32>
      %gather3A_744 = tpu.vector_load_idx %arg9[%add3A_743] : memref<640xf32, #tpu.memory_space<vmem>>[vector<16xi32>], vector<16xf32>,
      %add3A_745 = arith.constant 160 : i32
      %add3A_746 = vector.broadcast %add3A_745 : i32 to vector<16xi32>
      %add3A_747 = arith.addi %get3A_524, %add3A_746 : vector<16xi32>
      %gather3A_748 = tpu.vector_load_idx %arg9[%add3A_747] : memref<640xf32, #tpu.memory_space<vmem>>[vector<16xi32>], vector<16xf32>,
      %add3A_749 = arith.addf %gather3A_744, %gather3A_748 : vector<16xf32>
      %add3A_750 = arith.constant 160 : i32
      %add3A_751 = vector.broadcast %add3A_750 : i32 to vector<16xi32>
      %add3A_752 = arith.addi %get3A_528, %add3A_751 : vector<16xi32>
      %gather3A_753 = tpu.vector_load_idx %arg9[%add3A_752] : memref<640xf32, #tpu.memory_space<vmem>>[vector<16xi32>], vector<16xf32>,
      %add3A_754 = arith.addf %add3A_749, %gather3A_753 : vector<16xf32>
      %add3A_755 = arith.constant 160 : i32
      %add3A_756 = vector.broadcast %add3A_755 : i32 to vector<16xi32>
      %add3A_757 = arith.addi %get3A_532, %add3A_756 : vector<16xi32>
      %gather3A_758 = tpu.vector_load_idx %arg9[%add3A_757] : memref<640xf32, #tpu.memory_space<vmem>>[vector<16xi32>], vector<16xf32>,
      %add3A_759 = arith.addf %add3A_754, %gather3A_758 : vector<16xf32>
      %mul3A_760 = arith.constant 2.500000e-01 : f32
      %mul3A_761 = vector.broadcast %mul3A_760 : f32 to vector<16xf32>
      %mul3A_762 = arith.mulf %add3A_759, %mul3A_761 : vector<16xf32>
      %swap3A_763 = arith.constant 8 : i32
      %swap3A_764 = arith.index_cast %swap3A_763 : i32 to index
      %swap3A_765 = arith.index_cast %mul3A_534 : i32 to index
      %swap3A_766 = tpu.vector_load %arg11[%swap3A_764, %swap3A_765] {strides = array<i32>} : memref<32x512xf32, #tpu.memory_space<vmem>>, vector<16xf32>,
      tpu.vector_store %arg11[%swap3A_764, %swap3A_765], %mul3A_762 {strides = array<i32>} : memref<32x512xf32, #tpu.memory_space<vmem>>, vector<16xf32>,
      %add3A_767 = arith.constant 180 : i32
      %add3A_768 = vector.broadcast %add3A_767 : i32 to vector<16xi32>
      %add3A_769 = arith.addi %get3A_520, %add3A_768 : vector<16xi32>
      %gather3A_770 = tpu.vector_load_idx %arg9[%add3A_769] : memref<640xf32, #tpu.memory_space<vmem>>[vector<16xi32>], vector<16xf32>,
      %add3A_771 = arith.constant 180 : i32
      %add3A_772 = vector.broadcast %add3A_771 : i32 to vector<16xi32>
      %add3A_773 = arith.addi %get3A_524, %add3A_772 : vector<16xi32>
      %gather3A_774 = tpu.vector_load_idx %arg9[%add3A_773] : memref<640xf32, #tpu.memory_space<vmem>>[vector<16xi32>], vector<16xf32>,
      %add3A_775 = arith.addf %gather3A_770, %gather3A_774 : vector<16xf32>
      %add3A_776 = arith.constant 180 : i32
      %add3A_777 = vector.broadcast %add3A_776 : i32 to vector<16xi32>
      %add3A_778 = arith.addi %get3A_528, %add3A_777 : vector<16xi32>
      %gather3A_779 = tpu.vector_load_idx %arg9[%add3A_778] : memref<640xf32, #tpu.memory_space<vmem>>[vector<16xi32>], vector<16xf32>,
      %add3A_780 = arith.addf %add3A_775, %gather3A_779 : vector<16xf32>
      %add3A_781 = arith.constant 180 : i32
      %add3A_782 = vector.broadcast %add3A_781 : i32 to vector<16xi32>
      %add3A_783 = arith.addi %get3A_532, %add3A_782 : vector<16xi32>
      %gather3A_784 = tpu.vector_load_idx %arg9[%add3A_783] : memref<640xf32, #tpu.memory_space<vmem>>[vector<16xi32>], vector<16xf32>,
      %add3A_785 = arith.addf %add3A_780, %gather3A_784 : vector<16xf32>
      %mul3A_786 = arith.constant 2.500000e-01 : f32
      %mul3A_787 = vector.broadcast %mul3A_786 : f32 to vector<16xf32>
      %mul3A_788 = arith.mulf %add3A_785, %mul3A_787 : vector<16xf32>
      %swap3A_789 = arith.constant 9 : i32
      %swap3A_790 = arith.index_cast %swap3A_789 : i32 to index
      %swap3A_791 = arith.index_cast %mul3A_534 : i32 to index
      %swap3A_792 = tpu.vector_load %arg11[%swap3A_790, %swap3A_791] {strides = array<i32>} : memref<32x512xf32, #tpu.memory_space<vmem>>, vector<16xf32>,
      tpu.vector_store %arg11[%swap3A_790, %swap3A_791], %mul3A_788 {strides = array<i32>} : memref<32x512xf32, #tpu.memory_space<vmem>>, vector<16xf32>,
      %add3A_793 = arith.constant 200 : i32
      %add3A_794 = vector.broadcast %add3A_793 : i32 to vector<16xi32>
      %add3A_795 = arith.addi %get3A_520, %add3A_794 : vector<16xi32>
      %gather3A_796 = tpu.vector_load_idx %arg9[%add3A_795] : memref<640xf32, #tpu.memory_space<vmem>>[vector<16xi32>], vector<16xf32>,
      %add3A_797 = arith.constant 200 : i32
      %add3A_798 = vector.broadcast %add3A_797 : i32 to vector<16xi32>
      %add3A_799 = arith.addi %get3A_524, %add3A_798 : vector<16xi32>
      %gather3A_800 = tpu.vector_load_idx %arg9[%add3A_799] : memref<640xf32, #tpu.memory_space<vmem>>[vector<16xi32>], vector<16xf32>,
      %add3A_801 = arith.addf %gather3A_796, %gather3A_800 : vector<16xf32>
      %add3A_802 = arith.constant 200 : i32
      %add3A_803 = vector.broadcast %add3A_802 : i32 to vector<16xi32>
      %add3A_804 = arith.addi %get3A_528, %add3A_803 : vector<16xi32>
      %gather3A_805 = tpu.vector_load_idx %arg9[%add3A_804] : memref<640xf32, #tpu.memory_space<vmem>>[vector<16xi32>], vector<16xf32>,
      %add3A_806 = arith.addf %add3A_801, %gather3A_805 : vector<16xf32>
      %add3A_807 = arith.constant 200 : i32
      %add3A_808 = vector.broadcast %add3A_807 : i32 to vector<16xi32>
      %add3A_809 = arith.addi %get3A_532, %add3A_808 : vector<16xi32>
      %gather3A_810 = tpu.vector_load_idx %arg9[%add3A_809] : memref<640xf32, #tpu.memory_space<vmem>>[vector<16xi32>], vector<16xf32>,
      %add3A_811 = arith.addf %add3A_806, %gather3A_810 : vector<16xf32>
      %mul3A_812 = arith.constant 2.500000e-01 : f32
      %mul3A_813 = vector.broadcast %mul3A_812 : f32 to vector<16xf32>
      %mul3A_814 = arith.mulf %add3A_811, %mul3A_813 : vector<16xf32>
      %swap3A_815 = arith.constant 10 : i32
      %swap3A_816 = arith.index_cast %swap3A_815 : i32 to index
      %swap3A_817 = arith.index_cast %mul3A_534 : i32 to index
      %swap3A_818 = tpu.vector_load %arg11[%swap3A_816, %swap3A_817] {strides = array<i32>} : memref<32x512xf32, #tpu.memory_space<vmem>>, vector<16xf32>,
      tpu.vector_store %arg11[%swap3A_816, %swap3A_817], %mul3A_814 {strides = array<i32>} : memref<32x512xf32, #tpu.memory_space<vmem>>, vector<16xf32>,
      %add3A_819 = arith.constant 220 : i32
      %add3A_820 = vector.broadcast %add3A_819 : i32 to vector<16xi32>
      %add3A_821 = arith.addi %get3A_520, %add3A_820 : vector<16xi32>
      %gather3A_822 = tpu.vector_load_idx %arg9[%add3A_821] : memref<640xf32, #tpu.memory_space<vmem>>[vector<16xi32>], vector<16xf32>,
      %add3A_823 = arith.constant 220 : i32
      %add3A_824 = vector.broadcast %add3A_823 : i32 to vector<16xi32>
      %add3A_825 = arith.addi %get3A_524, %add3A_824 : vector<16xi32>
      %gather3A_826 = tpu.vector_load_idx %arg9[%add3A_825] : memref<640xf32, #tpu.memory_space<vmem>>[vector<16xi32>], vector<16xf32>,
      %add3A_827 = arith.addf %gather3A_822, %gather3A_826 : vector<16xf32>
      %add3A_828 = arith.constant 220 : i32
      %add3A_829 = vector.broadcast %add3A_828 : i32 to vector<16xi32>
      %add3A_830 = arith.addi %get3A_528, %add3A_829 : vector<16xi32>
      %gather3A_831 = tpu.vector_load_idx %arg9[%add3A_830] : memref<640xf32, #tpu.memory_space<vmem>>[vector<16xi32>], vector<16xf32>,
      %add3A_832 = arith.addf %add3A_827, %gather3A_831 : vector<16xf32>
      %add3A_833 = arith.constant 220 : i32
      %add3A_834 = vector.broadcast %add3A_833 : i32 to vector<16xi32>
      %add3A_835 = arith.addi %get3A_532, %add3A_834 : vector<16xi32>
      %gather3A_836 = tpu.vector_load_idx %arg9[%add3A_835] : memref<640xf32, #tpu.memory_space<vmem>>[vector<16xi32>], vector<16xf32>,
      %add3A_837 = arith.addf %add3A_832, %gather3A_836 : vector<16xf32>
      %mul3A_838 = arith.constant 2.500000e-01 : f32
      %mul3A_839 = vector.broadcast %mul3A_838 : f32 to vector<16xf32>
      %mul3A_840 = arith.mulf %add3A_837, %mul3A_839 : vector<16xf32>
      %swap3A_841 = arith.constant 11 : i32
      %swap3A_842 = arith.index_cast %swap3A_841 : i32 to index
      %swap3A_843 = arith.index_cast %mul3A_534 : i32 to index
      %swap3A_844 = tpu.vector_load %arg11[%swap3A_842, %swap3A_843] {strides = array<i32>} : memref<32x512xf32, #tpu.memory_space<vmem>>, vector<16xf32>,
      tpu.vector_store %arg11[%swap3A_842, %swap3A_843], %mul3A_840 {strides = array<i32>} : memref<32x512xf32, #tpu.memory_space<vmem>>, vector<16xf32>,
      %add3A_845 = arith.constant 240 : i32
      %add3A_846 = vector.broadcast %add3A_845 : i32 to vector<16xi32>
      %add3A_847 = arith.addi %get3A_520, %add3A_846 : vector<16xi32>
      %gather3A_848 = tpu.vector_load_idx %arg9[%add3A_847] : memref<640xf32, #tpu.memory_space<vmem>>[vector<16xi32>], vector<16xf32>,
      %add3A_849 = arith.constant 240 : i32
      %add3A_850 = vector.broadcast %add3A_849 : i32 to vector<16xi32>
      %add3A_851 = arith.addi %get3A_524, %add3A_850 : vector<16xi32>
      %gather3A_852 = tpu.vector_load_idx %arg9[%add3A_851] : memref<640xf32, #tpu.memory_space<vmem>>[vector<16xi32>], vector<16xf32>,
      %add3A_853 = arith.addf %gather3A_848, %gather3A_852 : vector<16xf32>
      %add3A_854 = arith.constant 240 : i32
      %add3A_855 = vector.broadcast %add3A_854 : i32 to vector<16xi32>
      %add3A_856 = arith.addi %get3A_528, %add3A_855 : vector<16xi32>
      %gather3A_857 = tpu.vector_load_idx %arg9[%add3A_856] : memref<640xf32, #tpu.memory_space<vmem>>[vector<16xi32>], vector<16xf32>,
      %add3A_858 = arith.addf %add3A_853, %gather3A_857 : vector<16xf32>
      %add3A_859 = arith.constant 240 : i32
      %add3A_860 = vector.broadcast %add3A_859 : i32 to vector<16xi32>
      %add3A_861 = arith.addi %get3A_532, %add3A_860 : vector<16xi32>
      %gather3A_862 = tpu.vector_load_idx %arg9[%add3A_861] : memref<640xf32, #tpu.memory_space<vmem>>[vector<16xi32>], vector<16xf32>,
      %add3A_863 = arith.addf %add3A_858, %gather3A_862 : vector<16xf32>
      %mul3A_864 = arith.constant 2.500000e-01 : f32
      %mul3A_865 = vector.broadcast %mul3A_864 : f32 to vector<16xf32>
      %mul3A_866 = arith.mulf %add3A_863, %mul3A_865 : vector<16xf32>
      %swap3A_867 = arith.constant 12 : i32
      %swap3A_868 = arith.index_cast %swap3A_867 : i32 to index
      %swap3A_869 = arith.index_cast %mul3A_534 : i32 to index
      %swap3A_870 = tpu.vector_load %arg11[%swap3A_868, %swap3A_869] {strides = array<i32>} : memref<32x512xf32, #tpu.memory_space<vmem>>, vector<16xf32>,
      tpu.vector_store %arg11[%swap3A_868, %swap3A_869], %mul3A_866 {strides = array<i32>} : memref<32x512xf32, #tpu.memory_space<vmem>>, vector<16xf32>,
      %add3A_871 = arith.constant 260 : i32
      %add3A_872 = vector.broadcast %add3A_871 : i32 to vector<16xi32>
      %add3A_873 = arith.addi %get3A_520, %add3A_872 : vector<16xi32>
      %gather3A_874 = tpu.vector_load_idx %arg9[%add3A_873] : memref<640xf32, #tpu.memory_space<vmem>>[vector<16xi32>], vector<16xf32>,
      %add3A_875 = arith.constant 260 : i32
      %add3A_876 = vector.broadcast %add3A_875 : i32 to vector<16xi32>
      %add3A_877 = arith.addi %get3A_524, %add3A_876 : vector<16xi32>
      %gather3A_878 = tpu.vector_load_idx %arg9[%add3A_877] : memref<640xf32, #tpu.memory_space<vmem>>[vector<16xi32>], vector<16xf32>,
      %add3A_879 = arith.addf %gather3A_874, %gather3A_878 : vector<16xf32>
      %add3A_880 = arith.constant 260 : i32
      %add3A_881 = vector.broadcast %add3A_880 : i32 to vector<16xi32>
      %add3A_882 = arith.addi %get3A_528, %add3A_881 : vector<16xi32>
      %gather3A_883 = tpu.vector_load_idx %arg9[%add3A_882] : memref<640xf32, #tpu.memory_space<vmem>>[vector<16xi32>], vector<16xf32>,
      %add3A_884 = arith.addf %add3A_879, %gather3A_883 : vector<16xf32>
      %add3A_885 = arith.constant 260 : i32
      %add3A_886 = vector.broadcast %add3A_885 : i32 to vector<16xi32>
      %add3A_887 = arith.addi %get3A_532, %add3A_886 : vector<16xi32>
      %gather3A_888 = tpu.vector_load_idx %arg9[%add3A_887] : memref<640xf32, #tpu.memory_space<vmem>>[vector<16xi32>], vector<16xf32>,
      %add3A_889 = arith.addf %add3A_884, %gather3A_888 : vector<16xf32>
      %mul3A_890 = arith.constant 2.500000e-01 : f32
      %mul3A_891 = vector.broadcast %mul3A_890 : f32 to vector<16xf32>
      %mul3A_892 = arith.mulf %add3A_889, %mul3A_891 : vector<16xf32>
      %swap3A_893 = arith.constant 13 : i32
      %swap3A_894 = arith.index_cast %swap3A_893 : i32 to index
      %swap3A_895 = arith.index_cast %mul3A_534 : i32 to index
      %swap3A_896 = tpu.vector_load %arg11[%swap3A_894, %swap3A_895] {strides = array<i32>} : memref<32x512xf32, #tpu.memory_space<vmem>>, vector<16xf32>,
      tpu.vector_store %arg11[%swap3A_894, %swap3A_895], %mul3A_892 {strides = array<i32>} : memref<32x512xf32, #tpu.memory_space<vmem>>, vector<16xf32>,
      %add3A_897 = arith.constant 280 : i32
      %add3A_898 = vector.broadcast %add3A_897 : i32 to vector<16xi32>
      %add3A_899 = arith.addi %get3A_520, %add3A_898 : vector<16xi32>
      %gather3A_900 = tpu.vector_load_idx %arg9[%add3A_899] : memref<640xf32, #tpu.memory_space<vmem>>[vector<16xi32>], vector<16xf32>,
      %add3A_901 = arith.constant 280 : i32
      %add3A_902 = vector.broadcast %add3A_901 : i32 to vector<16xi32>
      %add3A_903 = arith.addi %get3A_524, %add3A_902 : vector<16xi32>
      %gather3A_904 = tpu.vector_load_idx %arg9[%add3A_903] : memref<640xf32, #tpu.memory_space<vmem>>[vector<16xi32>], vector<16xf32>,
      %add3A_905 = arith.addf %gather3A_900, %gather3A_904 : vector<16xf32>
      %add3A_906 = arith.constant 280 : i32
      %add3A_907 = vector.broadcast %add3A_906 : i32 to vector<16xi32>
      %add3A_908 = arith.addi %get3A_528, %add3A_907 : vector<16xi32>
      %gather3A_909 = tpu.vector_load_idx %arg9[%add3A_908] : memref<640xf32, #tpu.memory_space<vmem>>[vector<16xi32>], vector<16xf32>,
      %add3A_910 = arith.addf %add3A_905, %gather3A_909 : vector<16xf32>
      %add3A_911 = arith.constant 280 : i32
      %add3A_912 = vector.broadcast %add3A_911 : i32 to vector<16xi32>
      %add3A_913 = arith.addi %get3A_532, %add3A_912 : vector<16xi32>
      %gather3A_914 = tpu.vector_load_idx %arg9[%add3A_913] : memref<640xf32, #tpu.memory_space<vmem>>[vector<16xi32>], vector<16xf32>,
      %add3A_915 = arith.addf %add3A_910, %gather3A_914 : vector<16xf32>
      %mul3A_916 = arith.constant 2.500000e-01 : f32
      %mul3A_917 = vector.broadcast %mul3A_916 : f32 to vector<16xf32>
      %mul3A_918 = arith.mulf %add3A_915, %mul3A_917 : vector<16xf32>
      %swap3A_919 = arith.constant 14 : i32
      %swap3A_920 = arith.index_cast %swap3A_919 : i32 to index
      %swap3A_921 = arith.index_cast %mul3A_534 : i32 to index
      %swap3A_922 = tpu.vector_load %arg11[%swap3A_920, %swap3A_921] {strides = array<i32>} : memref<32x512xf32, #tpu.memory_space<vmem>>, vector<16xf32>,
      tpu.vector_store %arg11[%swap3A_920, %swap3A_921], %mul3A_918 {strides = array<i32>} : memref<32x512xf32, #tpu.memory_space<vmem>>, vector<16xf32>,
      %add3A_923 = arith.constant 300 : i32
      %add3A_924 = vector.broadcast %add3A_923 : i32 to vector<16xi32>
      %add3A_925 = arith.addi %get3A_520, %add3A_924 : vector<16xi32>
      %gather3A_926 = tpu.vector_load_idx %arg9[%add3A_925] : memref<640xf32, #tpu.memory_space<vmem>>[vector<16xi32>], vector<16xf32>,
      %add3A_927 = arith.constant 300 : i32
      %add3A_928 = vector.broadcast %add3A_927 : i32 to vector<16xi32>
      %add3A_929 = arith.addi %get3A_524, %add3A_928 : vector<16xi32>
      %gather3A_930 = tpu.vector_load_idx %arg9[%add3A_929] : memref<640xf32, #tpu.memory_space<vmem>>[vector<16xi32>], vector<16xf32>,
      %add3A_931 = arith.addf %gather3A_926, %gather3A_930 : vector<16xf32>
      %add3A_932 = arith.constant 300 : i32
      %add3A_933 = vector.broadcast %add3A_932 : i32 to vector<16xi32>
      %add3A_934 = arith.addi %get3A_528, %add3A_933 : vector<16xi32>
      %gather3A_935 = tpu.vector_load_idx %arg9[%add3A_934] : memref<640xf32, #tpu.memory_space<vmem>>[vector<16xi32>], vector<16xf32>,
      %add3A_936 = arith.addf %add3A_931, %gather3A_935 : vector<16xf32>
      %add3A_937 = arith.constant 300 : i32
      %add3A_938 = vector.broadcast %add3A_937 : i32 to vector<16xi32>
      %add3A_939 = arith.addi %get3A_532, %add3A_938 : vector<16xi32>
      %gather3A_940 = tpu.vector_load_idx %arg9[%add3A_939] : memref<640xf32, #tpu.memory_space<vmem>>[vector<16xi32>], vector<16xf32>,
      %add3A_941 = arith.addf %add3A_936, %gather3A_940 : vector<16xf32>
      %mul3A_942 = arith.constant 2.500000e-01 : f32
      %mul3A_943 = vector.broadcast %mul3A_942 : f32 to vector<16xf32>
      %mul3A_944 = arith.mulf %add3A_941, %mul3A_943 : vector<16xf32>
      %swap3A_945 = arith.constant 15 : i32
      %swap3A_946 = arith.index_cast %swap3A_945 : i32 to index
      %swap3A_947 = arith.index_cast %mul3A_534 : i32 to index
      %swap3A_948 = tpu.vector_load %arg11[%swap3A_946, %swap3A_947] {strides = array<i32>} : memref<32x512xf32, #tpu.memory_space<vmem>>, vector<16xf32>,
      tpu.vector_store %arg11[%swap3A_946, %swap3A_947], %mul3A_944 {strides = array<i32>} : memref<32x512xf32, #tpu.memory_space<vmem>>, vector<16xf32>,
      %add3A_949 = arith.constant 320 : i32
      %add3A_950 = vector.broadcast %add3A_949 : i32 to vector<16xi32>
      %add3A_951 = arith.addi %get3A_520, %add3A_950 : vector<16xi32>
      %gather3A_952 = tpu.vector_load_idx %arg9[%add3A_951] : memref<640xf32, #tpu.memory_space<vmem>>[vector<16xi32>], vector<16xf32>,
      %add3A_953 = arith.constant 320 : i32
      %add3A_954 = vector.broadcast %add3A_953 : i32 to vector<16xi32>
      %add3A_955 = arith.addi %get3A_524, %add3A_954 : vector<16xi32>
      %gather3A_956 = tpu.vector_load_idx %arg9[%add3A_955] : memref<640xf32, #tpu.memory_space<vmem>>[vector<16xi32>], vector<16xf32>,
      %add3A_957 = arith.addf %gather3A_952, %gather3A_956 : vector<16xf32>
      %add3A_958 = arith.constant 320 : i32
      %add3A_959 = vector.broadcast %add3A_958 : i32 to vector<16xi32>
      %add3A_960 = arith.addi %get3A_528, %add3A_959 : vector<16xi32>
      %gather3A_961 = tpu.vector_load_idx %arg9[%add3A_960] : memref<640xf32, #tpu.memory_space<vmem>>[vector<16xi32>], vector<16xf32>,
      %add3A_962 = arith.addf %add3A_957, %gather3A_961 : vector<16xf32>
      %add3A_963 = arith.constant 320 : i32
      %add3A_964 = vector.broadcast %add3A_963 : i32 to vector<16xi32>
      %add3A_965 = arith.addi %get3A_532, %add3A_964 : vector<16xi32>
      %gather3A_966 = tpu.vector_load_idx %arg9[%add3A_965] : memref<640xf32, #tpu.memory_space<vmem>>[vector<16xi32>], vector<16xf32>,
      %add3A_967 = arith.addf %add3A_962, %gather3A_966 : vector<16xf32>
      %mul3A_968 = arith.constant 2.500000e-01 : f32
      %mul3A_969 = vector.broadcast %mul3A_968 : f32 to vector<16xf32>
      %mul3A_970 = arith.mulf %add3A_967, %mul3A_969 : vector<16xf32>
      %swap3A_971 = arith.constant 16 : i32
      %swap3A_972 = arith.index_cast %swap3A_971 : i32 to index
      %swap3A_973 = arith.index_cast %mul3A_534 : i32 to index
      %swap3A_974 = tpu.vector_load %arg11[%swap3A_972, %swap3A_973] {strides = array<i32>} : memref<32x512xf32, #tpu.memory_space<vmem>>, vector<16xf32>,
      tpu.vector_store %arg11[%swap3A_972, %swap3A_973], %mul3A_970 {strides = array<i32>} : memref<32x512xf32, #tpu.memory_space<vmem>>, vector<16xf32>,
      %add3A_975 = arith.constant 340 : i32
      %add3A_976 = vector.broadcast %add3A_975 : i32 to vector<16xi32>
      %add3A_977 = arith.addi %get3A_520, %add3A_976 : vector<16xi32>
      %gather3A_978 = tpu.vector_load_idx %arg9[%add3A_977] : memref<640xf32, #tpu.memory_space<vmem>>[vector<16xi32>], vector<16xf32>,
      %add3A_979 = arith.constant 340 : i32
      %add3A_980 = vector.broadcast %add3A_979 : i32 to vector<16xi32>
      %add3A_981 = arith.addi %get3A_524, %add3A_980 : vector<16xi32>
      %gather3A_982 = tpu.vector_load_idx %arg9[%add3A_981] : memref<640xf32, #tpu.memory_space<vmem>>[vector<16xi32>], vector<16xf32>,
      %add3A_983 = arith.addf %gather3A_978, %gather3A_982 : vector<16xf32>
      %add3A_984 = arith.constant 340 : i32
      %add3A_985 = vector.broadcast %add3A_984 : i32 to vector<16xi32>
      %add3A_986 = arith.addi %get3A_528, %add3A_985 : vector<16xi32>
      %gather3A_987 = tpu.vector_load_idx %arg9[%add3A_986] : memref<640xf32, #tpu.memory_space<vmem>>[vector<16xi32>], vector<16xf32>,
      %add3A_988 = arith.addf %add3A_983, %gather3A_987 : vector<16xf32>
      %add3A_989 = arith.constant 340 : i32
      %add3A_990 = vector.broadcast %add3A_989 : i32 to vector<16xi32>
      %add3A_991 = arith.addi %get3A_532, %add3A_990 : vector<16xi32>
      %gather3A_992 = tpu.vector_load_idx %arg9[%add3A_991] : memref<640xf32, #tpu.memory_space<vmem>>[vector<16xi32>], vector<16xf32>,
      %add3A_993 = arith.addf %add3A_988, %gather3A_992 : vector<16xf32>
      %mul3A_994 = arith.constant 2.500000e-01 : f32
      %mul3A_995 = vector.broadcast %mul3A_994 : f32 to vector<16xf32>
      %mul3A_996 = arith.mulf %add3A_993, %mul3A_995 : vector<16xf32>
      %swap3A_997 = arith.constant 17 : i32
      %swap3A_998 = arith.index_cast %swap3A_997 : i32 to index
      %swap3A_999 = arith.index_cast %mul3A_534 : i32 to index
      %swap3A_1000 = tpu.vector_load %arg11[%swap3A_998, %swap3A_999] {strides = array<i32>} : memref<32x512xf32, #tpu.memory_space<vmem>>, vector<16xf32>,
      tpu.vector_store %arg11[%swap3A_998, %swap3A_999], %mul3A_996 {strides = array<i32>} : memref<32x512xf32, #tpu.memory_space<vmem>>, vector<16xf32>,
      %add3A_1001 = arith.constant 360 : i32
      %add3A_1002 = vector.broadcast %add3A_1001 : i32 to vector<16xi32>
      %add3A_1003 = arith.addi %get3A_520, %add3A_1002 : vector<16xi32>
      %gather3A_1004 = tpu.vector_load_idx %arg9[%add3A_1003] : memref<640xf32, #tpu.memory_space<vmem>>[vector<16xi32>], vector<16xf32>,
      %add3A_1005 = arith.constant 360 : i32
      %add3A_1006 = vector.broadcast %add3A_1005 : i32 to vector<16xi32>
      %add3A_1007 = arith.addi %get3A_524, %add3A_1006 : vector<16xi32>
      %gather3A_1008 = tpu.vector_load_idx %arg9[%add3A_1007] : memref<640xf32, #tpu.memory_space<vmem>>[vector<16xi32>], vector<16xf32>,
      %add3A_1009 = arith.addf %gather3A_1004, %gather3A_1008 : vector<16xf32>
      %add3A_1010 = arith.constant 360 : i32
      %add3A_1011 = vector.broadcast %add3A_1010 : i32 to vector<16xi32>
      %add3A_1012 = arith.addi %get3A_528, %add3A_1011 : vector<16xi32>
      %gather3A_1013 = tpu.vector_load_idx %arg9[%add3A_1012] : memref<640xf32, #tpu.memory_space<vmem>>[vector<16xi32>], vector<16xf32>,
      %add3A_1014 = arith.addf %add3A_1009, %gather3A_1013 : vector<16xf32>
      %add3A_1015 = arith.constant 360 : i32
      %add3A_1016 = vector.broadcast %add3A_1015 : i32 to vector<16xi32>
      %add3A_1017 = arith.addi %get3A_532, %add3A_1016 : vector<16xi32>
      %gather3A_1018 = tpu.vector_load_idx %arg9[%add3A_1017] : memref<640xf32, #tpu.memory_space<vmem>>[vector<16xi32>], vector<16xf32>,
      %add3A_1019 = arith.addf %add3A_1014, %gather3A_1018 : vector<16xf32>
      %mul3A_1020 = arith.constant 2.500000e-01 : f32
      %mul3A_1021 = vector.broadcast %mul3A_1020 : f32 to vector<16xf32>
      %mul3A_1022 = arith.mulf %add3A_1019, %mul3A_1021 : vector<16xf32>
      %swap3A_1023 = arith.constant 18 : i32
      %swap3A_1024 = arith.index_cast %swap3A_1023 : i32 to index
      %swap3A_1025 = arith.index_cast %mul3A_534 : i32 to index
      %swap3A_1026 = tpu.vector_load %arg11[%swap3A_1024, %swap3A_1025] {strides = array<i32>} : memref<32x512xf32, #tpu.memory_space<vmem>>, vector<16xf32>,
      tpu.vector_store %arg11[%swap3A_1024, %swap3A_1025], %mul3A_1022 {strides = array<i32>} : memref<32x512xf32, #tpu.memory_space<vmem>>, vector<16xf32>,
      %add3A_1027 = arith.constant 380 : i32
      %add3A_1028 = vector.broadcast %add3A_1027 : i32 to vector<16xi32>
      %add3A_1029 = arith.addi %get3A_520, %add3A_1028 : vector<16xi32>
      %gather3A_1030 = tpu.vector_load_idx %arg9[%add3A_1029] : memref<640xf32, #tpu.memory_space<vmem>>[vector<16xi32>], vector<16xf32>,
      %add3A_1031 = arith.constant 380 : i32
      %add3A_1032 = vector.broadcast %add3A_1031 : i32 to vector<16xi32>
      %add3A_1033 = arith.addi %get3A_524, %add3A_1032 : vector<16xi32>
      %gather3A_1034 = tpu.vector_load_idx %arg9[%add3A_1033] : memref<640xf32, #tpu.memory_space<vmem>>[vector<16xi32>], vector<16xf32>,
      %add3A_1035 = arith.addf %gather3A_1030, %gather3A_1034 : vector<16xf32>
      %add3A_1036 = arith.constant 380 : i32
      %add3A_1037 = vector.broadcast %add3A_1036 : i32 to vector<16xi32>
      %add3A_1038 = arith.addi %get3A_528, %add3A_1037 : vector<16xi32>
      %gather3A_1039 = tpu.vector_load_idx %arg9[%add3A_1038] : memref<640xf32, #tpu.memory_space<vmem>>[vector<16xi32>], vector<16xf32>,
      %add3A_1040 = arith.addf %add3A_1035, %gather3A_1039 : vector<16xf32>
      %add3A_1041 = arith.constant 380 : i32
      %add3A_1042 = vector.broadcast %add3A_1041 : i32 to vector<16xi32>
      %add3A_1043 = arith.addi %get3A_532, %add3A_1042 : vector<16xi32>
      %gather3A_1044 = tpu.vector_load_idx %arg9[%add3A_1043] : memref<640xf32, #tpu.memory_space<vmem>>[vector<16xi32>], vector<16xf32>,
      %add3A_1045 = arith.addf %add3A_1040, %gather3A_1044 : vector<16xf32>
      %mul3A_1046 = arith.constant 2.500000e-01 : f32
      %mul3A_1047 = vector.broadcast %mul3A_1046 : f32 to vector<16xf32>
      %mul3A_1048 = arith.mulf %add3A_1045, %mul3A_1047 : vector<16xf32>
      %swap3A_1049 = arith.constant 19 : i32
      %swap3A_1050 = arith.index_cast %swap3A_1049 : i32 to index
      %swap3A_1051 = arith.index_cast %mul3A_534 : i32 to index
      %swap3A_1052 = tpu.vector_load %arg11[%swap3A_1050, %swap3A_1051] {strides = array<i32>} : memref<32x512xf32, #tpu.memory_space<vmem>>, vector<16xf32>,
      tpu.vector_store %arg11[%swap3A_1050, %swap3A_1051], %mul3A_1048 {strides = array<i32>} : memref<32x512xf32, #tpu.memory_space<vmem>>, vector<16xf32>,
      %add3A_1053 = arith.constant 400 : i32
      %add3A_1054 = vector.broadcast %add3A_1053 : i32 to vector<16xi32>
      %add3A_1055 = arith.addi %get3A_520, %add3A_1054 : vector<16xi32>
      %gather3A_1056 = tpu.vector_load_idx %arg9[%add3A_1055] : memref<640xf32, #tpu.memory_space<vmem>>[vector<16xi32>], vector<16xf32>,
      %add3A_1057 = arith.constant 400 : i32
      %add3A_1058 = vector.broadcast %add3A_1057 : i32 to vector<16xi32>
      %add3A_1059 = arith.addi %get3A_524, %add3A_1058 : vector<16xi32>
      %gather3A_1060 = tpu.vector_load_idx %arg9[%add3A_1059] : memref<640xf32, #tpu.memory_space<vmem>>[vector<16xi32>], vector<16xf32>,
      %add3A_1061 = arith.addf %gather3A_1056, %gather3A_1060 : vector<16xf32>
      %add3A_1062 = arith.constant 400 : i32
      %add3A_1063 = vector.broadcast %add3A_1062 : i32 to vector<16xi32>
      %add3A_1064 = arith.addi %get3A_528, %add3A_1063 : vector<16xi32>
      %gather3A_1065 = tpu.vector_load_idx %arg9[%add3A_1064] : memref<640xf32, #tpu.memory_space<vmem>>[vector<16xi32>], vector<16xf32>,
      %add3A_1066 = arith.addf %add3A_1061, %gather3A_1065 : vector<16xf32>
      %add3A_1067 = arith.constant 400 : i32
      %add3A_1068 = vector.broadcast %add3A_1067 : i32 to vector<16xi32>
      %add3A_1069 = arith.addi %get3A_532, %add3A_1068 : vector<16xi32>
      %gather3A_1070 = tpu.vector_load_idx %arg9[%add3A_1069] : memref<640xf32, #tpu.memory_space<vmem>>[vector<16xi32>], vector<16xf32>,
      %add3A_1071 = arith.addf %add3A_1066, %gather3A_1070 : vector<16xf32>
      %mul3A_1072 = arith.constant 2.500000e-01 : f32
      %mul3A_1073 = vector.broadcast %mul3A_1072 : f32 to vector<16xf32>
      %mul3A_1074 = arith.mulf %add3A_1071, %mul3A_1073 : vector<16xf32>
      %swap3A_1075 = arith.constant 20 : i32
      %swap3A_1076 = arith.index_cast %swap3A_1075 : i32 to index
      %swap3A_1077 = arith.index_cast %mul3A_534 : i32 to index
      %swap3A_1078 = tpu.vector_load %arg11[%swap3A_1076, %swap3A_1077] {strides = array<i32>} : memref<32x512xf32, #tpu.memory_space<vmem>>, vector<16xf32>,
      tpu.vector_store %arg11[%swap3A_1076, %swap3A_1077], %mul3A_1074 {strides = array<i32>} : memref<32x512xf32, #tpu.memory_space<vmem>>, vector<16xf32>,
      %add3A_1079 = arith.constant 420 : i32
      %add3A_1080 = vector.broadcast %add3A_1079 : i32 to vector<16xi32>
      %add3A_1081 = arith.addi %get3A_520, %add3A_1080 : vector<16xi32>
      %gather3A_1082 = tpu.vector_load_idx %arg9[%add3A_1081] : memref<640xf32, #tpu.memory_space<vmem>>[vector<16xi32>], vector<16xf32>,
      %add3A_1083 = arith.constant 420 : i32
      %add3A_1084 = vector.broadcast %add3A_1083 : i32 to vector<16xi32>
      %add3A_1085 = arith.addi %get3A_524, %add3A_1084 : vector<16xi32>
      %gather3A_1086 = tpu.vector_load_idx %arg9[%add3A_1085] : memref<640xf32, #tpu.memory_space<vmem>>[vector<16xi32>], vector<16xf32>,
      %add3A_1087 = arith.addf %gather3A_1082, %gather3A_1086 : vector<16xf32>
      %add3A_1088 = arith.constant 420 : i32
      %add3A_1089 = vector.broadcast %add3A_1088 : i32 to vector<16xi32>
      %add3A_1090 = arith.addi %get3A_528, %add3A_1089 : vector<16xi32>
      %gather3A_1091 = tpu.vector_load_idx %arg9[%add3A_1090] : memref<640xf32, #tpu.memory_space<vmem>>[vector<16xi32>], vector<16xf32>,
      %add3A_1092 = arith.addf %add3A_1087, %gather3A_1091 : vector<16xf32>
      %add3A_1093 = arith.constant 420 : i32
      %add3A_1094 = vector.broadcast %add3A_1093 : i32 to vector<16xi32>
      %add3A_1095 = arith.addi %get3A_532, %add3A_1094 : vector<16xi32>
      %gather3A_1096 = tpu.vector_load_idx %arg9[%add3A_1095] : memref<640xf32, #tpu.memory_space<vmem>>[vector<16xi32>], vector<16xf32>,
      %add3A_1097 = arith.addf %add3A_1092, %gather3A_1096 : vector<16xf32>
      %mul3A_1098 = arith.constant 2.500000e-01 : f32
      %mul3A_1099 = vector.broadcast %mul3A_1098 : f32 to vector<16xf32>
      %mul3A_1100 = arith.mulf %add3A_1097, %mul3A_1099 : vector<16xf32>
      %swap3A_1101 = arith.constant 21 : i32
      %swap3A_1102 = arith.index_cast %swap3A_1101 : i32 to index
      %swap3A_1103 = arith.index_cast %mul3A_534 : i32 to index
      %swap3A_1104 = tpu.vector_load %arg11[%swap3A_1102, %swap3A_1103] {strides = array<i32>} : memref<32x512xf32, #tpu.memory_space<vmem>>, vector<16xf32>,
      tpu.vector_store %arg11[%swap3A_1102, %swap3A_1103], %mul3A_1100 {strides = array<i32>} : memref<32x512xf32, #tpu.memory_space<vmem>>, vector<16xf32>,
      %add3A_1105 = arith.constant 440 : i32
      %add3A_1106 = vector.broadcast %add3A_1105 : i32 to vector<16xi32>
      %add3A_1107 = arith.addi %get3A_520, %add3A_1106 : vector<16xi32>
      %gather3A_1108 = tpu.vector_load_idx %arg9[%add3A_1107] : memref<640xf32, #tpu.memory_space<vmem>>[vector<16xi32>], vector<16xf32>,
      %add3A_1109 = arith.constant 440 : i32
      %add3A_1110 = vector.broadcast %add3A_1109 : i32 to vector<16xi32>
      %add3A_1111 = arith.addi %get3A_524, %add3A_1110 : vector<16xi32>
      %gather3A_1112 = tpu.vector_load_idx %arg9[%add3A_1111] : memref<640xf32, #tpu.memory_space<vmem>>[vector<16xi32>], vector<16xf32>,
      %add3A_1113 = arith.addf %gather3A_1108, %gather3A_1112 : vector<16xf32>
      %add3A_1114 = arith.constant 440 : i32
      %add3A_1115 = vector.broadcast %add3A_1114 : i32 to vector<16xi32>
      %add3A_1116 = arith.addi %get3A_528, %add3A_1115 : vector<16xi32>
      %gather3A_1117 = tpu.vector_load_idx %arg9[%add3A_1116] : memref<640xf32, #tpu.memory_space<vmem>>[vector<16xi32>], vector<16xf32>,
      %add3A_1118 = arith.addf %add3A_1113, %gather3A_1117 : vector<16xf32>
      %add3A_1119 = arith.constant 440 : i32
      %add3A_1120 = vector.broadcast %add3A_1119 : i32 to vector<16xi32>
      %add3A_1121 = arith.addi %get3A_532, %add3A_1120 : vector<16xi32>
      %gather3A_1122 = tpu.vector_load_idx %arg9[%add3A_1121] : memref<640xf32, #tpu.memory_space<vmem>>[vector<16xi32>], vector<16xf32>,
      %add3A_1123 = arith.addf %add3A_1118, %gather3A_1122 : vector<16xf32>
      %mul3A_1124 = arith.constant 2.500000e-01 : f32
      %mul3A_1125 = vector.broadcast %mul3A_1124 : f32 to vector<16xf32>
      %mul3A_1126 = arith.mulf %add3A_1123, %mul3A_1125 : vector<16xf32>
      %swap3A_1127 = arith.constant 22 : i32
      %swap3A_1128 = arith.index_cast %swap3A_1127 : i32 to index
      %swap3A_1129 = arith.index_cast %mul3A_534 : i32 to index
      %swap3A_1130 = tpu.vector_load %arg11[%swap3A_1128, %swap3A_1129] {strides = array<i32>} : memref<32x512xf32, #tpu.memory_space<vmem>>, vector<16xf32>,
      tpu.vector_store %arg11[%swap3A_1128, %swap3A_1129], %mul3A_1126 {strides = array<i32>} : memref<32x512xf32, #tpu.memory_space<vmem>>, vector<16xf32>,
      %add3A_1131 = arith.constant 460 : i32
      %add3A_1132 = vector.broadcast %add3A_1131 : i32 to vector<16xi32>
      %add3A_1133 = arith.addi %get3A_520, %add3A_1132 : vector<16xi32>
      %gather3A_1134 = tpu.vector_load_idx %arg9[%add3A_1133] : memref<640xf32, #tpu.memory_space<vmem>>[vector<16xi32>], vector<16xf32>,
      %add3A_1135 = arith.constant 460 : i32
      %add3A_1136 = vector.broadcast %add3A_1135 : i32 to vector<16xi32>
      %add3A_1137 = arith.addi %get3A_524, %add3A_1136 : vector<16xi32>
      %gather3A_1138 = tpu.vector_load_idx %arg9[%add3A_1137] : memref<640xf32, #tpu.memory_space<vmem>>[vector<16xi32>], vector<16xf32>,
      %add3A_1139 = arith.addf %gather3A_1134, %gather3A_1138 : vector<16xf32>
      %add3A_1140 = arith.constant 460 : i32
      %add3A_1141 = vector.broadcast %add3A_1140 : i32 to vector<16xi32>
      %add3A_1142 = arith.addi %get3A_528, %add3A_1141 : vector<16xi32>
      %gather3A_1143 = tpu.vector_load_idx %arg9[%add3A_1142] : memref<640xf32, #tpu.memory_space<vmem>>[vector<16xi32>], vector<16xf32>,
      %add3A_1144 = arith.addf %add3A_1139, %gather3A_1143 : vector<16xf32>
      %add3A_1145 = arith.constant 460 : i32
      %add3A_1146 = vector.broadcast %add3A_1145 : i32 to vector<16xi32>
      %add3A_1147 = arith.addi %get3A_532, %add3A_1146 : vector<16xi32>
      %gather3A_1148 = tpu.vector_load_idx %arg9[%add3A_1147] : memref<640xf32, #tpu.memory_space<vmem>>[vector<16xi32>], vector<16xf32>,
      %add3A_1149 = arith.addf %add3A_1144, %gather3A_1148 : vector<16xf32>
      %mul3A_1150 = arith.constant 2.500000e-01 : f32
      %mul3A_1151 = vector.broadcast %mul3A_1150 : f32 to vector<16xf32>
      %mul3A_1152 = arith.mulf %add3A_1149, %mul3A_1151 : vector<16xf32>
      %swap3A_1153 = arith.constant 23 : i32
      %swap3A_1154 = arith.index_cast %swap3A_1153 : i32 to index
      %swap3A_1155 = arith.index_cast %mul3A_534 : i32 to index
      %swap3A_1156 = tpu.vector_load %arg11[%swap3A_1154, %swap3A_1155] {strides = array<i32>} : memref<32x512xf32, #tpu.memory_space<vmem>>, vector<16xf32>,
      tpu.vector_store %arg11[%swap3A_1154, %swap3A_1155], %mul3A_1152 {strides = array<i32>} : memref<32x512xf32, #tpu.memory_space<vmem>>, vector<16xf32>,
      %add3A_1157 = arith.constant 480 : i32
      %add3A_1158 = vector.broadcast %add3A_1157 : i32 to vector<16xi32>
      %add3A_1159 = arith.addi %get3A_520, %add3A_1158 : vector<16xi32>
      %gather3A_1160 = tpu.vector_load_idx %arg9[%add3A_1159] : memref<640xf32, #tpu.memory_space<vmem>>[vector<16xi32>], vector<16xf32>,
      %add3A_1161 = arith.constant 480 : i32
      %add3A_1162 = vector.broadcast %add3A_1161 : i32 to vector<16xi32>
      %add3A_1163 = arith.addi %get3A_524, %add3A_1162 : vector<16xi32>
      %gather3A_1164 = tpu.vector_load_idx %arg9[%add3A_1163] : memref<640xf32, #tpu.memory_space<vmem>>[vector<16xi32>], vector<16xf32>,
      %add3A_1165 = arith.addf %gather3A_1160, %gather3A_1164 : vector<16xf32>
      %add3A_1166 = arith.constant 480 : i32
      %add3A_1167 = vector.broadcast %add3A_1166 : i32 to vector<16xi32>
      %add3A_1168 = arith.addi %get3A_528, %add3A_1167 : vector<16xi32>
      %gather3A_1169 = tpu.vector_load_idx %arg9[%add3A_1168] : memref<640xf32, #tpu.memory_space<vmem>>[vector<16xi32>], vector<16xf32>,
      %add3A_1170 = arith.addf %add3A_1165, %gather3A_1169 : vector<16xf32>
      %add3A_1171 = arith.constant 480 : i32
      %add3A_1172 = vector.broadcast %add3A_1171 : i32 to vector<16xi32>
      %add3A_1173 = arith.addi %get3A_532, %add3A_1172 : vector<16xi32>
      %gather3A_1174 = tpu.vector_load_idx %arg9[%add3A_1173] : memref<640xf32, #tpu.memory_space<vmem>>[vector<16xi32>], vector<16xf32>,
      %add3A_1175 = arith.addf %add3A_1170, %gather3A_1174 : vector<16xf32>
      %mul3A_1176 = arith.constant 2.500000e-01 : f32
      %mul3A_1177 = vector.broadcast %mul3A_1176 : f32 to vector<16xf32>
      %mul3A_1178 = arith.mulf %add3A_1175, %mul3A_1177 : vector<16xf32>
      %swap3A_1179 = arith.constant 24 : i32
      %swap3A_1180 = arith.index_cast %swap3A_1179 : i32 to index
      %swap3A_1181 = arith.index_cast %mul3A_534 : i32 to index
      %swap3A_1182 = tpu.vector_load %arg11[%swap3A_1180, %swap3A_1181] {strides = array<i32>} : memref<32x512xf32, #tpu.memory_space<vmem>>, vector<16xf32>,
      tpu.vector_store %arg11[%swap3A_1180, %swap3A_1181], %mul3A_1178 {strides = array<i32>} : memref<32x512xf32, #tpu.memory_space<vmem>>, vector<16xf32>,
      %add3A_1183 = arith.constant 500 : i32
      %add3A_1184 = vector.broadcast %add3A_1183 : i32 to vector<16xi32>
      %add3A_1185 = arith.addi %get3A_520, %add3A_1184 : vector<16xi32>
      %gather3A_1186 = tpu.vector_load_idx %arg9[%add3A_1185] : memref<640xf32, #tpu.memory_space<vmem>>[vector<16xi32>], vector<16xf32>,
      %add3A_1187 = arith.constant 500 : i32
      %add3A_1188 = vector.broadcast %add3A_1187 : i32 to vector<16xi32>
      %add3A_1189 = arith.addi %get3A_524, %add3A_1188 : vector<16xi32>
      %gather3A_1190 = tpu.vector_load_idx %arg9[%add3A_1189] : memref<640xf32, #tpu.memory_space<vmem>>[vector<16xi32>], vector<16xf32>,
      %add3A_1191 = arith.addf %gather3A_1186, %gather3A_1190 : vector<16xf32>
      %add3A_1192 = arith.constant 500 : i32
      %add3A_1193 = vector.broadcast %add3A_1192 : i32 to vector<16xi32>
      %add3A_1194 = arith.addi %get3A_528, %add3A_1193 : vector<16xi32>
      %gather3A_1195 = tpu.vector_load_idx %arg9[%add3A_1194] : memref<640xf32, #tpu.memory_space<vmem>>[vector<16xi32>], vector<16xf32>,
      %add3A_1196 = arith.addf %add3A_1191, %gather3A_1195 : vector<16xf32>
      %add3A_1197 = arith.constant 500 : i32
      %add3A_1198 = vector.broadcast %add3A_1197 : i32 to vector<16xi32>
      %add3A_1199 = arith.addi %get3A_532, %add3A_1198 : vector<16xi32>
      %gather3A_1200 = tpu.vector_load_idx %arg9[%add3A_1199] : memref<640xf32, #tpu.memory_space<vmem>>[vector<16xi32>], vector<16xf32>,
      %add3A_1201 = arith.addf %add3A_1196, %gather3A_1200 : vector<16xf32>
      %mul3A_1202 = arith.constant 2.500000e-01 : f32
      %mul3A_1203 = vector.broadcast %mul3A_1202 : f32 to vector<16xf32>
      %mul3A_1204 = arith.mulf %add3A_1201, %mul3A_1203 : vector<16xf32>
      %swap3A_1205 = arith.constant 25 : i32
      %swap3A_1206 = arith.index_cast %swap3A_1205 : i32 to index
      %swap3A_1207 = arith.index_cast %mul3A_534 : i32 to index
      %swap3A_1208 = tpu.vector_load %arg11[%swap3A_1206, %swap3A_1207] {strides = array<i32>} : memref<32x512xf32, #tpu.memory_space<vmem>>, vector<16xf32>,
      tpu.vector_store %arg11[%swap3A_1206, %swap3A_1207], %mul3A_1204 {strides = array<i32>} : memref<32x512xf32, #tpu.memory_space<vmem>>, vector<16xf32>,
      %add3A_1209 = arith.constant 520 : i32
      %add3A_1210 = vector.broadcast %add3A_1209 : i32 to vector<16xi32>
      %add3A_1211 = arith.addi %get3A_520, %add3A_1210 : vector<16xi32>
      %gather3A_1212 = tpu.vector_load_idx %arg9[%add3A_1211] : memref<640xf32, #tpu.memory_space<vmem>>[vector<16xi32>], vector<16xf32>,
      %add3A_1213 = arith.constant 520 : i32
      %add3A_1214 = vector.broadcast %add3A_1213 : i32 to vector<16xi32>
      %add3A_1215 = arith.addi %get3A_524, %add3A_1214 : vector<16xi32>
      %gather3A_1216 = tpu.vector_load_idx %arg9[%add3A_1215] : memref<640xf32, #tpu.memory_space<vmem>>[vector<16xi32>], vector<16xf32>,
      %add3A_1217 = arith.addf %gather3A_1212, %gather3A_1216 : vector<16xf32>
      %add3A_1218 = arith.constant 520 : i32
      %add3A_1219 = vector.broadcast %add3A_1218 : i32 to vector<16xi32>
      %add3A_1220 = arith.addi %get3A_528, %add3A_1219 : vector<16xi32>
      %gather3A_1221 = tpu.vector_load_idx %arg9[%add3A_1220] : memref<640xf32, #tpu.memory_space<vmem>>[vector<16xi32>], vector<16xf32>,
      %add3A_1222 = arith.addf %add3A_1217, %gather3A_1221 : vector<16xf32>
      %add3A_1223 = arith.constant 520 : i32
      %add3A_1224 = vector.broadcast %add3A_1223 : i32 to vector<16xi32>
      %add3A_1225 = arith.addi %get3A_532, %add3A_1224 : vector<16xi32>
      %gather3A_1226 = tpu.vector_load_idx %arg9[%add3A_1225] : memref<640xf32, #tpu.memory_space<vmem>>[vector<16xi32>], vector<16xf32>,
      %add3A_1227 = arith.addf %add3A_1222, %gather3A_1226 : vector<16xf32>
      %mul3A_1228 = arith.constant 2.500000e-01 : f32
      %mul3A_1229 = vector.broadcast %mul3A_1228 : f32 to vector<16xf32>
      %mul3A_1230 = arith.mulf %add3A_1227, %mul3A_1229 : vector<16xf32>
      %swap3A_1231 = arith.constant 26 : i32
      %swap3A_1232 = arith.index_cast %swap3A_1231 : i32 to index
      %swap3A_1233 = arith.index_cast %mul3A_534 : i32 to index
      %swap3A_1234 = tpu.vector_load %arg11[%swap3A_1232, %swap3A_1233] {strides = array<i32>} : memref<32x512xf32, #tpu.memory_space<vmem>>, vector<16xf32>,
      tpu.vector_store %arg11[%swap3A_1232, %swap3A_1233], %mul3A_1230 {strides = array<i32>} : memref<32x512xf32, #tpu.memory_space<vmem>>, vector<16xf32>,
      %add3A_1235 = arith.constant 540 : i32
      %add3A_1236 = vector.broadcast %add3A_1235 : i32 to vector<16xi32>
      %add3A_1237 = arith.addi %get3A_520, %add3A_1236 : vector<16xi32>
      %gather3A_1238 = tpu.vector_load_idx %arg9[%add3A_1237] : memref<640xf32, #tpu.memory_space<vmem>>[vector<16xi32>], vector<16xf32>,
      %add3A_1239 = arith.constant 540 : i32
      %add3A_1240 = vector.broadcast %add3A_1239 : i32 to vector<16xi32>
      %add3A_1241 = arith.addi %get3A_524, %add3A_1240 : vector<16xi32>
      %gather3A_1242 = tpu.vector_load_idx %arg9[%add3A_1241] : memref<640xf32, #tpu.memory_space<vmem>>[vector<16xi32>], vector<16xf32>,
      %add3A_1243 = arith.addf %gather3A_1238, %gather3A_1242 : vector<16xf32>
      %add3A_1244 = arith.constant 540 : i32
      %add3A_1245 = vector.broadcast %add3A_1244 : i32 to vector<16xi32>
      %add3A_1246 = arith.addi %get3A_528, %add3A_1245 : vector<16xi32>
      %gather3A_1247 = tpu.vector_load_idx %arg9[%add3A_1246] : memref<640xf32, #tpu.memory_space<vmem>>[vector<16xi32>], vector<16xf32>,
      %add3A_1248 = arith.addf %add3A_1243, %gather3A_1247 : vector<16xf32>
      %add3A_1249 = arith.constant 540 : i32
      %add3A_1250 = vector.broadcast %add3A_1249 : i32 to vector<16xi32>
      %add3A_1251 = arith.addi %get3A_532, %add3A_1250 : vector<16xi32>
      %gather3A_1252 = tpu.vector_load_idx %arg9[%add3A_1251] : memref<640xf32, #tpu.memory_space<vmem>>[vector<16xi32>], vector<16xf32>,
      %add3A_1253 = arith.addf %add3A_1248, %gather3A_1252 : vector<16xf32>
      %mul3A_1254 = arith.constant 2.500000e-01 : f32
      %mul3A_1255 = vector.broadcast %mul3A_1254 : f32 to vector<16xf32>
      %mul3A_1256 = arith.mulf %add3A_1253, %mul3A_1255 : vector<16xf32>
      %swap3A_1257 = arith.constant 27 : i32
      %swap3A_1258 = arith.index_cast %swap3A_1257 : i32 to index
      %swap3A_1259 = arith.index_cast %mul3A_534 : i32 to index
      %swap3A_1260 = tpu.vector_load %arg11[%swap3A_1258, %swap3A_1259] {strides = array<i32>} : memref<32x512xf32, #tpu.memory_space<vmem>>, vector<16xf32>,
      tpu.vector_store %arg11[%swap3A_1258, %swap3A_1259], %mul3A_1256 {strides = array<i32>} : memref<32x512xf32, #tpu.memory_space<vmem>>, vector<16xf32>,
      %add3A_1261 = arith.constant 560 : i32
      %add3A_1262 = vector.broadcast %add3A_1261 : i32 to vector<16xi32>
      %add3A_1263 = arith.addi %get3A_520, %add3A_1262 : vector<16xi32>
      %gather3A_1264 = tpu.vector_load_idx %arg9[%add3A_1263] : memref<640xf32, #tpu.memory_space<vmem>>[vector<16xi32>], vector<16xf32>,
      %add3A_1265 = arith.constant 560 : i32
      %add3A_1266 = vector.broadcast %add3A_1265 : i32 to vector<16xi32>
      %add3A_1267 = arith.addi %get3A_524, %add3A_1266 : vector<16xi32>
      %gather3A_1268 = tpu.vector_load_idx %arg9[%add3A_1267] : memref<640xf32, #tpu.memory_space<vmem>>[vector<16xi32>], vector<16xf32>,
      %add3A_1269 = arith.addf %gather3A_1264, %gather3A_1268 : vector<16xf32>
      %add3A_1270 = arith.constant 560 : i32
      %add3A_1271 = vector.broadcast %add3A_1270 : i32 to vector<16xi32>
      %add3A_1272 = arith.addi %get3A_528, %add3A_1271 : vector<16xi32>
      %gather3A_1273 = tpu.vector_load_idx %arg9[%add3A_1272] : memref<640xf32, #tpu.memory_space<vmem>>[vector<16xi32>], vector<16xf32>,
      %add3A_1274 = arith.addf %add3A_1269, %gather3A_1273 : vector<16xf32>
      %add3A_1275 = arith.constant 560 : i32
      %add3A_1276 = vector.broadcast %add3A_1275 : i32 to vector<16xi32>
      %add3A_1277 = arith.addi %get3A_532, %add3A_1276 : vector<16xi32>
      %gather3A_1278 = tpu.vector_load_idx %arg9[%add3A_1277] : memref<640xf32, #tpu.memory_space<vmem>>[vector<16xi32>], vector<16xf32>,
      %add3A_1279 = arith.addf %add3A_1274, %gather3A_1278 : vector<16xf32>
      %mul3A_1280 = arith.constant 2.500000e-01 : f32
      %mul3A_1281 = vector.broadcast %mul3A_1280 : f32 to vector<16xf32>
      %mul3A_1282 = arith.mulf %add3A_1279, %mul3A_1281 : vector<16xf32>
      %swap3A_1283 = arith.constant 28 : i32
      %swap3A_1284 = arith.index_cast %swap3A_1283 : i32 to index
      %swap3A_1285 = arith.index_cast %mul3A_534 : i32 to index
      %swap3A_1286 = tpu.vector_load %arg11[%swap3A_1284, %swap3A_1285] {strides = array<i32>} : memref<32x512xf32, #tpu.memory_space<vmem>>, vector<16xf32>,
      tpu.vector_store %arg11[%swap3A_1284, %swap3A_1285], %mul3A_1282 {strides = array<i32>} : memref<32x512xf32, #tpu.memory_space<vmem>>, vector<16xf32>,
      %add3A_1287 = arith.constant 580 : i32
      %add3A_1288 = vector.broadcast %add3A_1287 : i32 to vector<16xi32>
      %add3A_1289 = arith.addi %get3A_520, %add3A_1288 : vector<16xi32>
      %gather3A_1290 = tpu.vector_load_idx %arg9[%add3A_1289] : memref<640xf32, #tpu.memory_space<vmem>>[vector<16xi32>], vector<16xf32>,
      %add3A_1291 = arith.constant 580 : i32
      %add3A_1292 = vector.broadcast %add3A_1291 : i32 to vector<16xi32>
      %add3A_1293 = arith.addi %get3A_524, %add3A_1292 : vector<16xi32>
      %gather3A_1294 = tpu.vector_load_idx %arg9[%add3A_1293] : memref<640xf32, #tpu.memory_space<vmem>>[vector<16xi32>], vector<16xf32>,
      %add3A_1295 = arith.addf %gather3A_1290, %gather3A_1294 : vector<16xf32>
      %add3A_1296 = arith.constant 580 : i32
      %add3A_1297 = vector.broadcast %add3A_1296 : i32 to vector<16xi32>
      %add3A_1298 = arith.addi %get3A_528, %add3A_1297 : vector<16xi32>
      %gather3A_1299 = tpu.vector_load_idx %arg9[%add3A_1298] : memref<640xf32, #tpu.memory_space<vmem>>[vector<16xi32>], vector<16xf32>,
      %add3A_1300 = arith.addf %add3A_1295, %gather3A_1299 : vector<16xf32>
      %add3A_1301 = arith.constant 580 : i32
      %add3A_1302 = vector.broadcast %add3A_1301 : i32 to vector<16xi32>
      %add3A_1303 = arith.addi %get3A_532, %add3A_1302 : vector<16xi32>
      %gather3A_1304 = tpu.vector_load_idx %arg9[%add3A_1303] : memref<640xf32, #tpu.memory_space<vmem>>[vector<16xi32>], vector<16xf32>,
      %add3A_1305 = arith.addf %add3A_1300, %gather3A_1304 : vector<16xf32>
      %mul3A_1306 = arith.constant 2.500000e-01 : f32
      %mul3A_1307 = vector.broadcast %mul3A_1306 : f32 to vector<16xf32>
      %mul3A_1308 = arith.mulf %add3A_1305, %mul3A_1307 : vector<16xf32>
      %swap3A_1309 = arith.constant 29 : i32
      %swap3A_1310 = arith.index_cast %swap3A_1309 : i32 to index
      %swap3A_1311 = arith.index_cast %mul3A_534 : i32 to index
      %swap3A_1312 = tpu.vector_load %arg11[%swap3A_1310, %swap3A_1311] {strides = array<i32>} : memref<32x512xf32, #tpu.memory_space<vmem>>, vector<16xf32>,
      tpu.vector_store %arg11[%swap3A_1310, %swap3A_1311], %mul3A_1308 {strides = array<i32>} : memref<32x512xf32, #tpu.memory_space<vmem>>, vector<16xf32>,
      %add3A_1313 = arith.constant 600 : i32
      %add3A_1314 = vector.broadcast %add3A_1313 : i32 to vector<16xi32>
      %add3A_1315 = arith.addi %get3A_520, %add3A_1314 : vector<16xi32>
      %gather3A_1316 = tpu.vector_load_idx %arg9[%add3A_1315] : memref<640xf32, #tpu.memory_space<vmem>>[vector<16xi32>], vector<16xf32>,
      %add3A_1317 = arith.constant 600 : i32
      %add3A_1318 = vector.broadcast %add3A_1317 : i32 to vector<16xi32>
      %add3A_1319 = arith.addi %get3A_524, %add3A_1318 : vector<16xi32>
      %gather3A_1320 = tpu.vector_load_idx %arg9[%add3A_1319] : memref<640xf32, #tpu.memory_space<vmem>>[vector<16xi32>], vector<16xf32>,
      %add3A_1321 = arith.addf %gather3A_1316, %gather3A_1320 : vector<16xf32>
      %add3A_1322 = arith.constant 600 : i32
      %add3A_1323 = vector.broadcast %add3A_1322 : i32 to vector<16xi32>
      %add3A_1324 = arith.addi %get3A_528, %add3A_1323 : vector<16xi32>
      %gather3A_1325 = tpu.vector_load_idx %arg9[%add3A_1324] : memref<640xf32, #tpu.memory_space<vmem>>[vector<16xi32>], vector<16xf32>,
      %add3A_1326 = arith.addf %add3A_1321, %gather3A_1325 : vector<16xf32>
      %add3A_1327 = arith.constant 600 : i32
      %add3A_1328 = vector.broadcast %add3A_1327 : i32 to vector<16xi32>
      %add3A_1329 = arith.addi %get3A_532, %add3A_1328 : vector<16xi32>
      %gather3A_1330 = tpu.vector_load_idx %arg9[%add3A_1329] : memref<640xf32, #tpu.memory_space<vmem>>[vector<16xi32>], vector<16xf32>,
      %add3A_1331 = arith.addf %add3A_1326, %gather3A_1330 : vector<16xf32>
      %mul3A_1332 = arith.constant 2.500000e-01 : f32
      %mul3A_1333 = vector.broadcast %mul3A_1332 : f32 to vector<16xf32>
      %mul3A_1334 = arith.mulf %add3A_1331, %mul3A_1333 : vector<16xf32>
      %swap3A_1335 = arith.constant 30 : i32
      %swap3A_1336 = arith.index_cast %swap3A_1335 : i32 to index
      %swap3A_1337 = arith.index_cast %mul3A_534 : i32 to index
      %swap3A_1338 = tpu.vector_load %arg11[%swap3A_1336, %swap3A_1337] {strides = array<i32>} : memref<32x512xf32, #tpu.memory_space<vmem>>, vector<16xf32>,
      tpu.vector_store %arg11[%swap3A_1336, %swap3A_1337], %mul3A_1334 {strides = array<i32>} : memref<32x512xf32, #tpu.memory_space<vmem>>, vector<16xf32>,
      %add3A_1339 = arith.constant 620 : i32
      %add3A_1340 = vector.broadcast %add3A_1339 : i32 to vector<16xi32>
      %add3A_1341 = arith.addi %get3A_520, %add3A_1340 : vector<16xi32>
      %gather3A_1342 = tpu.vector_load_idx %arg9[%add3A_1341] : memref<640xf32, #tpu.memory_space<vmem>>[vector<16xi32>], vector<16xf32>,
      %add3A_1343 = arith.constant 620 : i32
      %add3A_1344 = vector.broadcast %add3A_1343 : i32 to vector<16xi32>
      %add3A_1345 = arith.addi %get3A_524, %add3A_1344 : vector<16xi32>
      %gather3A_1346 = tpu.vector_load_idx %arg9[%add3A_1345] : memref<640xf32, #tpu.memory_space<vmem>>[vector<16xi32>], vector<16xf32>,
      %add3A_1347 = arith.addf %gather3A_1342, %gather3A_1346 : vector<16xf32>
      %add3A_1348 = arith.constant 620 : i32
      %add3A_1349 = vector.broadcast %add3A_1348 : i32 to vector<16xi32>
      %add3A_1350 = arith.addi %get3A_528, %add3A_1349 : vector<16xi32>
      %gather3A_1351 = tpu.vector_load_idx %arg9[%add3A_1350] : memref<640xf32, #tpu.memory_space<vmem>>[vector<16xi32>], vector<16xf32>,
      %add3A_1352 = arith.addf %add3A_1347, %gather3A_1351 : vector<16xf32>
      %add3A_1353 = arith.constant 620 : i32
      %add3A_1354 = vector.broadcast %add3A_1353 : i32 to vector<16xi32>
      %add3A_1355 = arith.addi %get3A_532, %add3A_1354 : vector<16xi32>
      %gather3A_1356 = tpu.vector_load_idx %arg9[%add3A_1355] : memref<640xf32, #tpu.memory_space<vmem>>[vector<16xi32>], vector<16xf32>,
      %add3A_1357 = arith.addf %add3A_1352, %gather3A_1356 : vector<16xf32>
      %mul3A_1358 = arith.constant 2.500000e-01 : f32
      %mul3A_1359 = vector.broadcast %mul3A_1358 : f32 to vector<16xf32>
      %mul3A_1360 = arith.mulf %add3A_1357, %mul3A_1359 : vector<16xf32>
      %swap3A_1361 = arith.constant 31 : i32
      %swap3A_1362 = arith.index_cast %swap3A_1361 : i32 to index
      %swap3A_1363 = arith.index_cast %mul3A_534 : i32 to index
      %swap3A_1364 = tpu.vector_load %arg11[%swap3A_1362, %swap3A_1363] {strides = array<i32>} : memref<32x512xf32, #tpu.memory_space<vmem>>, vector<16xf32>,
      tpu.vector_store %arg11[%swap3A_1362, %swap3A_1363], %mul3A_1360 {strides = array<i32>} : memref<32x512xf32, #tpu.memory_space<vmem>>, vector<16xf32>,
    }
    %scan3A_37 = arith.constant 32 : i32
    %dma_start3A_38 = arith.constant 32 : i32
    %dma_start3A_39 = tpu.memref_slice %arg7[%dma_start3A_38, %mul3A_30] : memref<64x16384xf32, #tpu.memory_space<hbm>> -> memref<32x512xf32, #tpu.memory_space<hbm>>
    %dma_start3A_40 = arith.constant 32 : i32
    %dma_start3A_41 = tpu.memref_slice %arg7[%dma_start3A_40, %mul3A_30] : memref<64x16384xf32, #tpu.memory_space<hbm>> -> memref<32x512xf32, #tpu.memory_space<hbm>>
    tpu.enqueue_dma source(%arg11 : memref<32x512xf32, #tpu.memory_space<vmem>>) target(%dma_start3A_41 : memref<32x512xf32, #tpu.memory_space<hbm>>) target_semaphore(%arg16 : memref<!tpu.dma_semaphore, #tpu.memory_space<semaphore_mem>>)
    %dma_wait3A = arith.constant 0 : i32
    %dma_wait3A_42 = tpu.memref_slice %arg8[%dma_wait3A] : memref<100008xf32, #tpu.memory_space<vmem>> -> memref<99968xf32, #tpu.memory_space<vmem>>
    %dma_wait3A_43 = arith.constant 0 : i32
    %dma_wait3A_44 = tpu.memref_slice %arg4[%add3A, %dma_wait3A_43] : memref<32x100001xf32, #tpu.memory_space<hbm>> -> memref<1x99968xf32, #tpu.memory_space<hbm>>
    %dma_wait3A_45 = tpu.memref_squeeze %dma_wait3A_44 : memref<1x99968xf32, #tpu.memory_space<hbm>> -> memref<99968xf32, #tpu.memory_space<hbm>>
    %dma_wait3A_46 = arith.constant 0 : i32
    %dma_wait3A_47 = tpu.memref_slice %arg8[%dma_wait3A_46] : memref<100008xf32, #tpu.memory_space<vmem>> -> memref<99968xf32, #tpu.memory_space<vmem>>
    %dma_wait3A_48 = arith.constant 0 : i32
    %dma_wait3A_49 = tpu.memref_slice %arg4[%add3A, %dma_wait3A_48] : memref<32x100001xf32, #tpu.memory_space<hbm>> -> memref<1x99968xf32, #tpu.memory_space<hbm>>
    %dma_wait3A_50 = tpu.memref_squeeze %dma_wait3A_49 : memref<1x99968xf32, #tpu.memory_space<hbm>> -> memref<99968xf32, #tpu.memory_space<hbm>>
    tpu.wait_dma2 semaphore(%arg14 : memref<!tpu.dma_semaphore, #tpu.memory_space<semaphore_mem>>) src(%dma_wait3A_50 : memref<99968xf32, #tpu.memory_space<hbm>>) dst(%dma_wait3A_47 : memref<99968xf32, #tpu.memory_space<vmem>>)
    %dma_wait3A_51 = arith.constant 99968 : i32
    %dma_wait3A_52 = tpu.memref_slice %arg8[%dma_wait3A_51] : memref<100008xf32, #tpu.memory_space<vmem>> -> memref<40xf32, #tpu.memory_space<vmem>>
    %dma_wait3A_53 = tpu.memref_slice %arg6[%mul3A_11] : memref<1280xf32, #tpu.memory_space<hbm>> -> memref<40xf32, #tpu.memory_space<hbm>>
    %dma_wait3A_54 = arith.constant 99968 : i32
    %dma_wait3A_55 = tpu.memref_slice %arg8[%dma_wait3A_54] : memref<100008xf32, #tpu.memory_space<vmem>> -> memref<40xf32, #tpu.memory_space<vmem>>
    %dma_wait3A_56 = tpu.memref_slice %arg6[%mul3A_11] : memref<1280xf32, #tpu.memory_space<hbm>> -> memref<40xf32, #tpu.memory_space<hbm>>
    tpu.wait_dma2 semaphore(%arg14 : memref<!tpu.dma_semaphore, #tpu.memory_space<semaphore_mem>>) src(%dma_wait3A_56 : memref<40xf32, #tpu.memory_space<hbm>>) dst(%dma_wait3A_55 : memref<40xf32, #tpu.memory_space<vmem>>)
    %dma_wait3A_57 = arith.constant 0 : i32
    %dma_wait3A_58 = arith.constant 0 : i32
    %dma_wait3A_59 = tpu.memref_slice %arg12[%dma_wait3A_57, %dma_wait3A_58] : memref<2x2048xi32, #tpu.memory_space<vmem>> -> memref<1x2048xi32, #tpu.memory_space<vmem>>
    %dma_wait3A_60 = tpu.memref_squeeze %dma_wait3A_59 : memref<1x2048xi32, #tpu.memory_space<vmem>> -> memref<2048xi32, #tpu.memory_space<vmem>>
    %dma_wait3A_61 = arith.constant 0 : i32
    %dma_wait3A_62 = tpu.memref_slice %arg2[%dma_wait3A_61] : memref<16384xi32, #tpu.memory_space<hbm>> -> memref<2048xi32, #tpu.memory_space<hbm>>
    %dma_wait3A_63 = arith.constant 0 : i32
    %dma_wait3A_64 = tpu.memref_slice %arg12[%dma_wait3A_57, %dma_wait3A_63] : memref<2x2048xi32, #tpu.memory_space<vmem>> -> memref<1x2048xi32, #tpu.memory_space<vmem>>
    %dma_wait3A_65 = tpu.memref_squeeze %dma_wait3A_64 : memref<1x2048xi32, #tpu.memory_space<vmem>> -> memref<2048xi32, #tpu.memory_space<vmem>>
    %dma_wait3A_66 = arith.constant 0 : i32
    %dma_wait3A_67 = tpu.memref_slice %arg2[%dma_wait3A_66] : memref<16384xi32, #tpu.memory_space<hbm>> -> memref<2048xi32, #tpu.memory_space<hbm>>
    tpu.wait_dma2 semaphore(%arg15 : memref<!tpu.dma_semaphore, #tpu.memory_space<semaphore_mem>>) src(%dma_wait3A_67 : memref<2048xi32, #tpu.memory_space<hbm>>) dst(%dma_wait3A_65 : memref<2048xi32, #tpu.memory_space<vmem>>)
    %dma_start3A_68 = arith.constant 1 : i32
    %dma_start3A_69 = arith.constant 0 : i32
    %dma_start3A_70 = tpu.memref_slice %arg12[%dma_start3A_68, %dma_start3A_69] : memref<2x2048xi32, #tpu.memory_space<vmem>> -> memref<1x2048xi32, #tpu.memory_space<vmem>>
    %dma_start3A_71 = tpu.memref_squeeze %dma_start3A_70 : memref<1x2048xi32, #tpu.memory_space<vmem>> -> memref<2048xi32, #tpu.memory_space<vmem>>
    %dma_start3A_72 = arith.constant 2048 : i32
    %dma_start3A_73 = tpu.memref_slice %arg2[%dma_start3A_72] : memref<16384xi32, #tpu.memory_space<hbm>> -> memref<2048xi32, #tpu.memory_space<hbm>>
    %dma_start3A_74 = arith.constant 0 : i32
    %dma_start3A_75 = tpu.memref_slice %arg12[%dma_start3A_68, %dma_start3A_74] : memref<2x2048xi32, #tpu.memory_space<vmem>> -> memref<1x2048xi32, #tpu.memory_space<vmem>>
    %dma_start3A_76 = tpu.memref_squeeze %dma_start3A_75 : memref<1x2048xi32, #tpu.memory_space<vmem>> -> memref<2048xi32, #tpu.memory_space<vmem>>
    %dma_start3A_77 = arith.constant 2048 : i32
    %dma_start3A_78 = tpu.memref_slice %arg2[%dma_start3A_77] : memref<16384xi32, #tpu.memory_space<hbm>> -> memref<2048xi32, #tpu.memory_space<hbm>>
    tpu.enqueue_dma source(%dma_start3A_78 : memref<2048xi32, #tpu.memory_space<hbm>>) target(%dma_start3A_76 : memref<2048xi32, #tpu.memory_space<vmem>>) target_semaphore(%arg15 : memref<!tpu.dma_semaphore, #tpu.memory_space<semaphore_mem>>)
    %scan3A_79 = arith.constant 0 : i32
    %scan3A_80 = arith.constant 0 : i32
    %scan3A_81 = arith.constant 128 : i32
    %scan3A_82 = arith.addi %scan3A_80, %scan3A_81 : i32
    %scan3A_83 = arith.constant 1 : i32
    scf.for %scan3A_482 = %scan3A_80 to %scan3A_82 step %scan3A_83  : i32 {
      %mul3A_483 = arith.constant 16 : i32
      %mul3A_484 = arith.muli %scan3A_482, %mul3A_483 : i32
      %get3A = arith.constant 0 : i32
      %get3A_485 = arith.index_cast %get3A : i32 to index
      %get3A_486 = arith.index_cast %mul3A_484 : i32 to index
      %get3A_487 = tpu.vector_load %arg12[%get3A_485, %get3A_486] {strides = array<i32>} : memref<2x2048xi32, #tpu.memory_space<vmem>>, vector<16xi32>,
      %gather3A = tpu.vector_load_idx %arg8[%get3A_487] : memref<100008xf32, #tpu.memory_space<vmem>>[vector<16xi32>], vector<16xf32>,
      %swap3A = arith.constant 0 : i32
      %swap3A_488 = arith.index_cast %swap3A : i32 to index
      %swap3A_489 = arith.index_cast %mul3A_484 : i32 to index
      %swap3A_490 = tpu.vector_load %arg13[%swap3A_488, %swap3A_489] {strides = array<i32>} : memref<2x2048xf32, #tpu.memory_space<vmem>>, vector<16xf32>,
      tpu.vector_store %arg13[%swap3A_488, %swap3A_489], %gather3A {strides = array<i32>} : memref<2x2048xf32, #tpu.memory_space<vmem>>, vector<16xf32>,
    }
    %scan3A_84 = arith.constant 128 : i32
    %dma_start3A_85 = arith.constant 0 : i32
    %dma_start3A_86 = arith.constant 0 : i32
    %dma_start3A_87 = tpu.memref_slice %arg13[%dma_start3A_85, %dma_start3A_86] : memref<2x2048xf32, #tpu.memory_space<vmem>> -> memref<1x2048xf32, #tpu.memory_space<vmem>>
    %dma_start3A_88 = tpu.memref_squeeze %dma_start3A_87 : memref<1x2048xf32, #tpu.memory_space<vmem>> -> memref<2048xf32, #tpu.memory_space<vmem>>
    %dma_start3A_89 = arith.constant 0 : i32
    %dma_start3A_90 = tpu.memref_slice %arg7[%add3A, %dma_start3A_89] : memref<64x16384xf32, #tpu.memory_space<hbm>> -> memref<1x2048xf32, #tpu.memory_space<hbm>>
    %dma_start3A_91 = tpu.memref_squeeze %dma_start3A_90 : memref<1x2048xf32, #tpu.memory_space<hbm>> -> memref<2048xf32, #tpu.memory_space<hbm>>
    %dma_start3A_92 = arith.constant 0 : i32
    %dma_start3A_93 = tpu.memref_slice %arg7[%add3A, %dma_start3A_92] : memref<64x16384xf32, #tpu.memory_space<hbm>> -> memref<1x2048xf32, #tpu.memory_space<hbm>>
    %dma_start3A_94 = tpu.memref_squeeze %dma_start3A_93 : memref<1x2048xf32, #tpu.memory_space<hbm>> -> memref<2048xf32, #tpu.memory_space<hbm>>
    %dma_start3A_95 = arith.constant 0 : i32
    %dma_start3A_96 = tpu.memref_slice %arg13[%dma_start3A_85, %dma_start3A_95] : memref<2x2048xf32, #tpu.memory_space<vmem>> -> memref<1x2048xf32, #tpu.memory_space<vmem>>
    %dma_start3A_97 = tpu.memref_squeeze %dma_start3A_96 : memref<1x2048xf32, #tpu.memory_space<vmem>> -> memref<2048xf32, #tpu.memory_space<vmem>>
    tpu.enqueue_dma source(%dma_start3A_97 : memref<2048xf32, #tpu.memory_space<vmem>>) target(%dma_start3A_94 : memref<2048xf32, #tpu.memory_space<hbm>>) target_semaphore(%arg16 : memref<!tpu.dma_semaphore, #tpu.memory_space<semaphore_mem>>)
    %dma_wait3A_98 = arith.constant 1 : i32
    %dma_wait3A_99 = arith.constant 0 : i32
    %dma_wait3A_100 = tpu.memref_slice %arg12[%dma_wait3A_98, %dma_wait3A_99] : memref<2x2048xi32, #tpu.memory_space<vmem>> -> memref<1x2048xi32, #tpu.memory_space<vmem>>
    %dma_wait3A_101 = tpu.memref_squeeze %dma_wait3A_100 : memref<1x2048xi32, #tpu.memory_space<vmem>> -> memref<2048xi32, #tpu.memory_space<vmem>>
    %dma_wait3A_102 = arith.constant 2048 : i32
    %dma_wait3A_103 = tpu.memref_slice %arg2[%dma_wait3A_102] : memref<16384xi32, #tpu.memory_space<hbm>> -> memref<2048xi32, #tpu.memory_space<hbm>>
    %dma_wait3A_104 = arith.constant 0 : i32
    %dma_wait3A_105 = tpu.memref_slice %arg12[%dma_wait3A_98, %dma_wait3A_104] : memref<2x2048xi32, #tpu.memory_space<vmem>> -> memref<1x2048xi32, #tpu.memory_space<vmem>>
    %dma_wait3A_106 = tpu.memref_squeeze %dma_wait3A_105 : memref<1x2048xi32, #tpu.memory_space<vmem>> -> memref<2048xi32, #tpu.memory_space<vmem>>
    %dma_wait3A_107 = arith.constant 2048 : i32
    %dma_wait3A_108 = tpu.memref_slice %arg2[%dma_wait3A_107] : memref<16384xi32, #tpu.memory_space<hbm>> -> memref<2048xi32, #tpu.memory_space<hbm>>
    tpu.wait_dma2 semaphore(%arg15 : memref<!tpu.dma_semaphore, #tpu.memory_space<semaphore_mem>>) src(%dma_wait3A_108 : memref<2048xi32, #tpu.memory_space<hbm>>) dst(%dma_wait3A_106 : memref<2048xi32, #tpu.memory_space<vmem>>)
    %dma_start3A_109 = arith.constant 0 : i32
    %dma_start3A_110 = arith.constant 0 : i32
    %dma_start3A_111 = tpu.memref_slice %arg12[%dma_start3A_109, %dma_start3A_110] : memref<2x2048xi32, #tpu.memory_space<vmem>> -> memref<1x2048xi32, #tpu.memory_space<vmem>>
    %dma_start3A_112 = tpu.memref_squeeze %dma_start3A_111 : memref<1x2048xi32, #tpu.memory_space<vmem>> -> memref<2048xi32, #tpu.memory_space<vmem>>
    %dma_start3A_113 = arith.constant 4096 : i32
    %dma_start3A_114 = tpu.memref_slice %arg2[%dma_start3A_113] : memref<16384xi32, #tpu.memory_space<hbm>> -> memref<2048xi32, #tpu.memory_space<hbm>>
    %dma_start3A_115 = arith.constant 0 : i32
    %dma_start3A_116 = tpu.memref_slice %arg12[%dma_start3A_109, %dma_start3A_115] : memref<2x2048xi32, #tpu.memory_space<vmem>> -> memref<1x2048xi32, #tpu.memory_space<vmem>>
    %dma_start3A_117 = tpu.memref_squeeze %dma_start3A_116 : memref<1x2048xi32, #tpu.memory_space<vmem>> -> memref<2048xi32, #tpu.memory_space<vmem>>
    %dma_start3A_118 = arith.constant 4096 : i32
    %dma_start3A_119 = tpu.memref_slice %arg2[%dma_start3A_118] : memref<16384xi32, #tpu.memory_space<hbm>> -> memref<2048xi32, #tpu.memory_space<hbm>>
    tpu.enqueue_dma source(%dma_start3A_119 : memref<2048xi32, #tpu.memory_space<hbm>>) target(%dma_start3A_117 : memref<2048xi32, #tpu.memory_space<vmem>>) target_semaphore(%arg15 : memref<!tpu.dma_semaphore, #tpu.memory_space<semaphore_mem>>)
    %scan3A_120 = arith.constant 0 : i32
    %scan3A_121 = arith.constant 0 : i32
    %scan3A_122 = arith.constant 128 : i32
    %scan3A_123 = arith.addi %scan3A_121, %scan3A_122 : i32
    %scan3A_124 = arith.constant 1 : i32
    scf.for %scan3A_482 = %scan3A_121 to %scan3A_123 step %scan3A_124  : i32 {
      %mul3A_483 = arith.constant 16 : i32
      %mul3A_484 = arith.muli %scan3A_482, %mul3A_483 : i32
      %get3A = arith.constant 1 : i32
      %get3A_485 = arith.index_cast %get3A : i32 to index
      %get3A_486 = arith.index_cast %mul3A_484 : i32 to index
      %get3A_487 = tpu.vector_load %arg12[%get3A_485, %get3A_486] {strides = array<i32>} : memref<2x2048xi32, #tpu.memory_space<vmem>>, vector<16xi32>,
      %gather3A = tpu.vector_load_idx %arg8[%get3A_487] : memref<100008xf32, #tpu.memory_space<vmem>>[vector<16xi32>], vector<16xf32>,
      %swap3A = arith.constant 1 : i32
      %swap3A_488 = arith.index_cast %swap3A : i32 to index
      %swap3A_489 = arith.index_cast %mul3A_484 : i32 to index
      %swap3A_490 = tpu.vector_load %arg13[%swap3A_488, %swap3A_489] {strides = array<i32>} : memref<2x2048xf32, #tpu.memory_space<vmem>>, vector<16xf32>,
      tpu.vector_store %arg13[%swap3A_488, %swap3A_489], %gather3A {strides = array<i32>} : memref<2x2048xf32, #tpu.memory_space<vmem>>, vector<16xf32>,
    }
    %scan3A_125 = arith.constant 128 : i32
    %dma_start3A_126 = arith.constant 1 : i32
    %dma_start3A_127 = arith.constant 0 : i32
    %dma_start3A_128 = tpu.memref_slice %arg13[%dma_start3A_126, %dma_start3A_127] : memref<2x2048xf32, #tpu.memory_space<vmem>> -> memref<1x2048xf32, #tpu.memory_space<vmem>>
    %dma_start3A_129 = tpu.memref_squeeze %dma_start3A_128 : memref<1x2048xf32, #tpu.memory_space<vmem>> -> memref<2048xf32, #tpu.memory_space<vmem>>
    %dma_start3A_130 = arith.constant 2048 : i32
    %dma_start3A_131 = tpu.memref_slice %arg7[%add3A, %dma_start3A_130] : memref<64x16384xf32, #tpu.memory_space<hbm>> -> memref<1x2048xf32, #tpu.memory_space<hbm>>
    %dma_start3A_132 = tpu.memref_squeeze %dma_start3A_131 : memref<1x2048xf32, #tpu.memory_space<hbm>> -> memref<2048xf32, #tpu.memory_space<hbm>>
    %dma_start3A_133 = arith.constant 2048 : i32
    %dma_start3A_134 = tpu.memref_slice %arg7[%add3A, %dma_start3A_133] : memref<64x16384xf32, #tpu.memory_space<hbm>> -> memref<1x2048xf32, #tpu.memory_space<hbm>>
    %dma_start3A_135 = tpu.memref_squeeze %dma_start3A_134 : memref<1x2048xf32, #tpu.memory_space<hbm>> -> memref<2048xf32, #tpu.memory_space<hbm>>
    %dma_start3A_136 = arith.constant 0 : i32
    %dma_start3A_137 = tpu.memref_slice %arg13[%dma_start3A_126, %dma_start3A_136] : memref<2x2048xf32, #tpu.memory_space<vmem>> -> memref<1x2048xf32, #tpu.memory_space<vmem>>
    %dma_start3A_138 = tpu.memref_squeeze %dma_start3A_137 : memref<1x2048xf32, #tpu.memory_space<vmem>> -> memref<2048xf32, #tpu.memory_space<vmem>>
    tpu.enqueue_dma source(%dma_start3A_138 : memref<2048xf32, #tpu.memory_space<vmem>>) target(%dma_start3A_135 : memref<2048xf32, #tpu.memory_space<hbm>>) target_semaphore(%arg16 : memref<!tpu.dma_semaphore, #tpu.memory_space<semaphore_mem>>)
    %dma_wait3A_139 = arith.constant 0 : i32
    %dma_wait3A_140 = arith.constant 0 : i32
    %dma_wait3A_141 = tpu.memref_slice %arg12[%dma_wait3A_139, %dma_wait3A_140] : memref<2x2048xi32, #tpu.memory_space<vmem>> -> memref<1x2048xi32, #tpu.memory_space<vmem>>
    %dma_wait3A_142 = tpu.memref_squeeze %dma_wait3A_141 : memref<1x2048xi32, #tpu.memory_space<vmem>> -> memref<2048xi32, #tpu.memory_space<vmem>>
    %dma_wait3A_143 = arith.constant 4096 : i32
    %dma_wait3A_144 = tpu.memref_slice %arg2[%dma_wait3A_143] : memref<16384xi32, #tpu.memory_space<hbm>> -> memref<2048xi32, #tpu.memory_space<hbm>>
    %dma_wait3A_145 = arith.constant 0 : i32
    %dma_wait3A_146 = tpu.memref_slice %arg12[%dma_wait3A_139, %dma_wait3A_145] : memref<2x2048xi32, #tpu.memory_space<vmem>> -> memref<1x2048xi32, #tpu.memory_space<vmem>>
    %dma_wait3A_147 = tpu.memref_squeeze %dma_wait3A_146 : memref<1x2048xi32, #tpu.memory_space<vmem>> -> memref<2048xi32, #tpu.memory_space<vmem>>
    %dma_wait3A_148 = arith.constant 4096 : i32
    %dma_wait3A_149 = tpu.memref_slice %arg2[%dma_wait3A_148] : memref<16384xi32, #tpu.memory_space<hbm>> -> memref<2048xi32, #tpu.memory_space<hbm>>
    tpu.wait_dma2 semaphore(%arg15 : memref<!tpu.dma_semaphore, #tpu.memory_space<semaphore_mem>>) src(%dma_wait3A_149 : memref<2048xi32, #tpu.memory_space<hbm>>) dst(%dma_wait3A_147 : memref<2048xi32, #tpu.memory_space<vmem>>)
    %dma_start3A_150 = arith.constant 1 : i32
    %dma_start3A_151 = arith.constant 0 : i32
    %dma_start3A_152 = tpu.memref_slice %arg12[%dma_start3A_150, %dma_start3A_151] : memref<2x2048xi32, #tpu.memory_space<vmem>> -> memref<1x2048xi32, #tpu.memory_space<vmem>>
    %dma_start3A_153 = tpu.memref_squeeze %dma_start3A_152 : memref<1x2048xi32, #tpu.memory_space<vmem>> -> memref<2048xi32, #tpu.memory_space<vmem>>
    %dma_start3A_154 = arith.constant 6144 : i32
    %dma_start3A_155 = tpu.memref_slice %arg2[%dma_start3A_154] : memref<16384xi32, #tpu.memory_space<hbm>> -> memref<2048xi32, #tpu.memory_space<hbm>>
    %dma_start3A_156 = arith.constant 0 : i32
    %dma_start3A_157 = tpu.memref_slice %arg12[%dma_start3A_150, %dma_start3A_156] : memref<2x2048xi32, #tpu.memory_space<vmem>> -> memref<1x2048xi32, #tpu.memory_space<vmem>>
    %dma_start3A_158 = tpu.memref_squeeze %dma_start3A_157 : memref<1x2048xi32, #tpu.memory_space<vmem>> -> memref<2048xi32, #tpu.memory_space<vmem>>
    %dma_start3A_159 = arith.constant 6144 : i32
    %dma_start3A_160 = tpu.memref_slice %arg2[%dma_start3A_159] : memref<16384xi32, #tpu.memory_space<hbm>> -> memref<2048xi32, #tpu.memory_space<hbm>>
    tpu.enqueue_dma source(%dma_start3A_160 : memref<2048xi32, #tpu.memory_space<hbm>>) target(%dma_start3A_158 : memref<2048xi32, #tpu.memory_space<vmem>>) target_semaphore(%arg15 : memref<!tpu.dma_semaphore, #tpu.memory_space<semaphore_mem>>)
    %dma_wait3A_161 = arith.constant 0 : i32
    %dma_wait3A_162 = arith.constant 0 : i32
    %dma_wait3A_163 = tpu.memref_slice %arg13[%dma_wait3A_161, %dma_wait3A_162] : memref<2x2048xf32, #tpu.memory_space<vmem>> -> memref<1x2048xf32, #tpu.memory_space<vmem>>
    %dma_wait3A_164 = tpu.memref_squeeze %dma_wait3A_163 : memref<1x2048xf32, #tpu.memory_space<vmem>> -> memref<2048xf32, #tpu.memory_space<vmem>>
    %dma_wait3A_165 = arith.constant 0 : i32
    %dma_wait3A_166 = tpu.memref_slice %arg7[%add3A, %dma_wait3A_165] : memref<64x16384xf32, #tpu.memory_space<hbm>> -> memref<1x2048xf32, #tpu.memory_space<hbm>>
    %dma_wait3A_167 = tpu.memref_squeeze %dma_wait3A_166 : memref<1x2048xf32, #tpu.memory_space<hbm>> -> memref<2048xf32, #tpu.memory_space<hbm>>
    %dma_wait3A_168 = arith.constant 0 : i32
    %dma_wait3A_169 = tpu.memref_slice %arg7[%add3A, %dma_wait3A_168] : memref<64x16384xf32, #tpu.memory_space<hbm>> -> memref<1x2048xf32, #tpu.memory_space<hbm>>
    %dma_wait3A_170 = tpu.memref_squeeze %dma_wait3A_169 : memref<1x2048xf32, #tpu.memory_space<hbm>> -> memref<2048xf32, #tpu.memory_space<hbm>>
    %dma_wait3A_171 = arith.constant 0 : i32
    %dma_wait3A_172 = tpu.memref_slice %arg13[%dma_wait3A_161, %dma_wait3A_171] : memref<2x2048xf32, #tpu.memory_space<vmem>> -> memref<1x2048xf32, #tpu.memory_space<vmem>>
    %dma_wait3A_173 = tpu.memref_squeeze %dma_wait3A_172 : memref<1x2048xf32, #tpu.memory_space<vmem>> -> memref<2048xf32, #tpu.memory_space<vmem>>
    tpu.wait_dma2 semaphore(%arg16 : memref<!tpu.dma_semaphore, #tpu.memory_space<semaphore_mem>>) src(%dma_wait3A_173 : memref<2048xf32, #tpu.memory_space<vmem>>) dst(%dma_wait3A_170 : memref<2048xf32, #tpu.memory_space<hbm>>)
    %scan3A_174 = arith.constant 0 : i32
    %scan3A_175 = arith.constant 0 : i32
    %scan3A_176 = arith.constant 128 : i32
    %scan3A_177 = arith.addi %scan3A_175, %scan3A_176 : i32
    %scan3A_178 = arith.constant 1 : i32
    scf.for %scan3A_482 = %scan3A_175 to %scan3A_177 step %scan3A_178  : i32 {
      %mul3A_483 = arith.constant 16 : i32
      %mul3A_484 = arith.muli %scan3A_482, %mul3A_483 : i32
      %get3A = arith.constant 0 : i32
      %get3A_485 = arith.index_cast %get3A : i32 to index
      %get3A_486 = arith.index_cast %mul3A_484 : i32 to index
      %get3A_487 = tpu.vector_load %arg12[%get3A_485, %get3A_486] {strides = array<i32>} : memref<2x2048xi32, #tpu.memory_space<vmem>>, vector<16xi32>,
      %gather3A = tpu.vector_load_idx %arg8[%get3A_487] : memref<100008xf32, #tpu.memory_space<vmem>>[vector<16xi32>], vector<16xf32>,
      %swap3A = arith.constant 0 : i32
      %swap3A_488 = arith.index_cast %swap3A : i32 to index
      %swap3A_489 = arith.index_cast %mul3A_484 : i32 to index
      %swap3A_490 = tpu.vector_load %arg13[%swap3A_488, %swap3A_489] {strides = array<i32>} : memref<2x2048xf32, #tpu.memory_space<vmem>>, vector<16xf32>,
      tpu.vector_store %arg13[%swap3A_488, %swap3A_489], %gather3A {strides = array<i32>} : memref<2x2048xf32, #tpu.memory_space<vmem>>, vector<16xf32>,
    }
    %scan3A_179 = arith.constant 128 : i32
    %dma_start3A_180 = arith.constant 0 : i32
    %dma_start3A_181 = arith.constant 0 : i32
    %dma_start3A_182 = tpu.memref_slice %arg13[%dma_start3A_180, %dma_start3A_181] : memref<2x2048xf32, #tpu.memory_space<vmem>> -> memref<1x2048xf32, #tpu.memory_space<vmem>>
    %dma_start3A_183 = tpu.memref_squeeze %dma_start3A_182 : memref<1x2048xf32, #tpu.memory_space<vmem>> -> memref<2048xf32, #tpu.memory_space<vmem>>
    %dma_start3A_184 = arith.constant 4096 : i32
    %dma_start3A_185 = tpu.memref_slice %arg7[%add3A, %dma_start3A_184] : memref<64x16384xf32, #tpu.memory_space<hbm>> -> memref<1x2048xf32, #tpu.memory_space<hbm>>
    %dma_start3A_186 = tpu.memref_squeeze %dma_start3A_185 : memref<1x2048xf32, #tpu.memory_space<hbm>> -> memref<2048xf32, #tpu.memory_space<hbm>>
    %dma_start3A_187 = arith.constant 4096 : i32
    %dma_start3A_188 = tpu.memref_slice %arg7[%add3A, %dma_start3A_187] : memref<64x16384xf32, #tpu.memory_space<hbm>> -> memref<1x2048xf32, #tpu.memory_space<hbm>>
    %dma_start3A_189 = tpu.memref_squeeze %dma_start3A_188 : memref<1x2048xf32, #tpu.memory_space<hbm>> -> memref<2048xf32, #tpu.memory_space<hbm>>
    %dma_start3A_190 = arith.constant 0 : i32
    %dma_start3A_191 = tpu.memref_slice %arg13[%dma_start3A_180, %dma_start3A_190] : memref<2x2048xf32, #tpu.memory_space<vmem>> -> memref<1x2048xf32, #tpu.memory_space<vmem>>
    %dma_start3A_192 = tpu.memref_squeeze %dma_start3A_191 : memref<1x2048xf32, #tpu.memory_space<vmem>> -> memref<2048xf32, #tpu.memory_space<vmem>>
    tpu.enqueue_dma source(%dma_start3A_192 : memref<2048xf32, #tpu.memory_space<vmem>>) target(%dma_start3A_189 : memref<2048xf32, #tpu.memory_space<hbm>>) target_semaphore(%arg16 : memref<!tpu.dma_semaphore, #tpu.memory_space<semaphore_mem>>)
    %dma_wait3A_193 = arith.constant 1 : i32
    %dma_wait3A_194 = arith.constant 0 : i32
    %dma_wait3A_195 = tpu.memref_slice %arg12[%dma_wait3A_193, %dma_wait3A_194] : memref<2x2048xi32, #tpu.memory_space<vmem>> -> memref<1x2048xi32, #tpu.memory_space<vmem>>
    %dma_wait3A_196 = tpu.memref_squeeze %dma_wait3A_195 : memref<1x2048xi32, #tpu.memory_space<vmem>> -> memref<2048xi32, #tpu.memory_space<vmem>>
    %dma_wait3A_197 = arith.constant 6144 : i32
    %dma_wait3A_198 = tpu.memref_slice %arg2[%dma_wait3A_197] : memref<16384xi32, #tpu.memory_space<hbm>> -> memref<2048xi32, #tpu.memory_space<hbm>>
    %dma_wait3A_199 = arith.constant 0 : i32
    %dma_wait3A_200 = tpu.memref_slice %arg12[%dma_wait3A_193, %dma_wait3A_199] : memref<2x2048xi32, #tpu.memory_space<vmem>> -> memref<1x2048xi32, #tpu.memory_space<vmem>>
    %dma_wait3A_201 = tpu.memref_squeeze %dma_wait3A_200 : memref<1x2048xi32, #tpu.memory_space<vmem>> -> memref<2048xi32, #tpu.memory_space<vmem>>
    %dma_wait3A_202 = arith.constant 6144 : i32
    %dma_wait3A_203 = tpu.memref_slice %arg2[%dma_wait3A_202] : memref<16384xi32, #tpu.memory_space<hbm>> -> memref<2048xi32, #tpu.memory_space<hbm>>
    tpu.wait_dma2 semaphore(%arg15 : memref<!tpu.dma_semaphore, #tpu.memory_space<semaphore_mem>>) src(%dma_wait3A_203 : memref<2048xi32, #tpu.memory_space<hbm>>) dst(%dma_wait3A_201 : memref<2048xi32, #tpu.memory_space<vmem>>)
    %dma_start3A_204 = arith.constant 0 : i32
    %dma_start3A_205 = arith.constant 0 : i32
    %dma_start3A_206 = tpu.memref_slice %arg12[%dma_start3A_204, %dma_start3A_205] : memref<2x2048xi32, #tpu.memory_space<vmem>> -> memref<1x2048xi32, #tpu.memory_space<vmem>>
    %dma_start3A_207 = tpu.memref_squeeze %dma_start3A_206 : memref<1x2048xi32, #tpu.memory_space<vmem>> -> memref<2048xi32, #tpu.memory_space<vmem>>
    %dma_start3A_208 = arith.constant 8192 : i32
    %dma_start3A_209 = tpu.memref_slice %arg2[%dma_start3A_208] : memref<16384xi32, #tpu.memory_space<hbm>> -> memref<2048xi32, #tpu.memory_space<hbm>>
    %dma_start3A_210 = arith.constant 0 : i32
    %dma_start3A_211 = tpu.memref_slice %arg12[%dma_start3A_204, %dma_start3A_210] : memref<2x2048xi32, #tpu.memory_space<vmem>> -> memref<1x2048xi32, #tpu.memory_space<vmem>>
    %dma_start3A_212 = tpu.memref_squeeze %dma_start3A_211 : memref<1x2048xi32, #tpu.memory_space<vmem>> -> memref<2048xi32, #tpu.memory_space<vmem>>
    %dma_start3A_213 = arith.constant 8192 : i32
    %dma_start3A_214 = tpu.memref_slice %arg2[%dma_start3A_213] : memref<16384xi32, #tpu.memory_space<hbm>> -> memref<2048xi32, #tpu.memory_space<hbm>>
    tpu.enqueue_dma source(%dma_start3A_214 : memref<2048xi32, #tpu.memory_space<hbm>>) target(%dma_start3A_212 : memref<2048xi32, #tpu.memory_space<vmem>>) target_semaphore(%arg15 : memref<!tpu.dma_semaphore, #tpu.memory_space<semaphore_mem>>)
    %dma_wait3A_215 = arith.constant 1 : i32
    %dma_wait3A_216 = arith.constant 0 : i32
    %dma_wait3A_217 = tpu.memref_slice %arg13[%dma_wait3A_215, %dma_wait3A_216] : memref<2x2048xf32, #tpu.memory_space<vmem>> -> memref<1x2048xf32, #tpu.memory_space<vmem>>
    %dma_wait3A_218 = tpu.memref_squeeze %dma_wait3A_217 : memref<1x2048xf32, #tpu.memory_space<vmem>> -> memref<2048xf32, #tpu.memory_space<vmem>>
    %dma_wait3A_219 = arith.constant 2048 : i32
    %dma_wait3A_220 = tpu.memref_slice %arg7[%add3A, %dma_wait3A_219] : memref<64x16384xf32, #tpu.memory_space<hbm>> -> memref<1x2048xf32, #tpu.memory_space<hbm>>
    %dma_wait3A_221 = tpu.memref_squeeze %dma_wait3A_220 : memref<1x2048xf32, #tpu.memory_space<hbm>> -> memref<2048xf32, #tpu.memory_space<hbm>>
    %dma_wait3A_222 = arith.constant 2048 : i32
    %dma_wait3A_223 = tpu.memref_slice %arg7[%add3A, %dma_wait3A_222] : memref<64x16384xf32, #tpu.memory_space<hbm>> -> memref<1x2048xf32, #tpu.memory_space<hbm>>
    %dma_wait3A_224 = tpu.memref_squeeze %dma_wait3A_223 : memref<1x2048xf32, #tpu.memory_space<hbm>> -> memref<2048xf32, #tpu.memory_space<hbm>>
    %dma_wait3A_225 = arith.constant 0 : i32
    %dma_wait3A_226 = tpu.memref_slice %arg13[%dma_wait3A_215, %dma_wait3A_225] : memref<2x2048xf32, #tpu.memory_space<vmem>> -> memref<1x2048xf32, #tpu.memory_space<vmem>>
    %dma_wait3A_227 = tpu.memref_squeeze %dma_wait3A_226 : memref<1x2048xf32, #tpu.memory_space<vmem>> -> memref<2048xf32, #tpu.memory_space<vmem>>
    tpu.wait_dma2 semaphore(%arg16 : memref<!tpu.dma_semaphore, #tpu.memory_space<semaphore_mem>>) src(%dma_wait3A_227 : memref<2048xf32, #tpu.memory_space<vmem>>) dst(%dma_wait3A_224 : memref<2048xf32, #tpu.memory_space<hbm>>)
    %scan3A_228 = arith.constant 0 : i32
    %scan3A_229 = arith.constant 0 : i32
    %scan3A_230 = arith.constant 128 : i32
    %scan3A_231 = arith.addi %scan3A_229, %scan3A_230 : i32
    %scan3A_232 = arith.constant 1 : i32
    scf.for %scan3A_482 = %scan3A_229 to %scan3A_231 step %scan3A_232  : i32 {
      %mul3A_483 = arith.constant 16 : i32
      %mul3A_484 = arith.muli %scan3A_482, %mul3A_483 : i32
      %get3A = arith.constant 1 : i32
      %get3A_485 = arith.index_cast %get3A : i32 to index
      %get3A_486 = arith.index_cast %mul3A_484 : i32 to index
      %get3A_487 = tpu.vector_load %arg12[%get3A_485, %get3A_486] {strides = array<i32>} : memref<2x2048xi32, #tpu.memory_space<vmem>>, vector<16xi32>,
      %gather3A = tpu.vector_load_idx %arg8[%get3A_487] : memref<100008xf32, #tpu.memory_space<vmem>>[vector<16xi32>], vector<16xf32>,
      %swap3A = arith.constant 1 : i32
      %swap3A_488 = arith.index_cast %swap3A : i32 to index
      %swap3A_489 = arith.index_cast %mul3A_484 : i32 to index
      %swap3A_490 = tpu.vector_load %arg13[%swap3A_488, %swap3A_489] {strides = array<i32>} : memref<2x2048xf32, #tpu.memory_space<vmem>>, vector<16xf32>,
      tpu.vector_store %arg13[%swap3A_488, %swap3A_489], %gather3A {strides = array<i32>} : memref<2x2048xf32, #tpu.memory_space<vmem>>, vector<16xf32>,
    }
    %scan3A_233 = arith.constant 128 : i32
    %dma_start3A_234 = arith.constant 1 : i32
    %dma_start3A_235 = arith.constant 0 : i32
    %dma_start3A_236 = tpu.memref_slice %arg13[%dma_start3A_234, %dma_start3A_235] : memref<2x2048xf32, #tpu.memory_space<vmem>> -> memref<1x2048xf32, #tpu.memory_space<vmem>>
    %dma_start3A_237 = tpu.memref_squeeze %dma_start3A_236 : memref<1x2048xf32, #tpu.memory_space<vmem>> -> memref<2048xf32, #tpu.memory_space<vmem>>
    %dma_start3A_238 = arith.constant 6144 : i32
    %dma_start3A_239 = tpu.memref_slice %arg7[%add3A, %dma_start3A_238] : memref<64x16384xf32, #tpu.memory_space<hbm>> -> memref<1x2048xf32, #tpu.memory_space<hbm>>
    %dma_start3A_240 = tpu.memref_squeeze %dma_start3A_239 : memref<1x2048xf32, #tpu.memory_space<hbm>> -> memref<2048xf32, #tpu.memory_space<hbm>>
    %dma_start3A_241 = arith.constant 6144 : i32
    %dma_start3A_242 = tpu.memref_slice %arg7[%add3A, %dma_start3A_241] : memref<64x16384xf32, #tpu.memory_space<hbm>> -> memref<1x2048xf32, #tpu.memory_space<hbm>>
    %dma_start3A_243 = tpu.memref_squeeze %dma_start3A_242 : memref<1x2048xf32, #tpu.memory_space<hbm>> -> memref<2048xf32, #tpu.memory_space<hbm>>
    %dma_start3A_244 = arith.constant 0 : i32
    %dma_start3A_245 = tpu.memref_slice %arg13[%dma_start3A_234, %dma_start3A_244] : memref<2x2048xf32, #tpu.memory_space<vmem>> -> memref<1x2048xf32, #tpu.memory_space<vmem>>
    %dma_start3A_246 = tpu.memref_squeeze %dma_start3A_245 : memref<1x2048xf32, #tpu.memory_space<vmem>> -> memref<2048xf32, #tpu.memory_space<vmem>>
    tpu.enqueue_dma source(%dma_start3A_246 : memref<2048xf32, #tpu.memory_space<vmem>>) target(%dma_start3A_243 : memref<2048xf32, #tpu.memory_space<hbm>>) target_semaphore(%arg16 : memref<!tpu.dma_semaphore, #tpu.memory_space<semaphore_mem>>)
    %dma_wait3A_247 = arith.constant 0 : i32
    %dma_wait3A_248 = arith.constant 0 : i32
    %dma_wait3A_249 = tpu.memref_slice %arg12[%dma_wait3A_247, %dma_wait3A_248] : memref<2x2048xi32, #tpu.memory_space<vmem>> -> memref<1x2048xi32, #tpu.memory_space<vmem>>
    %dma_wait3A_250 = tpu.memref_squeeze %dma_wait3A_249 : memref<1x2048xi32, #tpu.memory_space<vmem>> -> memref<2048xi32, #tpu.memory_space<vmem>>
    %dma_wait3A_251 = arith.constant 8192 : i32
    %dma_wait3A_252 = tpu.memref_slice %arg2[%dma_wait3A_251] : memref<16384xi32, #tpu.memory_space<hbm>> -> memref<2048xi32, #tpu.memory_space<hbm>>
    %dma_wait3A_253 = arith.constant 0 : i32
    %dma_wait3A_254 = tpu.memref_slice %arg12[%dma_wait3A_247, %dma_wait3A_253] : memref<2x2048xi32, #tpu.memory_space<vmem>> -> memref<1x2048xi32, #tpu.memory_space<vmem>>
    %dma_wait3A_255 = tpu.memref_squeeze %dma_wait3A_254 : memref<1x2048xi32, #tpu.memory_space<vmem>> -> memref<2048xi32, #tpu.memory_space<vmem>>
    %dma_wait3A_256 = arith.constant 8192 : i32
    %dma_wait3A_257 = tpu.memref_slice %arg2[%dma_wait3A_256] : memref<16384xi32, #tpu.memory_space<hbm>> -> memref<2048xi32, #tpu.memory_space<hbm>>
    tpu.wait_dma2 semaphore(%arg15 : memref<!tpu.dma_semaphore, #tpu.memory_space<semaphore_mem>>) src(%dma_wait3A_257 : memref<2048xi32, #tpu.memory_space<hbm>>) dst(%dma_wait3A_255 : memref<2048xi32, #tpu.memory_space<vmem>>)
    %dma_start3A_258 = arith.constant 1 : i32
    %dma_start3A_259 = arith.constant 0 : i32
    %dma_start3A_260 = tpu.memref_slice %arg12[%dma_start3A_258, %dma_start3A_259] : memref<2x2048xi32, #tpu.memory_space<vmem>> -> memref<1x2048xi32, #tpu.memory_space<vmem>>
    %dma_start3A_261 = tpu.memref_squeeze %dma_start3A_260 : memref<1x2048xi32, #tpu.memory_space<vmem>> -> memref<2048xi32, #tpu.memory_space<vmem>>
    %dma_start3A_262 = arith.constant 10240 : i32
    %dma_start3A_263 = tpu.memref_slice %arg2[%dma_start3A_262] : memref<16384xi32, #tpu.memory_space<hbm>> -> memref<2048xi32, #tpu.memory_space<hbm>>
    %dma_start3A_264 = arith.constant 0 : i32
    %dma_start3A_265 = tpu.memref_slice %arg12[%dma_start3A_258, %dma_start3A_264] : memref<2x2048xi32, #tpu.memory_space<vmem>> -> memref<1x2048xi32, #tpu.memory_space<vmem>>
    %dma_start3A_266 = tpu.memref_squeeze %dma_start3A_265 : memref<1x2048xi32, #tpu.memory_space<vmem>> -> memref<2048xi32, #tpu.memory_space<vmem>>
    %dma_start3A_267 = arith.constant 10240 : i32
    %dma_start3A_268 = tpu.memref_slice %arg2[%dma_start3A_267] : memref<16384xi32, #tpu.memory_space<hbm>> -> memref<2048xi32, #tpu.memory_space<hbm>>
    tpu.enqueue_dma source(%dma_start3A_268 : memref<2048xi32, #tpu.memory_space<hbm>>) target(%dma_start3A_266 : memref<2048xi32, #tpu.memory_space<vmem>>) target_semaphore(%arg15 : memref<!tpu.dma_semaphore, #tpu.memory_space<semaphore_mem>>)
    %dma_wait3A_269 = arith.constant 0 : i32
    %dma_wait3A_270 = arith.constant 0 : i32
    %dma_wait3A_271 = tpu.memref_slice %arg13[%dma_wait3A_269, %dma_wait3A_270] : memref<2x2048xf32, #tpu.memory_space<vmem>> -> memref<1x2048xf32, #tpu.memory_space<vmem>>
    %dma_wait3A_272 = tpu.memref_squeeze %dma_wait3A_271 : memref<1x2048xf32, #tpu.memory_space<vmem>> -> memref<2048xf32, #tpu.memory_space<vmem>>
    %dma_wait3A_273 = arith.constant 4096 : i32
    %dma_wait3A_274 = tpu.memref_slice %arg7[%add3A, %dma_wait3A_273] : memref<64x16384xf32, #tpu.memory_space<hbm>> -> memref<1x2048xf32, #tpu.memory_space<hbm>>
    %dma_wait3A_275 = tpu.memref_squeeze %dma_wait3A_274 : memref<1x2048xf32, #tpu.memory_space<hbm>> -> memref<2048xf32, #tpu.memory_space<hbm>>
    %dma_wait3A_276 = arith.constant 4096 : i32
    %dma_wait3A_277 = tpu.memref_slice %arg7[%add3A, %dma_wait3A_276] : memref<64x16384xf32, #tpu.memory_space<hbm>> -> memref<1x2048xf32, #tpu.memory_space<hbm>>
    %dma_wait3A_278 = tpu.memref_squeeze %dma_wait3A_277 : memref<1x2048xf32, #tpu.memory_space<hbm>> -> memref<2048xf32, #tpu.memory_space<hbm>>
    %dma_wait3A_279 = arith.constant 0 : i32
    %dma_wait3A_280 = tpu.memref_slice %arg13[%dma_wait3A_269, %dma_wait3A_279] : memref<2x2048xf32, #tpu.memory_space<vmem>> -> memref<1x2048xf32, #tpu.memory_space<vmem>>
    %dma_wait3A_281 = tpu.memref_squeeze %dma_wait3A_280 : memref<1x2048xf32, #tpu.memory_space<vmem>> -> memref<2048xf32, #tpu.memory_space<vmem>>
    tpu.wait_dma2 semaphore(%arg16 : memref<!tpu.dma_semaphore, #tpu.memory_space<semaphore_mem>>) src(%dma_wait3A_281 : memref<2048xf32, #tpu.memory_space<vmem>>) dst(%dma_wait3A_278 : memref<2048xf32, #tpu.memory_space<hbm>>)
    %scan3A_282 = arith.constant 0 : i32
    %scan3A_283 = arith.constant 0 : i32
    %scan3A_284 = arith.constant 128 : i32
    %scan3A_285 = arith.addi %scan3A_283, %scan3A_284 : i32
    %scan3A_286 = arith.constant 1 : i32
    scf.for %scan3A_482 = %scan3A_283 to %scan3A_285 step %scan3A_286  : i32 {
      %mul3A_483 = arith.constant 16 : i32
      %mul3A_484 = arith.muli %scan3A_482, %mul3A_483 : i32
      %get3A = arith.constant 0 : i32
      %get3A_485 = arith.index_cast %get3A : i32 to index
      %get3A_486 = arith.index_cast %mul3A_484 : i32 to index
      %get3A_487 = tpu.vector_load %arg12[%get3A_485, %get3A_486] {strides = array<i32>} : memref<2x2048xi32, #tpu.memory_space<vmem>>, vector<16xi32>,
      %gather3A = tpu.vector_load_idx %arg8[%get3A_487] : memref<100008xf32, #tpu.memory_space<vmem>>[vector<16xi32>], vector<16xf32>,
      %swap3A = arith.constant 0 : i32
      %swap3A_488 = arith.index_cast %swap3A : i32 to index
      %swap3A_489 = arith.index_cast %mul3A_484 : i32 to index
      %swap3A_490 = tpu.vector_load %arg13[%swap3A_488, %swap3A_489] {strides = array<i32>} : memref<2x2048xf32, #tpu.memory_space<vmem>>, vector<16xf32>,
      tpu.vector_store %arg13[%swap3A_488, %swap3A_489], %gather3A {strides = array<i32>} : memref<2x2048xf32, #tpu.memory_space<vmem>>, vector<16xf32>,
    }
    %scan3A_287 = arith.constant 128 : i32
    %dma_start3A_288 = arith.constant 0 : i32
    %dma_start3A_289 = arith.constant 0 : i32
    %dma_start3A_290 = tpu.memref_slice %arg13[%dma_start3A_288, %dma_start3A_289] : memref<2x2048xf32, #tpu.memory_space<vmem>> -> memref<1x2048xf32, #tpu.memory_space<vmem>>
    %dma_start3A_291 = tpu.memref_squeeze %dma_start3A_290 : memref<1x2048xf32, #tpu.memory_space<vmem>> -> memref<2048xf32, #tpu.memory_space<vmem>>
    %dma_start3A_292 = arith.constant 8192 : i32
    %dma_start3A_293 = tpu.memref_slice %arg7[%add3A, %dma_start3A_292] : memref<64x16384xf32, #tpu.memory_space<hbm>> -> memref<1x2048xf32, #tpu.memory_space<hbm>>
    %dma_start3A_294 = tpu.memref_squeeze %dma_start3A_293 : memref<1x2048xf32, #tpu.memory_space<hbm>> -> memref<2048xf32, #tpu.memory_space<hbm>>
    %dma_start3A_295 = arith.constant 8192 : i32
    %dma_start3A_296 = tpu.memref_slice %arg7[%add3A, %dma_start3A_295] : memref<64x16384xf32, #tpu.memory_space<hbm>> -> memref<1x2048xf32, #tpu.memory_space<hbm>>
    %dma_start3A_297 = tpu.memref_squeeze %dma_start3A_296 : memref<1x2048xf32, #tpu.memory_space<hbm>> -> memref<2048xf32, #tpu.memory_space<hbm>>
    %dma_start3A_298 = arith.constant 0 : i32
    %dma_start3A_299 = tpu.memref_slice %arg13[%dma_start3A_288, %dma_start3A_298] : memref<2x2048xf32, #tpu.memory_space<vmem>> -> memref<1x2048xf32, #tpu.memory_space<vmem>>
    %dma_start3A_300 = tpu.memref_squeeze %dma_start3A_299 : memref<1x2048xf32, #tpu.memory_space<vmem>> -> memref<2048xf32, #tpu.memory_space<vmem>>
    tpu.enqueue_dma source(%dma_start3A_300 : memref<2048xf32, #tpu.memory_space<vmem>>) target(%dma_start3A_297 : memref<2048xf32, #tpu.memory_space<hbm>>) target_semaphore(%arg16 : memref<!tpu.dma_semaphore, #tpu.memory_space<semaphore_mem>>)
    %dma_wait3A_301 = arith.constant 1 : i32
    %dma_wait3A_302 = arith.constant 0 : i32
    %dma_wait3A_303 = tpu.memref_slice %arg12[%dma_wait3A_301, %dma_wait3A_302] : memref<2x2048xi32, #tpu.memory_space<vmem>> -> memref<1x2048xi32, #tpu.memory_space<vmem>>
    %dma_wait3A_304 = tpu.memref_squeeze %dma_wait3A_303 : memref<1x2048xi32, #tpu.memory_space<vmem>> -> memref<2048xi32, #tpu.memory_space<vmem>>
    %dma_wait3A_305 = arith.constant 10240 : i32
    %dma_wait3A_306 = tpu.memref_slice %arg2[%dma_wait3A_305] : memref<16384xi32, #tpu.memory_space<hbm>> -> memref<2048xi32, #tpu.memory_space<hbm>>
    %dma_wait3A_307 = arith.constant 0 : i32
    %dma_wait3A_308 = tpu.memref_slice %arg12[%dma_wait3A_301, %dma_wait3A_307] : memref<2x2048xi32, #tpu.memory_space<vmem>> -> memref<1x2048xi32, #tpu.memory_space<vmem>>
    %dma_wait3A_309 = tpu.memref_squeeze %dma_wait3A_308 : memref<1x2048xi32, #tpu.memory_space<vmem>> -> memref<2048xi32, #tpu.memory_space<vmem>>
    %dma_wait3A_310 = arith.constant 10240 : i32
    %dma_wait3A_311 = tpu.memref_slice %arg2[%dma_wait3A_310] : memref<16384xi32, #tpu.memory_space<hbm>> -> memref<2048xi32, #tpu.memory_space<hbm>>
    tpu.wait_dma2 semaphore(%arg15 : memref<!tpu.dma_semaphore, #tpu.memory_space<semaphore_mem>>) src(%dma_wait3A_311 : memref<2048xi32, #tpu.memory_space<hbm>>) dst(%dma_wait3A_309 : memref<2048xi32, #tpu.memory_space<vmem>>)
    %dma_start3A_312 = arith.constant 0 : i32
    %dma_start3A_313 = arith.constant 0 : i32
    %dma_start3A_314 = tpu.memref_slice %arg12[%dma_start3A_312, %dma_start3A_313] : memref<2x2048xi32, #tpu.memory_space<vmem>> -> memref<1x2048xi32, #tpu.memory_space<vmem>>
    %dma_start3A_315 = tpu.memref_squeeze %dma_start3A_314 : memref<1x2048xi32, #tpu.memory_space<vmem>> -> memref<2048xi32, #tpu.memory_space<vmem>>
    %dma_start3A_316 = arith.constant 12288 : i32
    %dma_start3A_317 = tpu.memref_slice %arg2[%dma_start3A_316] : memref<16384xi32, #tpu.memory_space<hbm>> -> memref<2048xi32, #tpu.memory_space<hbm>>
    %dma_start3A_318 = arith.constant 0 : i32
    %dma_start3A_319 = tpu.memref_slice %arg12[%dma_start3A_312, %dma_start3A_318] : memref<2x2048xi32, #tpu.memory_space<vmem>> -> memref<1x2048xi32, #tpu.memory_space<vmem>>
    %dma_start3A_320 = tpu.memref_squeeze %dma_start3A_319 : memref<1x2048xi32, #tpu.memory_space<vmem>> -> memref<2048xi32, #tpu.memory_space<vmem>>
    %dma_start3A_321 = arith.constant 12288 : i32
    %dma_start3A_322 = tpu.memref_slice %arg2[%dma_start3A_321] : memref<16384xi32, #tpu.memory_space<hbm>> -> memref<2048xi32, #tpu.memory_space<hbm>>
    tpu.enqueue_dma source(%dma_start3A_322 : memref<2048xi32, #tpu.memory_space<hbm>>) target(%dma_start3A_320 : memref<2048xi32, #tpu.memory_space<vmem>>) target_semaphore(%arg15 : memref<!tpu.dma_semaphore, #tpu.memory_space<semaphore_mem>>)
    %dma_wait3A_323 = arith.constant 1 : i32
    %dma_wait3A_324 = arith.constant 0 : i32
    %dma_wait3A_325 = tpu.memref_slice %arg13[%dma_wait3A_323, %dma_wait3A_324] : memref<2x2048xf32, #tpu.memory_space<vmem>> -> memref<1x2048xf32, #tpu.memory_space<vmem>>
    %dma_wait3A_326 = tpu.memref_squeeze %dma_wait3A_325 : memref<1x2048xf32, #tpu.memory_space<vmem>> -> memref<2048xf32, #tpu.memory_space<vmem>>
    %dma_wait3A_327 = arith.constant 6144 : i32
    %dma_wait3A_328 = tpu.memref_slice %arg7[%add3A, %dma_wait3A_327] : memref<64x16384xf32, #tpu.memory_space<hbm>> -> memref<1x2048xf32, #tpu.memory_space<hbm>>
    %dma_wait3A_329 = tpu.memref_squeeze %dma_wait3A_328 : memref<1x2048xf32, #tpu.memory_space<hbm>> -> memref<2048xf32, #tpu.memory_space<hbm>>
    %dma_wait3A_330 = arith.constant 6144 : i32
    %dma_wait3A_331 = tpu.memref_slice %arg7[%add3A, %dma_wait3A_330] : memref<64x16384xf32, #tpu.memory_space<hbm>> -> memref<1x2048xf32, #tpu.memory_space<hbm>>
    %dma_wait3A_332 = tpu.memref_squeeze %dma_wait3A_331 : memref<1x2048xf32, #tpu.memory_space<hbm>> -> memref<2048xf32, #tpu.memory_space<hbm>>
    %dma_wait3A_333 = arith.constant 0 : i32
    %dma_wait3A_334 = tpu.memref_slice %arg13[%dma_wait3A_323, %dma_wait3A_333] : memref<2x2048xf32, #tpu.memory_space<vmem>> -> memref<1x2048xf32, #tpu.memory_space<vmem>>
    %dma_wait3A_335 = tpu.memref_squeeze %dma_wait3A_334 : memref<1x2048xf32, #tpu.memory_space<vmem>> -> memref<2048xf32, #tpu.memory_space<vmem>>
    tpu.wait_dma2 semaphore(%arg16 : memref<!tpu.dma_semaphore, #tpu.memory_space<semaphore_mem>>) src(%dma_wait3A_335 : memref<2048xf32, #tpu.memory_space<vmem>>) dst(%dma_wait3A_332 : memref<2048xf32, #tpu.memory_space<hbm>>)
    %scan3A_336 = arith.constant 0 : i32
    %scan3A_337 = arith.constant 0 : i32
    %scan3A_338 = arith.constant 128 : i32
    %scan3A_339 = arith.addi %scan3A_337, %scan3A_338 : i32
    %scan3A_340 = arith.constant 1 : i32
    scf.for %scan3A_482 = %scan3A_337 to %scan3A_339 step %scan3A_340  : i32 {
      %mul3A_483 = arith.constant 16 : i32
      %mul3A_484 = arith.muli %scan3A_482, %mul3A_483 : i32
      %get3A = arith.constant 1 : i32
      %get3A_485 = arith.index_cast %get3A : i32 to index
      %get3A_486 = arith.index_cast %mul3A_484 : i32 to index
      %get3A_487 = tpu.vector_load %arg12[%get3A_485, %get3A_486] {strides = array<i32>} : memref<2x2048xi32, #tpu.memory_space<vmem>>, vector<16xi32>,
      %gather3A = tpu.vector_load_idx %arg8[%get3A_487] : memref<100008xf32, #tpu.memory_space<vmem>>[vector<16xi32>], vector<16xf32>,
      %swap3A = arith.constant 1 : i32
      %swap3A_488 = arith.index_cast %swap3A : i32 to index
      %swap3A_489 = arith.index_cast %mul3A_484 : i32 to index
      %swap3A_490 = tpu.vector_load %arg13[%swap3A_488, %swap3A_489] {strides = array<i32>} : memref<2x2048xf32, #tpu.memory_space<vmem>>, vector<16xf32>,
      tpu.vector_store %arg13[%swap3A_488, %swap3A_489], %gather3A {strides = array<i32>} : memref<2x2048xf32, #tpu.memory_space<vmem>>, vector<16xf32>,
    }
    %scan3A_341 = arith.constant 128 : i32
    %dma_start3A_342 = arith.constant 1 : i32
    %dma_start3A_343 = arith.constant 0 : i32
    %dma_start3A_344 = tpu.memref_slice %arg13[%dma_start3A_342, %dma_start3A_343] : memref<2x2048xf32, #tpu.memory_space<vmem>> -> memref<1x2048xf32, #tpu.memory_space<vmem>>
    %dma_start3A_345 = tpu.memref_squeeze %dma_start3A_344 : memref<1x2048xf32, #tpu.memory_space<vmem>> -> memref<2048xf32, #tpu.memory_space<vmem>>
    %dma_start3A_346 = arith.constant 10240 : i32
    %dma_start3A_347 = tpu.memref_slice %arg7[%add3A, %dma_start3A_346] : memref<64x16384xf32, #tpu.memory_space<hbm>> -> memref<1x2048xf32, #tpu.memory_space<hbm>>
    %dma_start3A_348 = tpu.memref_squeeze %dma_start3A_347 : memref<1x2048xf32, #tpu.memory_space<hbm>> -> memref<2048xf32, #tpu.memory_space<hbm>>
    %dma_start3A_349 = arith.constant 10240 : i32
    %dma_start3A_350 = tpu.memref_slice %arg7[%add3A, %dma_start3A_349] : memref<64x16384xf32, #tpu.memory_space<hbm>> -> memref<1x2048xf32, #tpu.memory_space<hbm>>
    %dma_start3A_351 = tpu.memref_squeeze %dma_start3A_350 : memref<1x2048xf32, #tpu.memory_space<hbm>> -> memref<2048xf32, #tpu.memory_space<hbm>>
    %dma_start3A_352 = arith.constant 0 : i32
    %dma_start3A_353 = tpu.memref_slice %arg13[%dma_start3A_342, %dma_start3A_352] : memref<2x2048xf32, #tpu.memory_space<vmem>> -> memref<1x2048xf32, #tpu.memory_space<vmem>>
    %dma_start3A_354 = tpu.memref_squeeze %dma_start3A_353 : memref<1x2048xf32, #tpu.memory_space<vmem>> -> memref<2048xf32, #tpu.memory_space<vmem>>
    tpu.enqueue_dma source(%dma_start3A_354 : memref<2048xf32, #tpu.memory_space<vmem>>) target(%dma_start3A_351 : memref<2048xf32, #tpu.memory_space<hbm>>) target_semaphore(%arg16 : memref<!tpu.dma_semaphore, #tpu.memory_space<semaphore_mem>>)
    %dma_wait3A_355 = arith.constant 0 : i32
    %dma_wait3A_356 = arith.constant 0 : i32
    %dma_wait3A_357 = tpu.memref_slice %arg12[%dma_wait3A_355, %dma_wait3A_356] : memref<2x2048xi32, #tpu.memory_space<vmem>> -> memref<1x2048xi32, #tpu.memory_space<vmem>>
    %dma_wait3A_358 = tpu.memref_squeeze %dma_wait3A_357 : memref<1x2048xi32, #tpu.memory_space<vmem>> -> memref<2048xi32, #tpu.memory_space<vmem>>
    %dma_wait3A_359 = arith.constant 12288 : i32
    %dma_wait3A_360 = tpu.memref_slice %arg2[%dma_wait3A_359] : memref<16384xi32, #tpu.memory_space<hbm>> -> memref<2048xi32, #tpu.memory_space<hbm>>
    %dma_wait3A_361 = arith.constant 0 : i32
    %dma_wait3A_362 = tpu.memref_slice %arg12[%dma_wait3A_355, %dma_wait3A_361] : memref<2x2048xi32, #tpu.memory_space<vmem>> -> memref<1x2048xi32, #tpu.memory_space<vmem>>
    %dma_wait3A_363 = tpu.memref_squeeze %dma_wait3A_362 : memref<1x2048xi32, #tpu.memory_space<vmem>> -> memref<2048xi32, #tpu.memory_space<vmem>>
    %dma_wait3A_364 = arith.constant 12288 : i32
    %dma_wait3A_365 = tpu.memref_slice %arg2[%dma_wait3A_364] : memref<16384xi32, #tpu.memory_space<hbm>> -> memref<2048xi32, #tpu.memory_space<hbm>>
    tpu.wait_dma2 semaphore(%arg15 : memref<!tpu.dma_semaphore, #tpu.memory_space<semaphore_mem>>) src(%dma_wait3A_365 : memref<2048xi32, #tpu.memory_space<hbm>>) dst(%dma_wait3A_363 : memref<2048xi32, #tpu.memory_space<vmem>>)
    %dma_start3A_366 = arith.constant 1 : i32
    %dma_start3A_367 = arith.constant 0 : i32
    %dma_start3A_368 = tpu.memref_slice %arg12[%dma_start3A_366, %dma_start3A_367] : memref<2x2048xi32, #tpu.memory_space<vmem>> -> memref<1x2048xi32, #tpu.memory_space<vmem>>
    %dma_start3A_369 = tpu.memref_squeeze %dma_start3A_368 : memref<1x2048xi32, #tpu.memory_space<vmem>> -> memref<2048xi32, #tpu.memory_space<vmem>>
    %dma_start3A_370 = arith.constant 14336 : i32
    %dma_start3A_371 = tpu.memref_slice %arg2[%dma_start3A_370] : memref<16384xi32, #tpu.memory_space<hbm>> -> memref<2048xi32, #tpu.memory_space<hbm>>
    %dma_start3A_372 = arith.constant 0 : i32
    %dma_start3A_373 = tpu.memref_slice %arg12[%dma_start3A_366, %dma_start3A_372] : memref<2x2048xi32, #tpu.memory_space<vmem>> -> memref<1x2048xi32, #tpu.memory_space<vmem>>
    %dma_start3A_374 = tpu.memref_squeeze %dma_start3A_373 : memref<1x2048xi32, #tpu.memory_space<vmem>> -> memref<2048xi32, #tpu.memory_space<vmem>>
    %dma_start3A_375 = arith.constant 14336 : i32
    %dma_start3A_376 = tpu.memref_slice %arg2[%dma_start3A_375] : memref<16384xi32, #tpu.memory_space<hbm>> -> memref<2048xi32, #tpu.memory_space<hbm>>
    tpu.enqueue_dma source(%dma_start3A_376 : memref<2048xi32, #tpu.memory_space<hbm>>) target(%dma_start3A_374 : memref<2048xi32, #tpu.memory_space<vmem>>) target_semaphore(%arg15 : memref<!tpu.dma_semaphore, #tpu.memory_space<semaphore_mem>>)
    %dma_wait3A_377 = arith.constant 0 : i32
    %dma_wait3A_378 = arith.constant 0 : i32
    %dma_wait3A_379 = tpu.memref_slice %arg13[%dma_wait3A_377, %dma_wait3A_378] : memref<2x2048xf32, #tpu.memory_space<vmem>> -> memref<1x2048xf32, #tpu.memory_space<vmem>>
    %dma_wait3A_380 = tpu.memref_squeeze %dma_wait3A_379 : memref<1x2048xf32, #tpu.memory_space<vmem>> -> memref<2048xf32, #tpu.memory_space<vmem>>
    %dma_wait3A_381 = arith.constant 8192 : i32
    %dma_wait3A_382 = tpu.memref_slice %arg7[%add3A, %dma_wait3A_381] : memref<64x16384xf32, #tpu.memory_space<hbm>> -> memref<1x2048xf32, #tpu.memory_space<hbm>>
    %dma_wait3A_383 = tpu.memref_squeeze %dma_wait3A_382 : memref<1x2048xf32, #tpu.memory_space<hbm>> -> memref<2048xf32, #tpu.memory_space<hbm>>
    %dma_wait3A_384 = arith.constant 8192 : i32
    %dma_wait3A_385 = tpu.memref_slice %arg7[%add3A, %dma_wait3A_384] : memref<64x16384xf32, #tpu.memory_space<hbm>> -> memref<1x2048xf32, #tpu.memory_space<hbm>>
    %dma_wait3A_386 = tpu.memref_squeeze %dma_wait3A_385 : memref<1x2048xf32, #tpu.memory_space<hbm>> -> memref<2048xf32, #tpu.memory_space<hbm>>
    %dma_wait3A_387 = arith.constant 0 : i32
    %dma_wait3A_388 = tpu.memref_slice %arg13[%dma_wait3A_377, %dma_wait3A_387] : memref<2x2048xf32, #tpu.memory_space<vmem>> -> memref<1x2048xf32, #tpu.memory_space<vmem>>
    %dma_wait3A_389 = tpu.memref_squeeze %dma_wait3A_388 : memref<1x2048xf32, #tpu.memory_space<vmem>> -> memref<2048xf32, #tpu.memory_space<vmem>>
    tpu.wait_dma2 semaphore(%arg16 : memref<!tpu.dma_semaphore, #tpu.memory_space<semaphore_mem>>) src(%dma_wait3A_389 : memref<2048xf32, #tpu.memory_space<vmem>>) dst(%dma_wait3A_386 : memref<2048xf32, #tpu.memory_space<hbm>>)
    %scan3A_390 = arith.constant 0 : i32
    %scan3A_391 = arith.constant 0 : i32
    %scan3A_392 = arith.constant 128 : i32
    %scan3A_393 = arith.addi %scan3A_391, %scan3A_392 : i32
    %scan3A_394 = arith.constant 1 : i32
    scf.for %scan3A_482 = %scan3A_391 to %scan3A_393 step %scan3A_394  : i32 {
      %mul3A_483 = arith.constant 16 : i32
      %mul3A_484 = arith.muli %scan3A_482, %mul3A_483 : i32
      %get3A = arith.constant 0 : i32
      %get3A_485 = arith.index_cast %get3A : i32 to index
      %get3A_486 = arith.index_cast %mul3A_484 : i32 to index
      %get3A_487 = tpu.vector_load %arg12[%get3A_485, %get3A_486] {strides = array<i32>} : memref<2x2048xi32, #tpu.memory_space<vmem>>, vector<16xi32>,
      %gather3A = tpu.vector_load_idx %arg8[%get3A_487] : memref<100008xf32, #tpu.memory_space<vmem>>[vector<16xi32>], vector<16xf32>,
      %swap3A = arith.constant 0 : i32
      %swap3A_488 = arith.index_cast %swap3A : i32 to index
      %swap3A_489 = arith.index_cast %mul3A_484 : i32 to index
      %swap3A_490 = tpu.vector_load %arg13[%swap3A_488, %swap3A_489] {strides = array<i32>} : memref<2x2048xf32, #tpu.memory_space<vmem>>, vector<16xf32>,
      tpu.vector_store %arg13[%swap3A_488, %swap3A_489], %gather3A {strides = array<i32>} : memref<2x2048xf32, #tpu.memory_space<vmem>>, vector<16xf32>,
    }
    %scan3A_395 = arith.constant 128 : i32
    %dma_start3A_396 = arith.constant 0 : i32
    %dma_start3A_397 = arith.constant 0 : i32
    %dma_start3A_398 = tpu.memref_slice %arg13[%dma_start3A_396, %dma_start3A_397] : memref<2x2048xf32, #tpu.memory_space<vmem>> -> memref<1x2048xf32, #tpu.memory_space<vmem>>
    %dma_start3A_399 = tpu.memref_squeeze %dma_start3A_398 : memref<1x2048xf32, #tpu.memory_space<vmem>> -> memref<2048xf32, #tpu.memory_space<vmem>>
    %dma_start3A_400 = arith.constant 12288 : i32
    %dma_start3A_401 = tpu.memref_slice %arg7[%add3A, %dma_start3A_400] : memref<64x16384xf32, #tpu.memory_space<hbm>> -> memref<1x2048xf32, #tpu.memory_space<hbm>>
    %dma_start3A_402 = tpu.memref_squeeze %dma_start3A_401 : memref<1x2048xf32, #tpu.memory_space<hbm>> -> memref<2048xf32, #tpu.memory_space<hbm>>
    %dma_start3A_403 = arith.constant 12288 : i32
    %dma_start3A_404 = tpu.memref_slice %arg7[%add3A, %dma_start3A_403] : memref<64x16384xf32, #tpu.memory_space<hbm>> -> memref<1x2048xf32, #tpu.memory_space<hbm>>
    %dma_start3A_405 = tpu.memref_squeeze %dma_start3A_404 : memref<1x2048xf32, #tpu.memory_space<hbm>> -> memref<2048xf32, #tpu.memory_space<hbm>>
    %dma_start3A_406 = arith.constant 0 : i32
    %dma_start3A_407 = tpu.memref_slice %arg13[%dma_start3A_396, %dma_start3A_406] : memref<2x2048xf32, #tpu.memory_space<vmem>> -> memref<1x2048xf32, #tpu.memory_space<vmem>>
    %dma_start3A_408 = tpu.memref_squeeze %dma_start3A_407 : memref<1x2048xf32, #tpu.memory_space<vmem>> -> memref<2048xf32, #tpu.memory_space<vmem>>
    tpu.enqueue_dma source(%dma_start3A_408 : memref<2048xf32, #tpu.memory_space<vmem>>) target(%dma_start3A_405 : memref<2048xf32, #tpu.memory_space<hbm>>) target_semaphore(%arg16 : memref<!tpu.dma_semaphore, #tpu.memory_space<semaphore_mem>>)
    %dma_wait3A_409 = arith.constant 1 : i32
    %dma_wait3A_410 = arith.constant 0 : i32
    %dma_wait3A_411 = tpu.memref_slice %arg12[%dma_wait3A_409, %dma_wait3A_410] : memref<2x2048xi32, #tpu.memory_space<vmem>> -> memref<1x2048xi32, #tpu.memory_space<vmem>>
    %dma_wait3A_412 = tpu.memref_squeeze %dma_wait3A_411 : memref<1x2048xi32, #tpu.memory_space<vmem>> -> memref<2048xi32, #tpu.memory_space<vmem>>
    %dma_wait3A_413 = arith.constant 14336 : i32
    %dma_wait3A_414 = tpu.memref_slice %arg2[%dma_wait3A_413] : memref<16384xi32, #tpu.memory_space<hbm>> -> memref<2048xi32, #tpu.memory_space<hbm>>
    %dma_wait3A_415 = arith.constant 0 : i32
    %dma_wait3A_416 = tpu.memref_slice %arg12[%dma_wait3A_409, %dma_wait3A_415] : memref<2x2048xi32, #tpu.memory_space<vmem>> -> memref<1x2048xi32, #tpu.memory_space<vmem>>
    %dma_wait3A_417 = tpu.memref_squeeze %dma_wait3A_416 : memref<1x2048xi32, #tpu.memory_space<vmem>> -> memref<2048xi32, #tpu.memory_space<vmem>>
    %dma_wait3A_418 = arith.constant 14336 : i32
    %dma_wait3A_419 = tpu.memref_slice %arg2[%dma_wait3A_418] : memref<16384xi32, #tpu.memory_space<hbm>> -> memref<2048xi32, #tpu.memory_space<hbm>>
    tpu.wait_dma2 semaphore(%arg15 : memref<!tpu.dma_semaphore, #tpu.memory_space<semaphore_mem>>) src(%dma_wait3A_419 : memref<2048xi32, #tpu.memory_space<hbm>>) dst(%dma_wait3A_417 : memref<2048xi32, #tpu.memory_space<vmem>>)
    %dma_wait3A_420 = arith.constant 1 : i32
    %dma_wait3A_421 = arith.constant 0 : i32
    %dma_wait3A_422 = tpu.memref_slice %arg13[%dma_wait3A_420, %dma_wait3A_421] : memref<2x2048xf32, #tpu.memory_space<vmem>> -> memref<1x2048xf32, #tpu.memory_space<vmem>>
    %dma_wait3A_423 = tpu.memref_squeeze %dma_wait3A_422 : memref<1x2048xf32, #tpu.memory_space<vmem>> -> memref<2048xf32, #tpu.memory_space<vmem>>
    %dma_wait3A_424 = arith.constant 10240 : i32
    %dma_wait3A_425 = tpu.memref_slice %arg7[%add3A, %dma_wait3A_424] : memref<64x16384xf32, #tpu.memory_space<hbm>> -> memref<1x2048xf32, #tpu.memory_space<hbm>>
    %dma_wait3A_426 = tpu.memref_squeeze %dma_wait3A_425 : memref<1x2048xf32, #tpu.memory_space<hbm>> -> memref<2048xf32, #tpu.memory_space<hbm>>
    %dma_wait3A_427 = arith.constant 10240 : i32
    %dma_wait3A_428 = tpu.memref_slice %arg7[%add3A, %dma_wait3A_427] : memref<64x16384xf32, #tpu.memory_space<hbm>> -> memref<1x2048xf32, #tpu.memory_space<hbm>>
    %dma_wait3A_429 = tpu.memref_squeeze %dma_wait3A_428 : memref<1x2048xf32, #tpu.memory_space<hbm>> -> memref<2048xf32, #tpu.memory_space<hbm>>
    %dma_wait3A_430 = arith.constant 0 : i32
    %dma_wait3A_431 = tpu.memref_slice %arg13[%dma_wait3A_420, %dma_wait3A_430] : memref<2x2048xf32, #tpu.memory_space<vmem>> -> memref<1x2048xf32, #tpu.memory_space<vmem>>
    %dma_wait3A_432 = tpu.memref_squeeze %dma_wait3A_431 : memref<1x2048xf32, #tpu.memory_space<vmem>> -> memref<2048xf32, #tpu.memory_space<vmem>>
    tpu.wait_dma2 semaphore(%arg16 : memref<!tpu.dma_semaphore, #tpu.memory_space<semaphore_mem>>) src(%dma_wait3A_432 : memref<2048xf32, #tpu.memory_space<vmem>>) dst(%dma_wait3A_429 : memref<2048xf32, #tpu.memory_space<hbm>>)
    %scan3A_433 = arith.constant 0 : i32
    %scan3A_434 = arith.constant 0 : i32
    %scan3A_435 = arith.constant 128 : i32
    %scan3A_436 = arith.addi %scan3A_434, %scan3A_435 : i32
    %scan3A_437 = arith.constant 1 : i32
    scf.for %scan3A_482 = %scan3A_434 to %scan3A_436 step %scan3A_437  : i32 {
      %mul3A_483 = arith.constant 16 : i32
      %mul3A_484 = arith.muli %scan3A_482, %mul3A_483 : i32
      %get3A = arith.constant 1 : i32
      %get3A_485 = arith.index_cast %get3A : i32 to index
      %get3A_486 = arith.index_cast %mul3A_484 : i32 to index
      %get3A_487 = tpu.vector_load %arg12[%get3A_485, %get3A_486] {strides = array<i32>} : memref<2x2048xi32, #tpu.memory_space<vmem>>, vector<16xi32>,
      %gather3A = tpu.vector_load_idx %arg8[%get3A_487] : memref<100008xf32, #tpu.memory_space<vmem>>[vector<16xi32>], vector<16xf32>,
      %swap3A = arith.constant 1 : i32
      %swap3A_488 = arith.index_cast %swap3A : i32 to index
      %swap3A_489 = arith.index_cast %mul3A_484 : i32 to index
      %swap3A_490 = tpu.vector_load %arg13[%swap3A_488, %swap3A_489] {strides = array<i32>} : memref<2x2048xf32, #tpu.memory_space<vmem>>, vector<16xf32>,
      tpu.vector_store %arg13[%swap3A_488, %swap3A_489], %gather3A {strides = array<i32>} : memref<2x2048xf32, #tpu.memory_space<vmem>>, vector<16xf32>,
    }
    %scan3A_438 = arith.constant 128 : i32
    %dma_start3A_439 = arith.constant 1 : i32
    %dma_start3A_440 = arith.constant 0 : i32
    %dma_start3A_441 = tpu.memref_slice %arg13[%dma_start3A_439, %dma_start3A_440] : memref<2x2048xf32, #tpu.memory_space<vmem>> -> memref<1x2048xf32, #tpu.memory_space<vmem>>
    %dma_start3A_442 = tpu.memref_squeeze %dma_start3A_441 : memref<1x2048xf32, #tpu.memory_space<vmem>> -> memref<2048xf32, #tpu.memory_space<vmem>>
    %dma_start3A_443 = arith.constant 14336 : i32
    %dma_start3A_444 = tpu.memref_slice %arg7[%add3A, %dma_start3A_443] : memref<64x16384xf32, #tpu.memory_space<hbm>> -> memref<1x2048xf32, #tpu.memory_space<hbm>>
    %dma_start3A_445 = tpu.memref_squeeze %dma_start3A_444 : memref<1x2048xf32, #tpu.memory_space<hbm>> -> memref<2048xf32, #tpu.memory_space<hbm>>
    %dma_start3A_446 = arith.constant 14336 : i32
    %dma_start3A_447 = tpu.memref_slice %arg7[%add3A, %dma_start3A_446] : memref<64x16384xf32, #tpu.memory_space<hbm>> -> memref<1x2048xf32, #tpu.memory_space<hbm>>
    %dma_start3A_448 = tpu.memref_squeeze %dma_start3A_447 : memref<1x2048xf32, #tpu.memory_space<hbm>> -> memref<2048xf32, #tpu.memory_space<hbm>>
    %dma_start3A_449 = arith.constant 0 : i32
    %dma_start3A_450 = tpu.memref_slice %arg13[%dma_start3A_439, %dma_start3A_449] : memref<2x2048xf32, #tpu.memory_space<vmem>> -> memref<1x2048xf32, #tpu.memory_space<vmem>>
    %dma_start3A_451 = tpu.memref_squeeze %dma_start3A_450 : memref<1x2048xf32, #tpu.memory_space<vmem>> -> memref<2048xf32, #tpu.memory_space<vmem>>
    tpu.enqueue_dma source(%dma_start3A_451 : memref<2048xf32, #tpu.memory_space<vmem>>) target(%dma_start3A_448 : memref<2048xf32, #tpu.memory_space<hbm>>) target_semaphore(%arg16 : memref<!tpu.dma_semaphore, #tpu.memory_space<semaphore_mem>>)
    %dma_wait3A_452 = arith.constant 0 : i32
    %dma_wait3A_453 = arith.constant 0 : i32
    %dma_wait3A_454 = tpu.memref_slice %arg13[%dma_wait3A_452, %dma_wait3A_453] : memref<2x2048xf32, #tpu.memory_space<vmem>> -> memref<1x2048xf32, #tpu.memory_space<vmem>>
    %dma_wait3A_455 = tpu.memref_squeeze %dma_wait3A_454 : memref<1x2048xf32, #tpu.memory_space<vmem>> -> memref<2048xf32, #tpu.memory_space<vmem>>
    %dma_wait3A_456 = arith.constant 12288 : i32
    %dma_wait3A_457 = tpu.memref_slice %arg7[%add3A, %dma_wait3A_456] : memref<64x16384xf32, #tpu.memory_space<hbm>> -> memref<1x2048xf32, #tpu.memory_space<hbm>>
    %dma_wait3A_458 = tpu.memref_squeeze %dma_wait3A_457 : memref<1x2048xf32, #tpu.memory_space<hbm>> -> memref<2048xf32, #tpu.memory_space<hbm>>
    %dma_wait3A_459 = arith.constant 12288 : i32
    %dma_wait3A_460 = tpu.memref_slice %arg7[%add3A, %dma_wait3A_459] : memref<64x16384xf32, #tpu.memory_space<hbm>> -> memref<1x2048xf32, #tpu.memory_space<hbm>>
    %dma_wait3A_461 = tpu.memref_squeeze %dma_wait3A_460 : memref<1x2048xf32, #tpu.memory_space<hbm>> -> memref<2048xf32, #tpu.memory_space<hbm>>
    %dma_wait3A_462 = arith.constant 0 : i32
    %dma_wait3A_463 = tpu.memref_slice %arg13[%dma_wait3A_452, %dma_wait3A_462] : memref<2x2048xf32, #tpu.memory_space<vmem>> -> memref<1x2048xf32, #tpu.memory_space<vmem>>
    %dma_wait3A_464 = tpu.memref_squeeze %dma_wait3A_463 : memref<1x2048xf32, #tpu.memory_space<vmem>> -> memref<2048xf32, #tpu.memory_space<vmem>>
    tpu.wait_dma2 semaphore(%arg16 : memref<!tpu.dma_semaphore, #tpu.memory_space<semaphore_mem>>) src(%dma_wait3A_464 : memref<2048xf32, #tpu.memory_space<vmem>>) dst(%dma_wait3A_461 : memref<2048xf32, #tpu.memory_space<hbm>>)
    %dma_wait3A_465 = arith.constant 1 : i32
    %dma_wait3A_466 = arith.constant 0 : i32
    %dma_wait3A_467 = tpu.memref_slice %arg13[%dma_wait3A_465, %dma_wait3A_466] : memref<2x2048xf32, #tpu.memory_space<vmem>> -> memref<1x2048xf32, #tpu.memory_space<vmem>>
    %dma_wait3A_468 = tpu.memref_squeeze %dma_wait3A_467 : memref<1x2048xf32, #tpu.memory_space<vmem>> -> memref<2048xf32, #tpu.memory_space<vmem>>
    %dma_wait3A_469 = arith.constant 14336 : i32
    %dma_wait3A_470 = tpu.memref_slice %arg7[%add3A, %dma_wait3A_469] : memref<64x16384xf32, #tpu.memory_space<hbm>> -> memref<1x2048xf32, #tpu.memory_space<hbm>>
    %dma_wait3A_471 = tpu.memref_squeeze %dma_wait3A_470 : memref<1x2048xf32, #tpu.memory_space<hbm>> -> memref<2048xf32, #tpu.memory_space<hbm>>
    %dma_wait3A_472 = arith.constant 14336 : i32
    %dma_wait3A_473 = tpu.memref_slice %arg7[%add3A, %dma_wait3A_472] : memref<64x16384xf32, #tpu.memory_space<hbm>> -> memref<1x2048xf32, #tpu.memory_space<hbm>>
    %dma_wait3A_474 = tpu.memref_squeeze %dma_wait3A_473 : memref<1x2048xf32, #tpu.memory_space<hbm>> -> memref<2048xf32, #tpu.memory_space<hbm>>
    %dma_wait3A_475 = arith.constant 0 : i32
    %dma_wait3A_476 = tpu.memref_slice %arg13[%dma_wait3A_465, %dma_wait3A_475] : memref<2x2048xf32, #tpu.memory_space<vmem>> -> memref<1x2048xf32, #tpu.memory_space<vmem>>
    %dma_wait3A_477 = tpu.memref_squeeze %dma_wait3A_476 : memref<1x2048xf32, #tpu.memory_space<vmem>> -> memref<2048xf32, #tpu.memory_space<vmem>>
    tpu.wait_dma2 semaphore(%arg16 : memref<!tpu.dma_semaphore, #tpu.memory_space<semaphore_mem>>) src(%dma_wait3A_477 : memref<2048xf32, #tpu.memory_space<vmem>>) dst(%dma_wait3A_474 : memref<2048xf32, #tpu.memory_space<hbm>>)
    %dma_wait3A_478 = arith.constant 32 : i32
    %dma_wait3A_479 = tpu.memref_slice %arg7[%dma_wait3A_478, %mul3A_30] : memref<64x16384xf32, #tpu.memory_space<hbm>> -> memref<32x512xf32, #tpu.memory_space<hbm>>
    %dma_wait3A_480 = arith.constant 32 : i32
    %dma_wait3A_481 = tpu.memref_slice %arg7[%dma_wait3A_480, %mul3A_30] : memref<64x16384xf32, #tpu.memory_space<hbm>> -> memref<32x512xf32, #tpu.memory_space<hbm>>
    tpu.wait_dma2 semaphore(%arg16 : memref<!tpu.dma_semaphore, #tpu.memory_space<semaphore_mem>>) src(%arg11 : memref<32x512xf32, #tpu.memory_space<vmem>>) dst(%dma_wait3A_481 : memref<32x512xf32, #tpu.memory_space<hbm>>)
    return
  }
}

</mosaic_0001>

<sc_bundles>
// kernel: kernel.3.cloned.1.call-start
scs
__scs_entry_jumppad:
0x0: {  	(pc) =	sbr.rel $0x88, $3  }
0x1: {  	(tag) =	ssettag $0x0;
	lr =	simm.s32 $0x1  }
0x2: {  	[smem:$0x3F9D] =	sst lr;
	_ =	strace $0xD0000000  }
0x3: {  	_ = 	snop  }
0x4: {  	_ = 	snop  }
0x5: {  	_ = 	snop  }
0x6: {  	_ = 	snop  }
0x7: {  	_ = 	snop  }
__scs_overlays_trampoline_lowered:
0x8: {  	[smem:$0x3FAC] =	sst s0  }
0x9: {  	[smem:$0x3FAD] =	sst s1  }
0xa: {  	[smem:$0x3FAE] =	sst s2  }
0xb: {  	[smem:$0x3FAF] =	sst s3  }
0xc: {  	[smem:$0x3FB0] =	sst s4  }
0xd: {  	[smem:$0x3FB1] =	sst s5  }
0xe: {  	[smem:$0x3FB2] =	sst s6  }
0xf: {  	[smem:$0x3FB3] =	sst s7  }
0x10: {  	[smem:$0x3FB4] =	sst s8  }
0x11: {  	[smem:$0x3FB5] =	sst s9;
	s0 =	simm.s32 @!p0 $0x0  }
0x12: {  	s1 =	sld [smem:$0x3F9B];
	s0 =	simm.s32 @p0 $0x1  }
0x13: {  	[smem:$0x3FB6] =	sst s0;
	s0 =	simm.s32 @!p1 $0x0  }
0x14: {  	s2 =	sld [smem:$0x3F9A];
	s0 =	simm.s32 @p1 $0x1  }
0x15: {  	[smem:$0x3FB7] =	sst s0;
	s0 =	simm.s32 @!p2 $0x0  }
0x16: {  	s3 =	sld [smem:$0x3FDB];
	s0 =	simm.s32 @p2 $0x1  }
0x17: {  	s4 =	simm.s32 $0x1BF5;
	[smem:$0x3FB9] =	sst s0  }
0x18: {  	s0 =	sld [smem:$0x3F9C];
	_ =	swait.ge [sflag:s4], $0x0  }
0x19: {  	s7 =	sld [smem:$0x3F9D]  }
0x1a: {  	s8 =	sadd.s32 $0xFFFFE003, lr  }
0x1b: {  	s9 =	sadd.s32 $0xFFFFFEF7, lr;
	s5 =	simm.s32 $0xFFFFFFFF;
	p2 =	slt.u32 s8, $0xFFFFF086  }
0x1c: {  	p1 =	slt.u32 s9, $0xF7A;
	s5 =	simm.s32 @!p2 $0x0  }
0x1d: {  	s5 =	simm.s32 @p1 $0x1;
	p0 =	seq.s32 s7, s2  }
0x1e: {  	s7 =	smul.u32 @!p0 $0xF7A, s2;
	p2 =	seq.s32 @!p0 s5, $0x0  }
0x1f: {  	s9 =	smul.u32 $0xF7A, s1;
	s8 =	simm.s32 @!p0 $0x1BF5;
	p2 =	por !p2, p0  }
0x20: {  	[sflag:s8] =	ssyncset.s32 @!p0 $0xFFFFF086;
	s6 =	sadd.s32 @!p0 s3, s7;
	s7 =	simm.s32 @!p0 $0x108  }
0x21: {  	s3 =	sadd.s32 s3, s9;
	s6 =	sadd.s32 @!p0 $0x88, s6;
	s7 =	simm.s32 @p2 $0x1082  }
0x22: {  	[simem:s7], [sflag:s8] =	dma.local @!p0 [hbm:s6], $0xF7A  }
0x23: {  	s9 =	sor.u32 $0xD0000000, s2;
	s6 =	simm.s32 $0x108;
	_ =	swait.ge @!p0 [sflag:s8], $0x0  }
0x24: {  	s3 =	sadd.s32 $0x88, s3;
	s6 =	simm.s32 @!p1 $0x1082;
	[sflag:s4] =	ssyncset.s32 $0xFFFFF086  }
0x25: {  	[simem:s6], [sflag:s4] =	dma.local [hbm:s3], $0xF7A  }
0x26: {  	[smem:$0x3F9D] =	sst s1;
	(tag) =	ssettag s2;
	_ =	strace s9  }
0x27: {  	s1 =	sld [smem:$0x3FAD]  }
0x28: {  	s2 =	sld [smem:$0x3FAE]  }
0x29: {  	s4 =	sld [smem:$0x3FB0]  }
0x2a: {  	p0 =	seq.s32 s5, $0x0;
	s5 =	sld [smem:$0x3FB1]  }
0x2b: {  	s6 =	sld [smem:$0x3FB2]  }
0x2c: {  	s7 =	sld [smem:$0x3FB3]  }
0x2d: {  	s3 =	simm.s32 $0x108;
	s8 =	sld [smem:$0x3FB4]  }
0x2e: {  	s3 =	simm.s32 @!p0 $0x1082;
	s9 =	sld [smem:$0x3FB5]  }
0x2f: {  	lr =	sadd.s32 s0, s3;
	s0 =	sld [smem:$0x3FAC]  }
0x30: {  	s3 =	sld [smem:$0x3FAF]  }
0x31: {  	[smem:$0x3FB8] =	sst s10  }
0x32: {  	s10 =	sld [smem:$0x3FB6];
	_ =	sdelay $0x3  }
0x33: {  	p0 =	seq.s32 s10, $0x1;
	s10 =	sld [smem:$0x3FB8];
	_ =	sdelay $0x3  }
0x34: {  	[smem:$0x3FB8] =	sst s10  }
0x35: {  	s10 =	sld [smem:$0x3FB7];
	_ =	sdelay $0x3  }
0x36: {  	p1 =	seq.s32 s10, $0x1;
	s10 =	sld [smem:$0x3FB8];
	_ =	sdelay $0x3  }
0x37: {  	[smem:$0x3FB8] =	sst s10  }
0x38: {  	s10 =	sld [smem:$0x3FB9]  }
0x39: {  	_ = 	snop;
	(pc) =	sbr.ind lr, $3  }
0x3a: {  	_ = 	snop  }
0x3b: {  	_ = 	snop  }
0x3c: {  	p2 =	seq.s32 s10, $0x1;
	s10 =	sld [smem:$0x3FB8]  }
0x3d: {  	_ =	shalt  }
0x3e: {  	_ =	shalt  }
0x3f: {  	_ =	shalt  }
0x40: {  	_ =	shalt  }
0x41: {  	_ =	shalt  }
0x42: {  	_ =	shalt  }
0x43: {  	_ =	shalt  }
0x44: {  	_ =	shalt  }
0x45: {  	_ =	shalt  }
0x46: {  	_ =	shalt  }
0x47: {  	_ =	shalt  }
0x48: {  	_ =	shalt  }
0x49: {  	_ =	shalt  }
0x4a: {  	_ =	shalt  }
0x4b: {  	_ =	shalt  }
0x4c: {  	_ =	shalt  }
0x4d: {  	_ =	shalt  }
0x4e: {  	_ =	shalt  }
0x4f: {  	_ =	shalt  }
0x50: {  	_ =	shalt  }
0x51: {  	_ =	shalt  }
0x52: {  	_ =	shalt  }
0x53: {  	_ =	shalt  }
0x54: {  	_ =	shalt  }
0x55: {  	_ =	shalt  }
0x56: {  	_ =	shalt  }
0x57: {  	_ =	shalt  }
0x58: {  	_ =	shalt  }
0x59: {  	_ =	shalt  }
0x5a: {  	_ =	shalt  }
0x5b: {  	_ =	shalt  }
0x5c: {  	_ =	shalt  }
0x5d: {  	_ =	shalt  }
0x5e: {  	_ =	shalt  }
0x5f: {  	_ =	shalt  }
0x60: {  	_ =	shalt  }
0x61: {  	_ =	shalt  }
0x62: {  	_ =	shalt  }
0x63: {  	_ =	shalt  }
0x64: {  	_ =	shalt  }
0x65: {  	_ =	shalt  }
0x66: {  	_ =	shalt  }
0x67: {  	_ =	shalt  }
0x68: {  	_ =	shalt  }
0x69: {  	_ =	shalt  }
0x6a: {  	_ =	shalt  }
0x6b: {  	_ =	shalt  }
0x6c: {  	_ =	shalt  }
0x6d: {  	_ =	shalt  }
0x6e: {  	_ =	shalt  }
0x6f: {  	_ =	shalt  }
0x70: {  	_ =	shalt  }
0x71: {  	_ =	shalt  }
0x72: {  	_ =	shalt  }
0x73: {  	_ =	shalt  }
0x74: {  	_ =	shalt  }
0x75: {  	_ =	shalt  }
0x76: {  	_ =	shalt  }
0x77: {  	_ =	shalt  }
0x78: {  	_ =	shalt  }
0x79: {  	_ =	shalt  }
0x7a: {  	_ =	shalt  }
0x7b: {  	_ =	shalt  }
0x7c: {  	_ =	shalt  }
0x7d: {  	_ =	shalt  }
0x7e: {  	_ =	shalt  }
0x7f: {  	_ =	shalt  }
0x80: {  	_ =	shalt  }
0x81: {  	_ =	shalt  }
0x82: {  	_ =	shalt  }
0x83: {  	_ =	shalt  }
0x84: {  	_ =	shalt  }
0x85: {  	_ =	shalt  }
0x86: {  	_ =	shalt  }
0x87: {  	_ =	shalt  }
.Lfunc_end0:
.L_simem_size_0:
called_computation_lowered:
.L_overlay_start_0:
0x88: {  	s2 =	sld [smem:$0x3FD9]  }
0x89: {  	s3 =	sld [smem:$0x3FFE];
	_ =	sdelay $0x1  }
0x8a: {  	s1 =	srdreg.scid  }
0x8b: {  	s0 =	sand.u32 $0x1, s1  }
0x8c: {  	s17 =	sshll.u32 s0, $0xA;
	s2 =	sadd.s32 s3, s2  }
0x8d: {  	s2 =	sadd.s32 s2, s17  }
0x8e: {  	[smem:$0x3FC4] =	sst s2  }
0x8f: {  	_ = 	snop  }
0x90: {  	s2 =	sld [smem:$0x3FC9]  }
0x91: {  	s18 =	sld [smem:$0x3FC8]  }
0x92: {  	s4 =	sld [smem:$0x3FC7]  }
0x93: {  	s5 =	sld [smem:$0x3FD0];
	(tm) =	ssettm $0x1  }
0x94: {  	s6 =	sld [smem:$0x3FFB];
	_ =	sdelay $0x3  }
0x95: {  	_ =	strace s6  }
0x96: {  	s6 =	sld [smem:$0x3FFC];
	_ =	sdelay $0x3  }
0x97: {  	_ =	strace s6  }
0x98: {  	s6 =	sld [smem:$0x3FFD];
	_ =	sdelay $0x3  }
0x99: {  	_ =	strace s6  }
0x9a: {  	_ =	strace $0x8FFFFFFF  }
0x9b: {  	s19 =	sld [smem:$0x3FDB];
	_ =	sdelay $0x1  }
0x9c: {  	s7 =	simm.s32 $_scs_section_size  }
0x9d: {  	s8 =	simm.s32 $_size__tile_overlayer_lowered;
	s9 =	simm.s32 $_tile_overlayer_lowered  }
0x9e: {  	s22 =	simm.s32 $0x1BFF;
	s21 =	sshll.u32 s9, $0x1;
	s6 =	sadd.s32 s7, s19  }
0x9f: {  	s10 =	simm.s32 $0x0;
	s20 =	sshll.u32 s8, $0x1;
	s8 =	sadd.s32 s21, s6  }
0xa0: {  	[timem:s10], [sflag:s22] =	dma.local [hbm:s8], s20  }
0xa1: {  	_ =	swait.ge [sflag:s22], s20  }
0xa2: {  	s7 =	ssub.s32 $0x0, s20;
	[sflag:s22] =	ssyncset.done $0x0  }
0xa3: {  	[sflag:s22] =	ssyncadd.s32 s7;
	_ =	sdelay $0x1  }
0xa4: {  	s23 =	simm.s32 $0x1B8B  }
0xa5: {  	_ =	swait.ge [sflag:s23], $0x1  }
0xa6: {  	[sflag:s23] =	ssyncset.done $0x0  }
0xa7: {  	s25 =	simm.s32 $0x1B8E;
	s24 =	sld [smem:$0x3FFE];
	[sflag:s23] =	ssyncadd.s32 $0xFFFFFFFF  }
0xa8: {  	s26 =	simm.s32 $execute0_lowered;
	[smem:$0x3FD2] =	sst s25  }
0xa9: {  	s8 =	sshll.u32 s26, $0x1;
	_ =	strace $0x80000046;
	[dreg:$0x1] =	wrdreg $0xFFFFFFFF  }
0xaa: {  	s28 =	simm.s32 $_size_execute0_lowered;
	s6 =	sadd.s32 s6, s8;
	[dreg:$0x0] =	wrdreg $0x0  }
0xab: {  	s8 =	sshll.u32 s28, $0x1;
	[dreg:$0x2] =	wrdreg s6  }
0xac: {  	[dreg:$0x3] =	wrdreg s8  }
0xad: {  	[dreg:$0x4] =	wrdreg $0xC0  }
0xae: {  	_ =	task [dreg:s10], $0x5FFFF  }
0xaf: {  	[dreg:$0x1] =	wrdreg $0xFFFFFFFF  }
0xb0: {  	[dreg:$0x0] =	wrdreg $0x60  }
0xb1: {  	[dreg:$0x2] =	wrdreg s2  }
0xb2: {  	[dreg:$0x3] =	wrdreg s18  }
0xb3: {  	[dreg:$0x4] =	wrdreg s4  }
0xb4: {  	[dreg:$0x5] =	wrdreg s24  }
0xb5: {  	[dreg:$0x6] =	wrdreg s5  }
0xb6: {  	[dreg:$0x7] =	wrdreg $0x9  }
0xb7: {  	_ =	task.clear_ibuf [dreg:s10], $0x8FFFF;
	_ =	strace $0x90000046  }
0xb8: {  	s29 =	simm.s32 $0x9;
	_ =	strace $0x80000048  }
0xb9: {  	_ =	swait.ge [sflag:s29], $0x1  }
0xba: {  	[sflag:s29] =	ssyncadd.s32 $0xFFFFFFFF  }
0xbb: {  	_ =	strace $0x90000048  }
0xbc: {  	_ =	sfence  }
0xbd: {  	s30 =	sld [smem:$0x0];
	_ =	sdelay $0x2  }
0xbe: {  	s31 =	sshll.u32 s1, $0xD;
	s1 =	sshrl.u32 s1, $0x2  }
0xbf: {  	s3 =	sand.u32 $0x4000, s31;
	s1 =	sadd.s32 s1, s30  }
0xc0: {  	s0 =	sor.u32 s3, s0;
	s1 =	sshll.u32 s1, $0x11  }
0xc1: {  	s0 =	sor.u32 s1, s0  }
0xc2: {  	s0 =	sadd.s32 $0x8F2B, s0  }
0xc3: {  	[sflag:s0] =	ssyncadd.remote.s32 $0x1  }
0xc4: {  	_ =	sfence.sel $0xFFFF  }
0xc5: {  	[dreg:$0x0] =	wrdreg $0xFFFFFFFF;
	(pc) =	sbr.abs _section_cstart, $3  }
0xc6: {  	[dreg:$0x1] =	wrdreg $0xFFFFFFFF  }
0xc7: {  	_ =	task.clear_ibuf [dreg:s10], $0x2FFFF;
	_ =	strace $0x9FFFFFFF  }
0xc8: {  	(tm) =	ssettm $0x7FFFFFFF  }
0xc9: {  	_ =	shalt  }
tec
execute0_lowered:
.L_overlay_start_1:
0x0: {  	(tag) =	ssettag $0x1  }
0x1: {  	s24 =	rddreg [dreg:$0x0]  }
0x2: {  	s0 =	rddreg [dreg:$0x1]  }
0x3: {  	s1 =	rddreg [dreg:$0x2]  }
0x4: {  	s2 =	rddreg [dreg:$0x3]  }
0x5: {  	s4 =	rddreg [dreg:$0x4]  }
0x6: {  	s3 =	srdreg.scid;
	s7 =	stileid.u32  }
0x7: {  	s28 =	simm.s32 $0x4;
	s29 =	simm.s32 $0x1;
	s30 =	simm.s32 $0x2  }
0x8: {  	s31 =	simm.s32 $0x1EE00;
	s5 =	sand.u32 $0x1, s3;
	s6 =	sshll.u32 s7, $0x1  }
0x9: {  	s3 =	simm.s32 $0x0;
	s7 =	sshrl.u32 s7, $0x2;
	s11 =	sadd.s32 $0x400, s2  }
0xa: {  	s13 =	sadd.s32 $0x300, s24;
	s15 =	sadd.s32 $0x400, s24;
	s17 =	sadd.s32 $0x500, s24  }
0xb: {  	s19 =	sadd.s32 $0x600, s24;
	s21 =	sadd.s32 $0x700, s24;
	s6 =	sor.u32 s5, s6  }
0xc: {  	[smem:$0x7FF] =	sst s3;
	s9 =	smul.u32 $0xC3800, s7;
	s5 =	ssub.s32 $0x2, s5  }
0xd: {  	s26 =	sshll.u32 s7, $0x11;
	s7 =	sadd.s32 $0x30, s24;
	s8 =	sshll.u32 s6, $0x7  }
0xe: {  	_ =	strace $0x80000047;
	s10 =	smul.u32 $0x5, s6;
	[dreg:$0x6] =	wrdreg s11  }
0xf: {  	s22 =	sshrl.u32 s5, $0x1;
	s25 =	sshll.u32 s6, $0x9;
	s6 =	sshll.u32 s6, $0x8  }
0x10: {  	s11 =	sadd.s32 $0x200, s24;
	[dreg:$0xe] =	wrdreg s7;
	s7 =	sadd.s32 $0xC0, s24  }
0x11: {  	s8 =	sand.u32 $0x380, s8;
	s0 =	sadd.s32 s0, s6;
	[dreg:$0x17] =	wrdreg s7  }
0x12: {  	s5 =	ssub.s32 s5, s22;
	s6 =	sadd.s32 $0x20, s24;
	[dreg:$0x9] =	wrdreg s0  }
0x13: {  	s9 =	sor.u32 s9, s8;
	s2 =	sadd.s32 s10, s2;
	[dreg:$0xd] =	wrdreg s6  }
0x14: {  	s6 =	sadd.s32 $0xB0, s24;
	s0 =	simm.s32 $0x1F100;
	s9 =	sshrl.u32 s9, $0x3  }
0x15: {  	s23 =	sadd.s32 $0x600, s2;
	s2 =	sor.u32 s26, s8;
	[dreg:$0x16] =	wrdreg s6  }
0x16: {  	s8 =	sadd.s32 $0x40, s24;
	s26 =	sadd.s32 $0x60, s24;
	[dreg:$0x8] =	wrdreg s23  }
0x17: {  	s1 =	sadd.s32 s1, s9;
	s2 =	sshrl.u32 s2, $0x3;
	[dreg:$0xf] =	wrdreg s8  }
0x18: {  	s9 =	sadd.s32 $0x100, s24;
	[dreg:$0x11] =	wrdreg s26;
	s8 =	sadd.s32 $0xD0, s24  }
0x19: {  	s26 =	sadd.s32 $0xF0, s24;
	[dreg:$0x7] =	wrdreg s1;
	s1 =	sadd.s32 s25, s4  }
0x1a: {  	s10 =	sadd.s32 s4, s2;
	s4 =	smax.u32 s5, $0x1;
	[dreg:$0x18] =	wrdreg s8  }
0x1b: {  	s5 =	sadd.s32 $0x10, s24;
	s25 =	sadd.s32 $0x50, s24;
	[dreg:$0x1a] =	wrdreg s26  }
0x1c: {  	s2 =	sadd.s32 $0x80, s24;
	s26 =	simm.s32 $0x18700;
	[dreg:$0xb] =	wrdreg s4  }
0x1d: {  	s1 =	sadd.s32 $0x10000, s1;
	s12 =	sadd.s32 $0x800, s10;
	[dreg:$0xc] =	wrdreg s5  }
0x1e: {  	s14 =	sadd.s32 $0x1000, s10;
	s16 =	sadd.s32 $0x1800, s10;
	[dreg:$0x10] =	wrdreg s25  }
0x1f: {  	s18 =	sadd.s32 $0x2000, s10;
	s20 =	sadd.s32 $0x2800, s10;
	[dreg:$0x13] =	wrdreg s2  }
0x20: {  	s22 =	sadd.s32 $0x3000, s10;
	s4 =	sadd.s32 $0x90, s24;
	[dreg:$0xa] =	wrdreg s1  }
0x21: {  	s23 =	sadd.s32 $0x3800, s10;
	s5 =	sadd.s32 $0xA0, s24;
	[dreg:$0x14] =	wrdreg s4  }
0x22: {  	s25 =	sadd.s32 $0xE0, s24;
	s2 =	simm.s32 $0x1F000;
	[dreg:$0x15] =	wrdreg s5  }
0x23: {  	s1 =	sadd.s32 $0x70, s24;
	[dreg:$0x19] =	wrdreg s25;
	s4 =	simm.s32 $0x3  }
0x24: {  	s5 =	simm.s32 $0x0;
	[dreg:$0x12] =	wrdreg s1;
	s1 =	simm.s32 $0x1EF00  }
.LBB2_1:
0x25: {  	s6 =	rddreg [dreg:$0x7];
	s7 =	simm.s32 $0x80;
	s8 =	simm.s32 $0x400  }
0x26: {  	[tilespmem:s3], [sflag:$0x1] =	stream.strided.gather [hbm4b:s6+s7], $0x18680, s8, s7, $0x38;
	[tilespmem:$0x1F180] =	vst v63  }
0x27: {  	s24 =	rddreg [dreg:$0x8];
	s25 =	simm.s32 $0x18680  }
0x28: {  	[tilespmem:s25], [sflag:$0x1] =	stream.linear.gather [hbm4b:s24+s3], $0x28, $0x38;
	[tilespmem:$0x1F180] =	vst v63  }
0x29: {  	s7 =	rddreg [dreg:$0x0];
	s8 =	simm.s32 $0x1D180  }
0x2a: {  	[tilespmem:s8], [sflag:$0x2] =	stream.linear.gather [hbm4b:s7+s3], $0x80, $0x38;
	[tilespmem:$0x1F180] =	vst v63  }
0x2b: {  	s24 =	rddreg [dreg:$0xc];
	s25 =	simm.s32 $0x1D280  }
0x2c: {  	[tilespmem:s25], [sflag:$0x2] =	stream.linear.gather [hbm4b:s24+s3], $0x80, $0x38;
	[tilespmem:$0x1F180] =	vst v63  }
0x2d: {  	s7 =	rddreg [dreg:$0xd];
	s8 =	simm.s32 $0x1D380  }
0x2e: {  	[tilespmem:s8], [sflag:$0x2] =	stream.linear.gather [hbm4b:s7+s3], $0x80, $0x38;
	[tilespmem:$0x1F180] =	vst v63  }
0x2f: {  	s24 =	rddreg [dreg:$0xe];
	s25 =	simm.s32 $0x1D480  }
0x30: {  	[tilespmem:s25], [sflag:$0x2] =	stream.linear.gather [hbm4b:s24+s3], $0x80, $0x38;
	[tilespmem:$0x1F180] =	vst v63  }
0x31: {  	s7 =	rddreg [dreg:$0xf];
	s8 =	simm.s32 $0x1D580  }
0x32: {  	[tilespmem:s8], [sflag:$0x2] =	stream.linear.gather [hbm4b:s7+s3], $0x80, $0x38;
	[tilespmem:$0x1F180] =	vst v63  }
0x33: {  	s24 =	rddreg [dreg:$0x10];
	s25 =	simm.s32 $0x1D680  }
0x34: {  	[tilespmem:s25], [sflag:$0x2] =	stream.linear.gather [hbm4b:s24+s3], $0x80, $0x38;
	[tilespmem:$0x1F180] =	vst v63  }
0x35: {  	s7 =	rddreg [dreg:$0x11];
	s8 =	simm.s32 $0x1D780  }
0x36: {  	[tilespmem:s8], [sflag:$0x2] =	stream.linear.gather [hbm4b:s7+s3], $0x80, $0x38;
	[tilespmem:$0x1F180] =	vst v63  }
0x37: {  	s24 =	rddreg [dreg:$0x12];
	s25 =	simm.s32 $0x1D880  }
0x38: {  	[tilespmem:s25], [sflag:$0x2] =	stream.linear.gather [hbm4b:s24+s3], $0x80, $0x38;
	[tilespmem:$0x1F180] =	vst v63  }
0x39: {  	s7 =	rddreg [dreg:$0x13];
	s8 =	simm.s32 $0x1D980  }
0x3a: {  	[tilespmem:s8], [sflag:$0x2] =	stream.linear.gather [hbm4b:s7+s3], $0x80, $0x38;
	[tilespmem:$0x1F180] =	vst v63  }
0x3b: {  	s24 =	rddreg [dreg:$0x14];
	s25 =	simm.s32 $0x1DA80  }
0x3c: {  	[tilespmem:s25], [sflag:$0x2] =	stream.linear.gather [hbm4b:s24+s3], $0x80, $0x38;
	[tilespmem:$0x1F180] =	vst v63  }
0x3d: {  	s7 =	rddreg [dreg:$0x15];
	s8 =	simm.s32 $0x1DB80  }
0x3e: {  	[tilespmem:s8], [sflag:$0x2] =	stream.linear.gather [hbm4b:s7+s3], $0x80, $0x38;
	[tilespmem:$0x1F180] =	vst v63  }
0x3f: {  	s24 =	rddreg [dreg:$0x16];
	s25 =	simm.s32 $0x1DC80  }
0x40: {  	[tilespmem:s25], [sflag:$0x2] =	stream.linear.gather [hbm4b:s24+s3], $0x80, $0x38;
	[tilespmem:$0x1F180] =	vst v63  }
0x41: {  	s7 =	rddreg [dreg:$0x17];
	s8 =	simm.s32 $0x1DD80  }
0x42: {  	[tilespmem:s8], [sflag:$0x2] =	stream.linear.gather [hbm4b:s7+s3], $0x80, $0x38;
	[tilespmem:$0x1F180] =	vst v63  }
0x43: {  	s24 =	rddreg [dreg:$0x18];
	s25 =	simm.s32 $0x1DE80  }
0x44: {  	[tilespmem:s25], [sflag:$0x2] =	stream.linear.gather [hbm4b:s24+s3], $0x80, $0x38;
	[tilespmem:$0x1F180] =	vst v63  }
0x45: {  	s7 =	rddreg [dreg:$0x19];
	s8 =	simm.s32 $0x1DF80  }
0x46: {  	[tilespmem:s8], [sflag:$0x2] =	stream.linear.gather [hbm4b:s7+s3], $0x80, $0x38;
	[tilespmem:$0x1F180] =	vst v63  }
0x47: {  	s24 =	rddreg [dreg:$0x1a];
	s25 =	simm.s32 $0x1E080  }
0x48: {  	[tilespmem:s25], [sflag:$0x2] =	stream.linear.gather [hbm4b:s24+s3], $0x80, $0x38;
	[tilespmem:$0x1F180] =	vst v63  }
0x49: {  	s8 =	rddreg [dreg:$0x6]  }
0x4a: {  	[tilespmem:s26], [sflag:$0x4] =	stream.linear.gather [hbm4b:s8+s3], $0x280, $0x38;
	[tilespmem:$0x1F180] =	vst v63  }
0x4b: {  	_ =	swait.ge [sflag:s28], $0x280  }
0x4c: {  	[sflag:s28] =	ssyncset.done $0x0  }
0x4d: {  	s25 =	simm.s32 $0x18980;
	s24 =	rddreg [dreg:$0x9];
	[sflag:s28] =	ssyncadd.s32 $0xFFFFFD80  }
0x4e: {  	[tilespmem:s25], [sflag:$0x4] =	stream.linear.gather [hbm4b:s24+s3], $0x800, $0x38;
	[tilespmem:$0x1F180] =	vst v63  }
0x4f: {  	_ =	swait.ge [sflag:s28], $0x800  }
0x50: {  	s6 =	simm.s32 $0x0;
	[sflag:s28] =	ssyncset.done $0x0  }
0x51: {  	s7 =	simm.s32 $0x0;
	s8 =	simm.s32 $0x0;
	[sflag:s28] =	ssyncadd.s32 $0xFFFFF800  }
.LBB2_2:
0x52: {  	s24 =	sand.u32 $0x600, s6;
	s25 =	sand.u32 $0x70, s8  }
0x53: {  	s24 =	sor.u32 s25, s24  }
0x54: {  	v2 =	vld [tilespmem:s24+$0x18980]  }
0x55: {  	v3 =	vld [tilespmem:s24+$0x18A00];
	_ =	sdelay $0x1  }
0x56: {  	v1 =	vld [tilespmem:s24+$0x18A80];
	_ =	sdelay $0x1  }
0x57: {  	v0 =	vld [tilespmem:s24+$0x18B00];
	_ =	sdelay $0x2  }
0x58: {  	v4 =	vld.idx.msk [tilespmem:v2+s26+$0x0], $0xffff  }
0x59: {  	v5 =	vld.idx.msk [tilespmem:v3+s26+$0x0], $0xffff;
	_ =	sdelay $0x1  }
0x5a: {  	v6 =	vld.idx.msk [tilespmem:v1+s26+$0x0], $0xffff;
	_ =	sdelay $0x1  }
0x5b: {  	v7 =	vld.idx.msk [tilespmem:v0+s26+$0x0], $0xffff  }
0x5c: {  	v4 =	vadd.f32 v5, v4;
	_ =	sdelay $0x1  }
0x5d: {  	v4 =	vadd.f32 v6, v4;
	_ =	sdelay $0x1  }
0x5e: {  	v54 =	vadd.s32 $0x14, v2;
	v4 =	vadd.f32 v7, v4  }
0x5f: {  	v55 =	vadd.s32 $0x14, v3  }
0x60: {  	s24 =	sand.u32 $0xC00, s7;
	v4 =	vmul.f32 $2.500000000e-01, v4  }
0x61: {  	s24 =	sor.u32 s25, s24;
	v56 =	vadd.s32 $0x14, v1  }
0x62: {  	[tilespmem:s24+$0x19180] =	vst v4  }
0x63: {  	v57 =	vadd.s32 $0x14, v0;
	v4 =	vld.idx.msk [tilespmem:v54+s26+$0x0], $0xffff  }
0x64: {  	v6 =	vld.idx.msk [tilespmem:v55+s26+$0x0], $0xffff;
	_ =	sdelay $0x1  }
0x65: {  	v7 =	vld.idx.msk [tilespmem:v56+s26+$0x0], $0xffff;
	_ =	sdelay $0x1  }
0x66: {  	v5 =	vld.idx.msk [tilespmem:v57+s26+$0x0], $0xffff  }
0x67: {  	v4 =	vadd.f32 v6, v4;
	_ =	sdelay $0x1  }
0x68: {  	v4 =	vadd.f32 v7, v4;
	_ =	sdelay $0x1  }
0x69: {  	v58 =	vadd.s32 $0x28, v2;
	v4 =	vadd.f32 v5, v4  }
0x6a: {  	v59 =	vadd.s32 $0x28, v3  }
0x6b: {  	v4 =	vmul.f32 $2.500000000e-01, v4  }
0x6c: {  	v60 =	vadd.s32 $0x28, v1  }
0x6d: {  	[tilespmem:s24+$0x19200] =	vst v4  }
0x6e: {  	v61 =	vadd.s32 $0x28, v0;
	v4 =	vld.idx.msk [tilespmem:v58+s26+$0x0], $0xffff  }
0x6f: {  	v6 =	vld.idx.msk [tilespmem:v59+s26+$0x0], $0xffff;
	_ =	sdelay $0x1  }
0x70: {  	v7 =	vld.idx.msk [tilespmem:v60+s26+$0x0], $0xffff;
	_ =	sdelay $0x1  }
0x71: {  	v5 =	vld.idx.msk [tilespmem:v61+s26+$0x0], $0xffff  }
0x72: {  	v4 =	vadd.f32 v6, v4;
	_ =	sdelay $0x1  }
0x73: {  	v4 =	vadd.f32 v7, v4;
	_ =	sdelay $0x1  }
0x74: {  	v62 =	vadd.s32 $0x3C, v2;
	v4 =	vadd.f32 v5, v4  }
0x75: {  	v63 =	vadd.s32 $0x3C, v3  }
0x76: {  	v4 =	vmul.f32 $2.500000000e-01, v4  }
0x77: {  	v9 =	vadd.s32 $0x3C, v1  }
0x78: {  	[tilespmem:s24+$0x19280] =	vst v4  }
0x79: {  	v10 =	vadd.s32 $0x3C, v0;
	v4 =	vld.idx.msk [tilespmem:v62+s26+$0x0], $0xffff  }
0x7a: {  	v6 =	vld.idx.msk [tilespmem:v63+s26+$0x0], $0xffff;
	_ =	sdelay $0x1  }
0x7b: {  	v7 =	vld.idx.msk [tilespmem:v9+s26+$0x0], $0xffff;
	_ =	sdelay $0x1  }
0x7c: {  	v5 =	vld.idx.msk [tilespmem:v10+s26+$0x0], $0xffff  }
0x7d: {  	v4 =	vadd.f32 v6, v4;
	_ =	sdelay $0x1  }
0x7e: {  	v4 =	vadd.f32 v7, v4;
	_ =	sdelay $0x1  }
0x7f: {  	v11 =	vadd.s32 $0x50, v2;
	v4 =	vadd.f32 v5, v4  }
0x80: {  	v12 =	vadd.s32 $0x50, v3  }
0x81: {  	v4 =	vmul.f32 $2.500000000e-01, v4  }
0x82: {  	v13 =	vadd.s32 $0x50, v1  }
0x83: {  	[tilespmem:s24+$0x19300] =	vst v4  }
0x84: {  	v14 =	vadd.s32 $0x50, v0;
	v4 =	vld.idx.msk [tilespmem:v11+s26+$0x0], $0xffff  }
0x85: {  	v6 =	vld.idx.msk [tilespmem:v12+s26+$0x0], $0xffff;
	_ =	sdelay $0x1  }
0x86: {  	v7 =	vld.idx.msk [tilespmem:v13+s26+$0x0], $0xffff;
	_ =	sdelay $0x1  }
0x87: {  	v5 =	vld.idx.msk [tilespmem:v14+s26+$0x0], $0xffff  }
0x88: {  	v4 =	vadd.f32 v6, v4;
	_ =	sdelay $0x1  }
0x89: {  	v4 =	vadd.f32 v7, v4;
	_ =	sdelay $0x1  }
0x8a: {  	v15 =	vadd.s32 $0x64, v2;
	v4 =	vadd.f32 v5, v4  }
0x8b: {  	v16 =	vadd.s32 $0x64, v3  }
0x8c: {  	v4 =	vmul.f32 $2.500000000e-01, v4  }
0x8d: {  	v17 =	vadd.s32 $0x64, v1  }
0x8e: {  	[tilespmem:s24+$0x19380] =	vst v4  }
0x8f: {  	v18 =	vadd.s32 $0x64, v0;
	v4 =	vld.idx.msk [tilespmem:v15+s26+$0x0], $0xffff  }
0x90: {  	v6 =	vld.idx.msk [tilespmem:v16+s26+$0x0], $0xffff;
	_ =	sdelay $0x1  }
0x91: {  	v7 =	vld.idx.msk [tilespmem:v17+s26+$0x0], $0xffff;
	_ =	sdelay $0x1  }
0x92: {  	v5 =	vld.idx.msk [tilespmem:v18+s26+$0x0], $0xffff  }
0x93: {  	v4 =	vadd.f32 v6, v4;
	_ =	sdelay $0x1  }
0x94: {  	v4 =	vadd.f32 v7, v4;
	_ =	sdelay $0x1  }
0x95: {  	v19 =	vadd.s32 $0x78, v2;
	v4 =	vadd.f32 v5, v4  }
0x96: {  	v20 =	vadd.s32 $0x78, v3  }
0x97: {  	v4 =	vmul.f32 $2.500000000e-01, v4  }
0x98: {  	v21 =	vadd.s32 $0x78, v1  }
0x99: {  	[tilespmem:s24+$0x19400] =	vst v4  }
0x9a: {  	v22 =	vadd.s32 $0x78, v0;
	v4 =	vld.idx.msk [tilespmem:v19+s26+$0x0], $0xffff  }
0x9b: {  	v6 =	vld.idx.msk [tilespmem:v20+s26+$0x0], $0xffff;
	_ =	sdelay $0x1  }
0x9c: {  	v7 =	vld.idx.msk [tilespmem:v21+s26+$0x0], $0xffff;
	_ =	sdelay $0x1  }
0x9d: {  	v5 =	vld.idx.msk [tilespmem:v22+s26+$0x0], $0xffff  }
0x9e: {  	v4 =	vadd.f32 v6, v4;
	_ =	sdelay $0x1  }
0x9f: {  	v4 =	vadd.f32 v7, v4;
	_ =	sdelay $0x1  }
0xa0: {  	v23 =	vadd.s32 $0x8C, v2;
	v4 =	vadd.f32 v5, v4  }
0xa1: {  	v24 =	vadd.s32 $0x8C, v3  }
0xa2: {  	v4 =	vmul.f32 $2.500000000e-01, v4  }
0xa3: {  	v25 =	vadd.s32 $0x8C, v1  }
0xa4: {  	[tilespmem:s24+$0x19480] =	vst v4  }
0xa5: {  	v26 =	vadd.s32 $0x8C, v0;
	v4 =	vld.idx.msk [tilespmem:v23+s26+$0x0], $0xffff  }
0xa6: {  	v6 =	vld.idx.msk [tilespmem:v24+s26+$0x0], $0xffff;
	_ =	sdelay $0x1  }
0xa7: {  	v7 =	vld.idx.msk [tilespmem:v25+s26+$0x0], $0xffff;
	_ =	sdelay $0x1  }
0xa8: {  	v5 =	vld.idx.msk [tilespmem:v26+s26+$0x0], $0xffff  }
0xa9: {  	v4 =	vadd.f32 v6, v4;
	_ =	sdelay $0x1  }
0xaa: {  	v4 =	vadd.f32 v7, v4;
	_ =	sdelay $0x1  }
0xab: {  	v27 =	vadd.s32 $0xA0, v2;
	v4 =	vadd.f32 v5, v4  }
0xac: {  	v28 =	vadd.s32 $0xA0, v3  }
0xad: {  	s25 =	sor.u32 s7, s8;
	v4 =	vmul.f32 $2.500000000e-01, v4  }
0xae: {  	s25 =	sor.u32 $0x380, s25;
	v29 =	vadd.s32 $0xA0, v1  }
0xaf: {  	[tilespmem:s25+$0x19180] =	vst v4  }
0xb0: {  	v30 =	vadd.s32 $0xA0, v0;
	v4 =	vld.idx.msk [tilespmem:v27+s26+$0x0], $0xffff  }
0xb1: {  	v6 =	vld.idx.msk [tilespmem:v28+s26+$0x0], $0xffff;
	_ =	sdelay $0x1  }
0xb2: {  	v7 =	vld.idx.msk [tilespmem:v29+s26+$0x0], $0xffff;
	_ =	sdelay $0x1  }
0xb3: {  	v5 =	vld.idx.msk [tilespmem:v30+s26+$0x0], $0xffff  }
0xb4: {  	v4 =	vadd.f32 v6, v4;
	_ =	sdelay $0x1  }
0xb5: {  	v4 =	vadd.f32 v7, v4;
	_ =	sdelay $0x1  }
0xb6: {  	v31 =	vadd.s32 $0xB4, v2;
	v4 =	vadd.f32 v5, v4  }
0xb7: {  	v32 =	vadd.s32 $0xB4, v3  }
0xb8: {  	v4 =	vmul.f32 $2.500000000e-01, v4  }
0xb9: {  	v33 =	vadd.s32 $0xB4, v1  }
0xba: {  	[tilespmem:s24+$0x1A180] =	vst v4  }
0xbb: {  	v34 =	vadd.s32 $0xB4, v0;
	v4 =	vld.idx.msk [tilespmem:v31+s26+$0x0], $0xffff  }
0xbc: {  	v6 =	vld.idx.msk [tilespmem:v32+s26+$0x0], $0xffff;
	_ =	sdelay $0x1  }
0xbd: {  	v7 =	vld.idx.msk [tilespmem:v33+s26+$0x0], $0xffff;
	_ =	sdelay $0x1  }
0xbe: {  	v5 =	vld.idx.msk [tilespmem:v34+s26+$0x0], $0xffff  }
0xbf: {  	v4 =	vadd.f32 v6, v4;
	_ =	sdelay $0x1  }
0xc0: {  	v4 =	vadd.f32 v7, v4;
	_ =	sdelay $0x1  }
0xc1: {  	v35 =	vadd.s32 $0xC8, v2;
	v4 =	vadd.f32 v5, v4  }
0xc2: {  	v36 =	vadd.s32 $0xC8, v3  }
0xc3: {  	v4 =	vmul.f32 $2.500000000e-01, v4  }
0xc4: {  	v37 =	vadd.s32 $0xC8, v1  }
0xc5: {  	[tilespmem:s24+$0x1A200] =	vst v4  }
0xc6: {  	v38 =	vadd.s32 $0xC8, v0;
	v4 =	vld.idx.msk [tilespmem:v35+s26+$0x0], $0xffff  }
0xc7: {  	v6 =	vld.idx.msk [tilespmem:v36+s26+$0x0], $0xffff;
	_ =	sdelay $0x1  }
0xc8: {  	v7 =	vld.idx.msk [tilespmem:v37+s26+$0x0], $0xffff;
	_ =	sdelay $0x1  }
0xc9: {  	v5 =	vld.idx.msk [tilespmem:v38+s26+$0x0], $0xffff  }
0xca: {  	v4 =	vadd.f32 v6, v4;
	_ =	sdelay $0x1  }
0xcb: {  	v4 =	vadd.f32 v7, v4;
	_ =	sdelay $0x1  }
0xcc: {  	v39 =	vadd.s32 $0xDC, v2;
	v4 =	vadd.f32 v5, v4  }
0xcd: {  	v40 =	vadd.s32 $0xDC, v3  }
0xce: {  	v4 =	vmul.f32 $2.500000000e-01, v4  }
0xcf: {  	v41 =	vadd.s32 $0xDC, v1  }
0xd0: {  	[tilespmem:s24+$0x1A280] =	vst v4  }
0xd1: {  	v42 =	vadd.s32 $0xDC, v0;
	v4 =	vld.idx.msk [tilespmem:v39+s26+$0x0], $0xffff  }
0xd2: {  	v6 =	vld.idx.msk [tilespmem:v40+s26+$0x0], $0xffff;
	_ =	sdelay $0x1  }
0xd3: {  	v7 =	vld.idx.msk [tilespmem:v41+s26+$0x0], $0xffff;
	_ =	sdelay $0x1  }
0xd4: {  	v5 =	vld.idx.msk [tilespmem:v42+s26+$0x0], $0xffff  }
0xd5: {  	v4 =	vadd.f32 v6, v4;
	_ =	sdelay $0x1  }
0xd6: {  	v4 =	vadd.f32 v7, v4;
	_ =	sdelay $0x1  }
0xd7: {  	v43 =	vadd.s32 $0xF0, v2;
	v4 =	vadd.f32 v5, v4  }
0xd8: {  	v44 =	vadd.s32 $0xF0, v3  }
0xd9: {  	v4 =	vmul.f32 $2.500000000e-01, v4  }
0xda: {  	v45 =	vadd.s32 $0xF0, v1  }
0xdb: {  	[tilespmem:s24+$0x1A300] =	vst v4  }
0xdc: {  	v46 =	vadd.s32 $0xF0, v0;
	v4 =	vld.idx.msk [tilespmem:v43+s26+$0x0], $0xffff  }
0xdd: {  	v6 =	vld.idx.msk [tilespmem:v44+s26+$0x0], $0xffff;
	_ =	sdelay $0x1  }
0xde: {  	v7 =	vld.idx.msk [tilespmem:v45+s26+$0x0], $0xffff;
	_ =	sdelay $0x1  }
0xdf: {  	v5 =	vld.idx.msk [tilespmem:v46+s26+$0x0], $0xffff  }
0xe0: {  	v4 =	vadd.f32 v6, v4;
	_ =	sdelay $0x1  }
0xe1: {  	v4 =	vadd.f32 v7, v4;
	_ =	sdelay $0x1  }
0xe2: {  	v47 =	vadd.s32 $0x104, v2;
	v4 =	vadd.f32 v5, v4  }
0xe3: {  	v48 =	vadd.s32 $0x104, v3  }
0xe4: {  	v4 =	vmul.f32 $2.500000000e-01, v4  }
0xe5: {  	v49 =	vadd.s32 $0x104, v1  }
0xe6: {  	[tilespmem:s24+$0x1A380] =	vst v4  }
0xe7: {  	v50 =	vadd.s32 $0x104, v0;
	v4 =	vld.idx.msk [tilespmem:v47+s26+$0x0], $0xffff  }
0xe8: {  	v6 =	vld.idx.msk [tilespmem:v48+s26+$0x0], $0xffff;
	_ =	sdelay $0x1  }
0xe9: {  	v7 =	vld.idx.msk [tilespmem:v49+s26+$0x0], $0xffff;
	_ =	sdelay $0x1  }
0xea: {  	v5 =	vld.idx.msk [tilespmem:v50+s26+$0x0], $0xffff  }
0xeb: {  	v4 =	vadd.f32 v6, v4;
	_ =	sdelay $0x1  }
0xec: {  	v4 =	vadd.f32 v7, v4;
	_ =	sdelay $0x1  }
0xed: {  	v51 =	vadd.s32 $0x118, v2;
	v4 =	vadd.f32 v5, v4  }
0xee: {  	v52 =	vadd.s32 $0x118, v3  }
0xef: {  	v4 =	vmul.f32 $2.500000000e-01, v4  }
0xf0: {  	v53 =	vadd.s32 $0x118, v1  }
0xf1: {  	[tilespmem:s24+$0x1A400] =	vst v4  }
0xf2: {  	v54 =	vadd.s32 $0x118, v0;
	v4 =	vld.idx.msk [tilespmem:v51+s26+$0x0], $0xffff  }
0xf3: {  	v6 =	vld.idx.msk [tilespmem:v52+s26+$0x0], $0xffff;
	_ =	sdelay $0x1  }
0xf4: {  	v7 =	vld.idx.msk [tilespmem:v53+s26+$0x0], $0xffff;
	_ =	sdelay $0x1  }
0xf5: {  	v5 =	vld.idx.msk [tilespmem:v54+s26+$0x0], $0xffff  }
0xf6: {  	v4 =	vadd.f32 v6, v4;
	_ =	sdelay $0x1  }
0xf7: {  	v4 =	vadd.f32 v7, v4;
	_ =	sdelay $0x1  }
0xf8: {  	v55 =	vadd.s32 $0x12C, v2;
	v4 =	vadd.f32 v5, v4  }
0xf9: {  	v56 =	vadd.s32 $0x12C, v3  }
0xfa: {  	v4 =	vmul.f32 $2.500000000e-01, v4  }
0xfb: {  	v57 =	vadd.s32 $0x12C, v1  }
0xfc: {  	[tilespmem:s24+$0x1A480] =	vst v4  }
0xfd: {  	v58 =	vadd.s32 $0x12C, v0;
	v4 =	vld.idx.msk [tilespmem:v55+s26+$0x0], $0xffff  }
0xfe: {  	v6 =	vld.idx.msk [tilespmem:v56+s26+$0x0], $0xffff;
	_ =	sdelay $0x1  }
0xff: {  	v7 =	vld.idx.msk [tilespmem:v57+s26+$0x0], $0xffff;
	_ =	sdelay $0x1  }
0x100: {  	v5 =	vld.idx.msk [tilespmem:v58+s26+$0x0], $0xffff  }
0x101: {  	v4 =	vadd.f32 v6, v4;
	_ =	sdelay $0x1  }
0x102: {  	v4 =	vadd.f32 v7, v4;
	_ =	sdelay $0x1  }
0x103: {  	v59 =	vadd.s32 $0x140, v2;
	v4 =	vadd.f32 v5, v4  }
0x104: {  	v60 =	vadd.s32 $0x140, v3  }
0x105: {  	v4 =	vmul.f32 $2.500000000e-01, v4  }
0x106: {  	v61 =	vadd.s32 $0x140, v1  }
0x107: {  	[tilespmem:s24+$0x1A500] =	vst v4  }
0x108: {  	v62 =	vadd.s32 $0x140, v0;
	v4 =	vld.idx.msk [tilespmem:v59+s26+$0x0], $0xffff  }
0x109: {  	v6 =	vld.idx.msk [tilespmem:v60+s26+$0x0], $0xffff;
	_ =	sdelay $0x1  }
0x10a: {  	v7 =	vld.idx.msk [tilespmem:v61+s26+$0x0], $0xffff;
	_ =	sdelay $0x1  }
0x10b: {  	v5 =	vld.idx.msk [tilespmem:v62+s26+$0x0], $0xffff  }
0x10c: {  	v4 =	vadd.f32 v6, v4;
	_ =	sdelay $0x1  }
0x10d: {  	v4 =	vadd.f32 v7, v4;
	_ =	sdelay $0x1  }
0x10e: {  	v63 =	vadd.s32 $0x154, v2;
	v4 =	vadd.f32 v5, v4  }
0x10f: {  	v9 =	vadd.s32 $0x154, v3  }
0x110: {  	v4 =	vmul.f32 $2.500000000e-01, v4  }
0x111: {  	v10 =	vadd.s32 $0x154, v1  }
0x112: {  	[tilespmem:s24+$0x1B180] =	vst v4  }
0x113: {  	v11 =	vadd.s32 $0x154, v0;
	v4 =	vld.idx.msk [tilespmem:v63+s26+$0x0], $0xffff  }
0x114: {  	v6 =	vld.idx.msk [tilespmem:v9+s26+$0x0], $0xffff;
	_ =	sdelay $0x1  }
0x115: {  	v7 =	vld.idx.msk [tilespmem:v10+s26+$0x0], $0xffff;
	_ =	sdelay $0x1  }
0x116: {  	v5 =	vld.idx.msk [tilespmem:v11+s26+$0x0], $0xffff  }
0x117: {  	v4 =	vadd.f32 v6, v4;
	_ =	sdelay $0x1  }
0x118: {  	v4 =	vadd.f32 v7, v4;
	_ =	sdelay $0x1  }
0x119: {  	v12 =	vadd.s32 $0x168, v2;
	v4 =	vadd.f32 v5, v4  }
0x11a: {  	v13 =	vadd.s32 $0x168, v3  }
0x11b: {  	v4 =	vmul.f32 $2.500000000e-01, v4  }
0x11c: {  	v14 =	vadd.s32 $0x168, v1  }
0x11d: {  	[tilespmem:s24+$0x1B200] =	vst v4  }
0x11e: {  	v15 =	vadd.s32 $0x168, v0;
	v4 =	vld.idx.msk [tilespmem:v12+s26+$0x0], $0xffff  }
0x11f: {  	v6 =	vld.idx.msk [tilespmem:v13+s26+$0x0], $0xffff;
	_ =	sdelay $0x1  }
0x120: {  	v7 =	vld.idx.msk [tilespmem:v14+s26+$0x0], $0xffff;
	_ =	sdelay $0x1  }
0x121: {  	v5 =	vld.idx.msk [tilespmem:v15+s26+$0x0], $0xffff  }
0x122: {  	v4 =	vadd.f32 v6, v4;
	_ =	sdelay $0x1  }
0x123: {  	v4 =	vadd.f32 v7, v4;
	_ =	sdelay $0x1  }
0x124: {  	v16 =	vadd.s32 $0x17C, v2;
	v4 =	vadd.f32 v5, v4  }
0x125: {  	v17 =	vadd.s32 $0x17C, v3  }
0x126: {  	v4 =	vmul.f32 $2.500000000e-01, v4  }
0x127: {  	v18 =	vadd.s32 $0x17C, v1  }
0x128: {  	[tilespmem:s24+$0x1B280] =	vst v4  }
0x129: {  	v19 =	vadd.s32 $0x17C, v0;
	v4 =	vld.idx.msk [tilespmem:v16+s26+$0x0], $0xffff  }
0x12a: {  	v6 =	vld.idx.msk [tilespmem:v17+s26+$0x0], $0xffff;
	_ =	sdelay $0x1  }
0x12b: {  	v7 =	vld.idx.msk [tilespmem:v18+s26+$0x0], $0xffff;
	_ =	sdelay $0x1  }
0x12c: {  	v5 =	vld.idx.msk [tilespmem:v19+s26+$0x0], $0xffff  }
0x12d: {  	v4 =	vadd.f32 v6, v4;
	_ =	sdelay $0x1  }
0x12e: {  	v4 =	vadd.f32 v7, v4;
	_ =	sdelay $0x1  }
0x12f: {  	v20 =	vadd.s32 $0x190, v2;
	v4 =	vadd.f32 v5, v4  }
0x130: {  	v21 =	vadd.s32 $0x190, v3  }
0x131: {  	v4 =	vmul.f32 $2.500000000e-01, v4  }
0x132: {  	v22 =	vadd.s32 $0x190, v1  }
0x133: {  	[tilespmem:s24+$0x1B300] =	vst v4  }
0x134: {  	v23 =	vadd.s32 $0x190, v0;
	v4 =	vld.idx.msk [tilespmem:v20+s26+$0x0], $0xffff  }
0x135: {  	v6 =	vld.idx.msk [tilespmem:v21+s26+$0x0], $0xffff;
	_ =	sdelay $0x1  }
0x136: {  	v7 =	vld.idx.msk [tilespmem:v22+s26+$0x0], $0xffff;
	_ =	sdelay $0x1  }
0x137: {  	v5 =	vld.idx.msk [tilespmem:v23+s26+$0x0], $0xffff  }
0x138: {  	v4 =	vadd.f32 v6, v4;
	_ =	sdelay $0x1  }
0x139: {  	v4 =	vadd.f32 v7, v4;
	_ =	sdelay $0x1  }
0x13a: {  	v24 =	vadd.s32 $0x1A4, v2;
	v4 =	vadd.f32 v5, v4  }
0x13b: {  	v25 =	vadd.s32 $0x1A4, v3  }
0x13c: {  	v4 =	vmul.f32 $2.500000000e-01, v4  }
0x13d: {  	v26 =	vadd.s32 $0x1A4, v1  }
0x13e: {  	[tilespmem:s24+$0x1B380] =	vst v4  }
0x13f: {  	v27 =	vadd.s32 $0x1A4, v0;
	v4 =	vld.idx.msk [tilespmem:v24+s26+$0x0], $0xffff  }
0x140: {  	v6 =	vld.idx.msk [tilespmem:v25+s26+$0x0], $0xffff;
	_ =	sdelay $0x1  }
0x141: {  	v7 =	vld.idx.msk [tilespmem:v26+s26+$0x0], $0xffff;
	_ =	sdelay $0x1  }
0x142: {  	v5 =	vld.idx.msk [tilespmem:v27+s26+$0x0], $0xffff  }
0x143: {  	v4 =	vadd.f32 v6, v4;
	_ =	sdelay $0x1  }
0x144: {  	v4 =	vadd.f32 v7, v4;
	_ =	sdelay $0x1  }
0x145: {  	v28 =	vadd.s32 $0x1B8, v2;
	v4 =	vadd.f32 v5, v4  }
0x146: {  	v29 =	vadd.s32 $0x1B8, v3  }
0x147: {  	v4 =	vmul.f32 $2.500000000e-01, v4  }
0x148: {  	v30 =	vadd.s32 $0x1B8, v1  }
0x149: {  	[tilespmem:s24+$0x1B400] =	vst v4  }
0x14a: {  	v31 =	vadd.s32 $0x1B8, v0;
	v4 =	vld.idx.msk [tilespmem:v28+s26+$0x0], $0xffff  }
0x14b: {  	v6 =	vld.idx.msk [tilespmem:v29+s26+$0x0], $0xffff;
	_ =	sdelay $0x1  }
0x14c: {  	v7 =	vld.idx.msk [tilespmem:v30+s26+$0x0], $0xffff;
	_ =	sdelay $0x1  }
0x14d: {  	v5 =	vld.idx.msk [tilespmem:v31+s26+$0x0], $0xffff  }
0x14e: {  	v4 =	vadd.f32 v6, v4;
	_ =	sdelay $0x1  }
0x14f: {  	v4 =	vadd.f32 v7, v4;
	_ =	sdelay $0x1  }
0x150: {  	v32 =	vadd.s32 $0x1CC, v2;
	v4 =	vadd.f32 v5, v4  }
0x151: {  	v33 =	vadd.s32 $0x1CC, v3  }
0x152: {  	v4 =	vmul.f32 $2.500000000e-01, v4  }
0x153: {  	v34 =	vadd.s32 $0x1CC, v1  }
0x154: {  	[tilespmem:s24+$0x1B480] =	vst v4  }
0x155: {  	v35 =	vadd.s32 $0x1CC, v0;
	v4 =	vld.idx.msk [tilespmem:v32+s26+$0x0], $0xffff  }
0x156: {  	v6 =	vld.idx.msk [tilespmem:v33+s26+$0x0], $0xffff;
	_ =	sdelay $0x1  }
0x157: {  	v7 =	vld.idx.msk [tilespmem:v34+s26+$0x0], $0xffff;
	_ =	sdelay $0x1  }
0x158: {  	v5 =	vld.idx.msk [tilespmem:v35+s26+$0x0], $0xffff  }
0x159: {  	v4 =	vadd.f32 v6, v4;
	_ =	sdelay $0x1  }
0x15a: {  	v4 =	vadd.f32 v7, v4;
	_ =	sdelay $0x1  }
0x15b: {  	v36 =	vadd.s32 $0x1E0, v2;
	v4 =	vadd.f32 v5, v4  }
0x15c: {  	v37 =	vadd.s32 $0x1E0, v3  }
0x15d: {  	v4 =	vmul.f32 $2.500000000e-01, v4  }
0x15e: {  	v38 =	vadd.s32 $0x1E0, v1  }
0x15f: {  	[tilespmem:s24+$0x1B500] =	vst v4  }
0x160: {  	v39 =	vadd.s32 $0x1E0, v0;
	v4 =	vld.idx.msk [tilespmem:v36+s26+$0x0], $0xffff  }
0x161: {  	v6 =	vld.idx.msk [tilespmem:v37+s26+$0x0], $0xffff;
	_ =	sdelay $0x1  }
0x162: {  	v7 =	vld.idx.msk [tilespmem:v38+s26+$0x0], $0xffff;
	_ =	sdelay $0x1  }
0x163: {  	v5 =	vld.idx.msk [tilespmem:v39+s26+$0x0], $0xffff  }
0x164: {  	v4 =	vadd.f32 v6, v4;
	_ =	sdelay $0x1  }
0x165: {  	v4 =	vadd.f32 v7, v4;
	_ =	sdelay $0x1  }
0x166: {  	v40 =	vadd.s32 $0x1F4, v2;
	v4 =	vadd.f32 v5, v4  }
0x167: {  	v41 =	vadd.s32 $0x1F4, v3  }
0x168: {  	v4 =	vmul.f32 $2.500000000e-01, v4  }
0x169: {  	v42 =	vadd.s32 $0x1F4, v1  }
0x16a: {  	[tilespmem:s24+$0x1C180] =	vst v4  }
0x16b: {  	v43 =	vadd.s32 $0x1F4, v0;
	v4 =	vld.idx.msk [tilespmem:v40+s26+$0x0], $0xffff  }
0x16c: {  	v6 =	vld.idx.msk [tilespmem:v41+s26+$0x0], $0xffff;
	_ =	sdelay $0x1  }
0x16d: {  	v7 =	vld.idx.msk [tilespmem:v42+s26+$0x0], $0xffff;
	_ =	sdelay $0x1  }
0x16e: {  	v5 =	vld.idx.msk [tilespmem:v43+s26+$0x0], $0xffff  }
0x16f: {  	v4 =	vadd.f32 v6, v4;
	_ =	sdelay $0x1  }
0x170: {  	v4 =	vadd.f32 v7, v4;
	_ =	sdelay $0x1  }
0x171: {  	v44 =	vadd.s32 $0x208, v2;
	v4 =	vadd.f32 v5, v4  }
0x172: {  	v45 =	vadd.s32 $0x208, v3  }
0x173: {  	v4 =	vmul.f32 $2.500000000e-01, v4  }
0x174: {  	v46 =	vadd.s32 $0x208, v1  }
0x175: {  	[tilespmem:s24+$0x1C200] =	vst v4  }
0x176: {  	v47 =	vadd.s32 $0x208, v0;
	v4 =	vld.idx.msk [tilespmem:v44+s26+$0x0], $0xffff  }
0x177: {  	v6 =	vld.idx.msk [tilespmem:v45+s26+$0x0], $0xffff;
	_ =	sdelay $0x1  }
0x178: {  	v7 =	vld.idx.msk [tilespmem:v46+s26+$0x0], $0xffff;
	_ =	sdelay $0x1  }
0x179: {  	v5 =	vld.idx.msk [tilespmem:v47+s26+$0x0], $0xffff  }
0x17a: {  	v4 =	vadd.f32 v6, v4;
	_ =	sdelay $0x1  }
0x17b: {  	v4 =	vadd.f32 v7, v4;
	_ =	sdelay $0x1  }
0x17c: {  	v48 =	vadd.s32 $0x21C, v2;
	v4 =	vadd.f32 v5, v4  }
0x17d: {  	v49 =	vadd.s32 $0x21C, v3  }
0x17e: {  	v4 =	vmul.f32 $2.500000000e-01, v4  }
0x17f: {  	v50 =	vadd.s32 $0x21C, v1  }
0x180: {  	[tilespmem:s24+$0x1C280] =	vst v4  }
0x181: {  	v51 =	vadd.s32 $0x21C, v0;
	v4 =	vld.idx.msk [tilespmem:v48+s26+$0x0], $0xffff  }
0x182: {  	v6 =	vld.idx.msk [tilespmem:v49+s26+$0x0], $0xffff;
	_ =	sdelay $0x1  }
0x183: {  	v7 =	vld.idx.msk [tilespmem:v50+s26+$0x0], $0xffff;
	_ =	sdelay $0x1  }
0x184: {  	v5 =	vld.idx.msk [tilespmem:v51+s26+$0x0], $0xffff  }
0x185: {  	v4 =	vadd.f32 v6, v4;
	_ =	sdelay $0x1  }
0x186: {  	v4 =	vadd.f32 v7, v4;
	_ =	sdelay $0x1  }
0x187: {  	v52 =	vadd.s32 $0x230, v2;
	v4 =	vadd.f32 v5, v4  }
0x188: {  	v53 =	vadd.s32 $0x230, v3  }
0x189: {  	v4 =	vmul.f32 $2.500000000e-01, v4  }
0x18a: {  	v54 =	vadd.s32 $0x230, v1  }
0x18b: {  	[tilespmem:s24+$0x1C300] =	vst v4  }
0x18c: {  	v55 =	vadd.s32 $0x230, v0;
	v4 =	vld.idx.msk [tilespmem:v52+s26+$0x0], $0xffff  }
0x18d: {  	v6 =	vld.idx.msk [tilespmem:v53+s26+$0x0], $0xffff;
	_ =	sdelay $0x1  }
0x18e: {  	v7 =	vld.idx.msk [tilespmem:v54+s26+$0x0], $0xffff;
	_ =	sdelay $0x1  }
0x18f: {  	v5 =	vld.idx.msk [tilespmem:v55+s26+$0x0], $0xffff  }
0x190: {  	v4 =	vadd.f32 v6, v4;
	_ =	sdelay $0x1  }
0x191: {  	v4 =	vadd.f32 v7, v4;
	_ =	sdelay $0x1  }
0x192: {  	v56 =	vadd.s32 $0x244, v2;
	v4 =	vadd.f32 v5, v4  }
0x193: {  	v57 =	vadd.s32 $0x244, v3  }
0x194: {  	v4 =	vmul.f32 $2.500000000e-01, v4  }
0x195: {  	v58 =	vadd.s32 $0x244, v1  }
0x196: {  	[tilespmem:s24+$0x1C380] =	vst v4  }
0x197: {  	v59 =	vadd.s32 $0x244, v0;
	v4 =	vld.idx.msk [tilespmem:v56+s26+$0x0], $0xffff  }
0x198: {  	v6 =	vld.idx.msk [tilespmem:v57+s26+$0x0], $0xffff;
	_ =	sdelay $0x1  }
0x199: {  	v7 =	vld.idx.msk [tilespmem:v58+s26+$0x0], $0xffff;
	_ =	sdelay $0x1  }
0x19a: {  	v5 =	vld.idx.msk [tilespmem:v59+s26+$0x0], $0xffff  }
0x19b: {  	v4 =	vadd.f32 v6, v4;
	_ =	sdelay $0x1  }
0x19c: {  	v4 =	vadd.f32 v7, v4;
	_ =	sdelay $0x1  }
0x19d: {  	v60 =	vadd.s32 $0x258, v2;
	v4 =	vadd.f32 v5, v4  }
0x19e: {  	v61 =	vadd.s32 $0x258, v3  }
0x19f: {  	v4 =	vmul.f32 $2.500000000e-01, v4  }
0x1a0: {  	v62 =	vadd.s32 $0x258, v1  }
0x1a1: {  	[tilespmem:s24+$0x1C400] =	vst v4  }
0x1a2: {  	v63 =	vadd.s32 $0x258, v0;
	v4 =	vld.idx.msk [tilespmem:v60+s26+$0x0], $0xffff  }
0x1a3: {  	v6 =	vld.idx.msk [tilespmem:v61+s26+$0x0], $0xffff;
	_ =	sdelay $0x1  }
0x1a4: {  	v7 =	vld.idx.msk [tilespmem:v62+s26+$0x0], $0xffff;
	_ =	sdelay $0x1  }
0x1a5: {  	v5 =	vld.idx.msk [tilespmem:v63+s26+$0x0], $0xffff  }
0x1a6: {  	v4 =	vadd.f32 v6, v4;
	_ =	sdelay $0x1  }
0x1a7: {  	v4 =	vadd.f32 v7, v4;
	_ =	sdelay $0x1  }
0x1a8: {  	v2 =	vadd.s32 $0x26C, v2;
	v4 =	vadd.f32 v5, v4  }
0x1a9: {  	v3 =	vadd.s32 $0x26C, v3  }
0x1aa: {  	v4 =	vmul.f32 $2.500000000e-01, v4  }
0x1ab: {  	v1 =	vadd.s32 $0x26C, v1  }
0x1ac: {  	[tilespmem:s24+$0x1C480] =	vst v4  }
0x1ad: {  	v0 =	vadd.s32 $0x26C, v0;
	v2 =	vld.idx.msk [tilespmem:v2+s26+$0x0], $0xffff  }
0x1ae: {  	v3 =	vld.idx.msk [tilespmem:v3+s26+$0x0], $0xffff;
	_ =	sdelay $0x1  }
0x1af: {  	v1 =	vld.idx.msk [tilespmem:v1+s26+$0x0], $0xffff;
	_ =	sdelay $0x1  }
0x1b0: {  	v0 =	vld.idx.msk [tilespmem:v0+s26+$0x0], $0xffff  }
0x1b1: {  	v2 =	vadd.f32 v3, v2;
	_ =	sdelay $0x1  }
0x1b2: {  	v1 =	vadd.f32 v1, v2  }
0x1b3: {  	p0 =	sne.s32 s8, $0x1F0  }
.Ltmp0:
0x1b4: {  	v0 =	vadd.f32 v0, v1;
	(pc) =	sbr.rel @p0 .LBB2_2-.Ltmp0, $3  }
0x1b5: {  	_ = 	snop  }
0x1b6: {  	v0 =	vmul.f32 $2.500000000e-01, v0;
	_ =	sdelay $0x1  }
0x1b7: {  	s6 =	sadd.s32 $0x40, s6;
	s7 =	sadd.s32 $0x80, s7;
	s8 =	sadd.s32 $0x10, s8;
	[tilespmem:s24+$0x1C500] =	vst v0  }
0x1b8: {  	s6 =	rddreg [dreg:$0xa]  }
0x1b9: {  	s7 =	simm.s32 $0x1000;
	s8 =	simm.s32 $0x20000;
	s24 =	simm.s32 $0x19180  }
0x1ba: {  	[hbm4b:s6+s7] =	stream.strided.scatter [tilespmem:s24], [sflag:$0x3], $0x4000, s8, s7, $0x38;
	[tilespmem:$0x1F180] =	vst v63  }
0x1bb: {  	_ =	swait.ge [sflag:s29], $0x18680  }
0x1bc: {  	[sflag:s29] =	ssyncset.done $0x0  }
0x1bd: {  	[sflag:s29] =	ssyncadd.s32 $0xFFFE7980  }
0x1be: {  	_ =	swait.ge [sflag:s29], $0x28  }
0x1bf: {  	[sflag:s29] =	ssyncset.done $0x0  }
0x1c0: {  	[sflag:s29] =	ssyncadd.s32 $0xFFFFFFD8  }
0x1c1: {  	_ =	swait.ge [sflag:s30], $0x800  }
0x1c2: {  	[sflag:s30] =	ssyncset.done $0x0  }
0x1c3: {  	s6 =	simm.s32 $0x0;
	s8 =	simm.s32 $0x1D200;
	[sflag:s30] =	ssyncadd.s32 $0xFFFFF800  }
0x1c4: {  	[tilespmem:s8], [sflag:$0x2] =	stream.linear.gather [hbm4b:s9+s6], $0x80, $0x38;
	[tilespmem:$0x1F180] =	vst v63  }
0x1c5: {  	s25 =	simm.s32 $0x1D300;
	s24 =	sadd.s32 $0x10, s9  }
0x1c6: {  	[tilespmem:s25], [sflag:$0x2] =	stream.linear.gather [hbm4b:s24+s6], $0x80, $0x38;
	[tilespmem:$0x1F180] =	vst v63  }
0x1c7: {  	s24 =	sadd.s32 $0x20, s9;
	s25 =	simm.s32 $0x1D400  }
0x1c8: {  	[tilespmem:s25], [sflag:$0x2] =	stream.linear.gather [hbm4b:s24+s6], $0x80, $0x38;
	[tilespmem:$0x1F180] =	vst v63  }
0x1c9: {  	s24 =	sadd.s32 $0x30, s9;
	s25 =	simm.s32 $0x1D500  }
0x1ca: {  	[tilespmem:s25], [sflag:$0x2] =	stream.linear.gather [hbm4b:s24+s6], $0x80, $0x38;
	[tilespmem:$0x1F180] =	vst v63  }
0x1cb: {  	s24 =	sadd.s32 $0x40, s9;
	s25 =	simm.s32 $0x1D600  }
0x1cc: {  	[tilespmem:s25], [sflag:$0x2] =	stream.linear.gather [hbm4b:s24+s6], $0x80, $0x38;
	[tilespmem:$0x1F180] =	vst v63  }
0x1cd: {  	s24 =	sadd.s32 $0x50, s9;
	s25 =	simm.s32 $0x1D700  }
0x1ce: {  	[tilespmem:s25], [sflag:$0x2] =	stream.linear.gather [hbm4b:s24+s6], $0x80, $0x38;
	[tilespmem:$0x1F180] =	vst v63  }
0x1cf: {  	s24 =	sadd.s32 $0x60, s9;
	s25 =	simm.s32 $0x1D800  }
0x1d0: {  	[tilespmem:s25], [sflag:$0x2] =	stream.linear.gather [hbm4b:s24+s6], $0x80, $0x38;
	[tilespmem:$0x1F180] =	vst v63  }
0x1d1: {  	s24 =	sadd.s32 $0x70, s9;
	s25 =	simm.s32 $0x1D900  }
0x1d2: {  	[tilespmem:s25], [sflag:$0x2] =	stream.linear.gather [hbm4b:s24+s6], $0x80, $0x38;
	[tilespmem:$0x1F180] =	vst v63  }
0x1d3: {  	s24 =	sadd.s32 $0x80, s9;
	s25 =	simm.s32 $0x1DA00  }
0x1d4: {  	[tilespmem:s25], [sflag:$0x2] =	stream.linear.gather [hbm4b:s24+s6], $0x80, $0x38;
	[tilespmem:$0x1F180] =	vst v63  }
0x1d5: {  	s24 =	sadd.s32 $0x90, s9;
	s25 =	simm.s32 $0x1DB00  }
0x1d6: {  	[tilespmem:s25], [sflag:$0x2] =	stream.linear.gather [hbm4b:s24+s6], $0x80, $0x38;
	[tilespmem:$0x1F180] =	vst v63  }
0x1d7: {  	s24 =	sadd.s32 $0xA0, s9;
	s25 =	simm.s32 $0x1DC00  }
0x1d8: {  	[tilespmem:s25], [sflag:$0x2] =	stream.linear.gather [hbm4b:s24+s6], $0x80, $0x38;
	[tilespmem:$0x1F180] =	vst v63  }
0x1d9: {  	s24 =	sadd.s32 $0xB0, s9;
	s25 =	simm.s32 $0x1DD00  }
0x1da: {  	[tilespmem:s25], [sflag:$0x2] =	stream.linear.gather [hbm4b:s24+s6], $0x80, $0x38;
	[tilespmem:$0x1F180] =	vst v63  }
0x1db: {  	s24 =	sadd.s32 $0xC0, s9;
	s25 =	simm.s32 $0x1DE00  }
0x1dc: {  	[tilespmem:s25], [sflag:$0x2] =	stream.linear.gather [hbm4b:s24+s6], $0x80, $0x38;
	[tilespmem:$0x1F180] =	vst v63  }
0x1dd: {  	s24 =	sadd.s32 $0xD0, s9;
	s25 =	simm.s32 $0x1DF00  }
0x1de: {  	[tilespmem:s25], [sflag:$0x2] =	stream.linear.gather [hbm4b:s24+s6], $0x80, $0x38;
	[tilespmem:$0x1F180] =	vst v63  }
0x1df: {  	s24 =	sadd.s32 $0xE0, s9;
	s25 =	simm.s32 $0x1E000  }
0x1e0: {  	[tilespmem:s25], [sflag:$0x2] =	stream.linear.gather [hbm4b:s24+s6], $0x80, $0x38;
	[tilespmem:$0x1F180] =	vst v63  }
0x1e1: {  	s24 =	sadd.s32 $0xF0, s9;
	s25 =	simm.s32 $0x1E100  }
0x1e2: {  	[tilespmem:s25], [sflag:$0x2] =	stream.linear.gather [hbm4b:s24+s6], $0x80, $0x38;
	[tilespmem:$0x1F180] =	vst v63  }
0x1e3: {  	s24 =	sand.u32 $0x70, s6;
	s6 =	sand.u32 $0xF00, s6  }
0x1e4: {  	s6 =	sor.u32 s24, s6  }
0x1e5: {  	v0 =	vld [tilespmem:s6+$0x1D180];
	_ =	sdelay $0x5  }
0x1e6: {  	s7 =	simm.s32 $0x20;
	s25 =	simm.s32 $0x10  }
0x1e7: {  	s8 =	simm.s32 $0x20;
	s24 =	sand.u32 $0x70, s25;
	s25 =	sand.u32 $0xF00, s7  }
.LBB2_4:
0x1e8: {  	p0 =	sne.s32 s8, $0x7F0;
	s24 =	sor.u32 s24, s25;
	v1 =	vld.idx.msk [tilespmem:v0+s3+$0x0], $0xffff  }
0x1e9: {  	v0 =	vld [tilespmem:s24+$0x1D180];
	_ =	sdelay $0x2  }
.Ltmp1:
0x1ea: {  	(pc) =	sbr.rel @p0 .LBB2_4-.Ltmp1, $4  }
0x1eb: {  	_ = 	snop  }
0x1ec: {  	[tilespmem:s6+$0x1E180] =	vst v1;
	s6 =	smov.u32 s24  }
0x1ed: {  	s7 =	sadd.s32 $0x20, s7  }
0x1ee: {  	s25 =	sand.u32 $0xF00, s7;
	s24 =	sand.u32 $0x70, s8;
	s8 =	sadd.s32 $0x10, s8  }
0x1ef: {  	_ = 	snop  }
0x1f0: {  	s7 =	sor.u32 s24, s25  }
0x1f1: {  	v1 =	vld [tilespmem:s7+$0x1D180];
	_ =	sdelay $0x1  }
0x1f2: {  	v0 =	vld.idx.msk [tilespmem:v0+s3+$0x0], $0xffff;
	_ =	sdelay $0x4  }
0x1f3: {  	[tilespmem:s6+$0x1E180] =	vst v0  }
0x1f4: {  	v0 =	vld.idx.msk [tilespmem:v1+s3+$0x0], $0xffff;
	_ =	sdelay $0x4  }
0x1f5: {  	s24 =	simm.s32 $0x1E180;
	s6 =	simm.s32 $0x0;
	[tilespmem:s7+$0x1E180] =	vst v0  }
0x1f6: {  	[hbm4b:s10+s6] =	stream.linear.scatter [tilespmem:s24], [sflag:$0x3], $0x80, $0x38;
	[tilespmem:$0x1F180] =	vst v63  }
0x1f7: {  	s25 =	sadd.s32 $0x80, s10;
	s8 =	simm.s32 $0x1E280  }
0x1f8: {  	[hbm4b:s25+s6] =	stream.linear.scatter [tilespmem:s8], [sflag:$0x3], $0x80, $0x38;
	[tilespmem:$0x1F180] =	vst v63  }
0x1f9: {  	s24 =	sadd.s32 $0x100, s10;
	s25 =	simm.s32 $0x1E380  }
0x1fa: {  	[hbm4b:s24+s6] =	stream.linear.scatter [tilespmem:s25], [sflag:$0x3], $0x80, $0x38;
	[tilespmem:$0x1F180] =	vst v63  }
0x1fb: {  	s24 =	sadd.s32 $0x180, s10;
	s25 =	simm.s32 $0x1E480  }
0x1fc: {  	[hbm4b:s24+s6] =	stream.linear.scatter [tilespmem:s25], [sflag:$0x3], $0x80, $0x38;
	[tilespmem:$0x1F180] =	vst v63  }
0x1fd: {  	s24 =	sadd.s32 $0x200, s10;
	s25 =	simm.s32 $0x1E580  }
0x1fe: {  	[hbm4b:s24+s6] =	stream.linear.scatter [tilespmem:s25], [sflag:$0x3], $0x80, $0x38;
	[tilespmem:$0x1F180] =	vst v63  }
0x1ff: {  	s24 =	sadd.s32 $0x280, s10;
	s25 =	simm.s32 $0x1E680  }
0x200: {  	[hbm4b:s24+s6] =	stream.linear.scatter [tilespmem:s25], [sflag:$0x3], $0x80, $0x38;
	[tilespmem:$0x1F180] =	vst v63  }
0x201: {  	s24 =	sadd.s32 $0x300, s10;
	s25 =	simm.s32 $0x1E780  }
0x202: {  	[hbm4b:s24+s6] =	stream.linear.scatter [tilespmem:s25], [sflag:$0x3], $0x80, $0x38;
	[tilespmem:$0x1F180] =	vst v63  }
0x203: {  	s24 =	sadd.s32 $0x380, s10;
	s25 =	simm.s32 $0x1E880  }
0x204: {  	[hbm4b:s24+s6] =	stream.linear.scatter [tilespmem:s25], [sflag:$0x3], $0x80, $0x38;
	[tilespmem:$0x1F180] =	vst v63  }
0x205: {  	s24 =	sadd.s32 $0x400, s10;
	s25 =	simm.s32 $0x1E980  }
0x206: {  	[hbm4b:s24+s6] =	stream.linear.scatter [tilespmem:s25], [sflag:$0x3], $0x80, $0x38;
	[tilespmem:$0x1F180] =	vst v63  }
0x207: {  	s24 =	sadd.s32 $0x480, s10;
	s25 =	simm.s32 $0x1EA80  }
0x208: {  	[hbm4b:s24+s6] =	stream.linear.scatter [tilespmem:s25], [sflag:$0x3], $0x80, $0x38;
	[tilespmem:$0x1F180] =	vst v63  }
0x209: {  	s24 =	sadd.s32 $0x500, s10;
	s25 =	simm.s32 $0x1EB80  }
0x20a: {  	[hbm4b:s24+s6] =	stream.linear.scatter [tilespmem:s25], [sflag:$0x3], $0x80, $0x38;
	[tilespmem:$0x1F180] =	vst v63  }
0x20b: {  	s24 =	sadd.s32 $0x580, s10;
	s25 =	simm.s32 $0x1EC80  }
0x20c: {  	[hbm4b:s24+s6] =	stream.linear.scatter [tilespmem:s25], [sflag:$0x3], $0x80, $0x38;
	[tilespmem:$0x1F180] =	vst v63  }
0x20d: {  	s24 =	sadd.s32 $0x600, s10;
	s25 =	simm.s32 $0x1ED80  }
0x20e: {  	[hbm4b:s24+s6] =	stream.linear.scatter [tilespmem:s25], [sflag:$0x3], $0x80, $0x38;
	[tilespmem:$0x1F180] =	vst v63  }
0x20f: {  	s24 =	sadd.s32 $0x680, s10;
	s25 =	simm.s32 $0x1EE80  }
0x210: {  	[hbm4b:s24+s6] =	stream.linear.scatter [tilespmem:s25], [sflag:$0x3], $0x80, $0x38;
	[tilespmem:$0x1F180] =	vst v63  }
0x211: {  	s24 =	sadd.s32 $0x700, s10;
	s25 =	simm.s32 $0x1EF80  }
0x212: {  	[hbm4b:s24+s6] =	stream.linear.scatter [tilespmem:s25], [sflag:$0x3], $0x80, $0x38;
	[tilespmem:$0x1F180] =	vst v63  }
0x213: {  	s24 =	sadd.s32 $0x780, s10;
	s25 =	simm.s32 $0x1F080  }
0x214: {  	[hbm4b:s24+s6] =	stream.linear.scatter [tilespmem:s25], [sflag:$0x3], $0x80, $0x38;
	[tilespmem:$0x1F180] =	vst v63  }
0x215: {  	_ =	swait.ge [sflag:s30], $0x800  }
0x216: {  	[sflag:s30] =	ssyncset.done $0x0  }
0x217: {  	s8 =	simm.s32 $0x1D180;
	[sflag:s30] =	ssyncadd.s32 $0xFFFFF800  }
0x218: {  	[tilespmem:s8], [sflag:$0x2] =	stream.linear.gather [hbm4b:s11+s6], $0x80, $0x38;
	[tilespmem:$0x1F180] =	vst v63  }
0x219: {  	s24 =	sadd.s32 $0x10, s11;
	s25 =	simm.s32 $0x1D280  }
0x21a: {  	[tilespmem:s25], [sflag:$0x2] =	stream.linear.gather [hbm4b:s24+s6], $0x80, $0x38;
	[tilespmem:$0x1F180] =	vst v63  }
0x21b: {  	s24 =	sadd.s32 $0x20, s11;
	s25 =	simm.s32 $0x1D380  }
0x21c: {  	[tilespmem:s25], [sflag:$0x2] =	stream.linear.gather [hbm4b:s24+s6], $0x80, $0x38;
	[tilespmem:$0x1F180] =	vst v63  }
0x21d: {  	s24 =	sadd.s32 $0x30, s11;
	s25 =	simm.s32 $0x1D480  }
0x21e: {  	[tilespmem:s25], [sflag:$0x2] =	stream.linear.gather [hbm4b:s24+s6], $0x80, $0x38;
	[tilespmem:$0x1F180] =	vst v63  }
0x21f: {  	s24 =	sadd.s32 $0x40, s11;
	s25 =	simm.s32 $0x1D580  }
0x220: {  	[tilespmem:s25], [sflag:$0x2] =	stream.linear.gather [hbm4b:s24+s6], $0x80, $0x38;
	[tilespmem:$0x1F180] =	vst v63  }
0x221: {  	s24 =	sadd.s32 $0x50, s11;
	s25 =	simm.s32 $0x1D680  }
0x222: {  	[tilespmem:s25], [sflag:$0x2] =	stream.linear.gather [hbm4b:s24+s6], $0x80, $0x38;
	[tilespmem:$0x1F180] =	vst v63  }
0x223: {  	s24 =	sadd.s32 $0x60, s11;
	s25 =	simm.s32 $0x1D780  }
0x224: {  	[tilespmem:s25], [sflag:$0x2] =	stream.linear.gather [hbm4b:s24+s6], $0x80, $0x38;
	[tilespmem:$0x1F180] =	vst v63  }
0x225: {  	s24 =	sadd.s32 $0x70, s11;
	s25 =	simm.s32 $0x1D880  }
0x226: {  	[tilespmem:s25], [sflag:$0x2] =	stream.linear.gather [hbm4b:s24+s6], $0x80, $0x38;
	[tilespmem:$0x1F180] =	vst v63  }
0x227: {  	s24 =	sadd.s32 $0x80, s11;
	s25 =	simm.s32 $0x1D980  }
0x228: {  	[tilespmem:s25], [sflag:$0x2] =	stream.linear.gather [hbm4b:s24+s6], $0x80, $0x38;
	[tilespmem:$0x1F180] =	vst v63  }
0x229: {  	s24 =	sadd.s32 $0x90, s11;
	s25 =	simm.s32 $0x1DA80  }
0x22a: {  	[tilespmem:s25], [sflag:$0x2] =	stream.linear.gather [hbm4b:s24+s6], $0x80, $0x38;
	[tilespmem:$0x1F180] =	vst v63  }
0x22b: {  	s24 =	sadd.s32 $0xA0, s11;
	s25 =	simm.s32 $0x1DB80  }
0x22c: {  	[tilespmem:s25], [sflag:$0x2] =	stream.linear.gather [hbm4b:s24+s6], $0x80, $0x38;
	[tilespmem:$0x1F180] =	vst v63  }
0x22d: {  	s24 =	sadd.s32 $0xB0, s11;
	s25 =	simm.s32 $0x1DC80  }
0x22e: {  	[tilespmem:s25], [sflag:$0x2] =	stream.linear.gather [hbm4b:s24+s6], $0x80, $0x38;
	[tilespmem:$0x1F180] =	vst v63  }
0x22f: {  	s24 =	sadd.s32 $0xC0, s11;
	s25 =	simm.s32 $0x1DD80  }
0x230: {  	[tilespmem:s25], [sflag:$0x2] =	stream.linear.gather [hbm4b:s24+s6], $0x80, $0x38;
	[tilespmem:$0x1F180] =	vst v63  }
0x231: {  	s24 =	sadd.s32 $0xD0, s11;
	s25 =	simm.s32 $0x1DE80  }
0x232: {  	[tilespmem:s25], [sflag:$0x2] =	stream.linear.gather [hbm4b:s24+s6], $0x80, $0x38;
	[tilespmem:$0x1F180] =	vst v63  }
0x233: {  	s24 =	sadd.s32 $0xE0, s11;
	s25 =	simm.s32 $0x1DF80  }
0x234: {  	[tilespmem:s25], [sflag:$0x2] =	stream.linear.gather [hbm4b:s24+s6], $0x80, $0x38;
	[tilespmem:$0x1F180] =	vst v63  }
0x235: {  	s24 =	sadd.s32 $0xF0, s11;
	s25 =	simm.s32 $0x1E080  }
0x236: {  	[tilespmem:s25], [sflag:$0x2] =	stream.linear.gather [hbm4b:s24+s6], $0x80, $0x38;
	[tilespmem:$0x1F180] =	vst v63  }
0x237: {  	s24 =	sand.u32 $0x70, s6;
	s6 =	sand.u32 $0xF00, s6  }
0x238: {  	s6 =	sor.u32 s6, s24  }
0x239: {  	v0 =	vld [tilespmem:s6+$0x1D200];
	_ =	sdelay $0x5  }
0x23a: {  	s7 =	simm.s32 $0x20;
	s25 =	simm.s32 $0x10  }
0x23b: {  	s8 =	simm.s32 $0x20;
	s24 =	sand.u32 $0x70, s25;
	s25 =	sand.u32 $0xF00, s7  }
.LBB2_6:
0x23c: {  	p0 =	sne.s32 s8, $0x7F0;
	s24 =	sor.u32 s25, s24;
	v1 =	vld.idx.msk [tilespmem:v0+s3+$0x0], $0xffff  }
0x23d: {  	v0 =	vld [tilespmem:s24+$0x1D200];
	_ =	sdelay $0x2  }
.Ltmp2:
0x23e: {  	(pc) =	sbr.rel @p0 .LBB2_6-.Ltmp2, $4  }
0x23f: {  	_ = 	snop  }
0x240: {  	[tilespmem:s6+$0x1E200] =	vst v1;
	s6 =	smov.u32 s24  }
0x241: {  	s7 =	sadd.s32 $0x20, s7  }
0x242: {  	s25 =	sand.u32 $0xF00, s7;
	s24 =	sand.u32 $0x70, s8;
	s8 =	sadd.s32 $0x10, s8  }
0x243: {  	_ = 	snop  }
0x244: {  	s7 =	sor.u32 s25, s24  }
0x245: {  	v1 =	vld [tilespmem:s7+$0x1D200];
	_ =	sdelay $0x1  }
0x246: {  	v0 =	vld.idx.msk [tilespmem:v0+s3+$0x0], $0xffff;
	_ =	sdelay $0x4  }
0x247: {  	[tilespmem:s6+$0x1E200] =	vst v0  }
0x248: {  	v0 =	vld.idx.msk [tilespmem:v1+s3+$0x0], $0xffff;
	_ =	sdelay $0x4  }
0x249: {  	s24 =	simm.s32 $0x1E200;
	s6 =	simm.s32 $0x0;
	[tilespmem:s7+$0x1E200] =	vst v0  }
0x24a: {  	[hbm4b:s12+s6] =	stream.linear.scatter [tilespmem:s24], [sflag:$0x3], $0x80, $0x38;
	[tilespmem:$0x1F180] =	vst v63  }
0x24b: {  	s25 =	sadd.s32 $0x80, s12;
	s8 =	simm.s32 $0x1E300  }
0x24c: {  	[hbm4b:s25+s6] =	stream.linear.scatter [tilespmem:s8], [sflag:$0x3], $0x80, $0x38;
	[tilespmem:$0x1F180] =	vst v63  }
0x24d: {  	s24 =	sadd.s32 $0x100, s12;
	s25 =	simm.s32 $0x1E400  }
0x24e: {  	[hbm4b:s24+s6] =	stream.linear.scatter [tilespmem:s25], [sflag:$0x3], $0x80, $0x38;
	[tilespmem:$0x1F180] =	vst v63  }
0x24f: {  	s24 =	sadd.s32 $0x180, s12;
	s25 =	simm.s32 $0x1E500  }
0x250: {  	[hbm4b:s24+s6] =	stream.linear.scatter [tilespmem:s25], [sflag:$0x3], $0x80, $0x38;
	[tilespmem:$0x1F180] =	vst v63  }
0x251: {  	s24 =	sadd.s32 $0x200, s12;
	s25 =	simm.s32 $0x1E600  }
0x252: {  	[hbm4b:s24+s6] =	stream.linear.scatter [tilespmem:s25], [sflag:$0x3], $0x80, $0x38;
	[tilespmem:$0x1F180] =	vst v63  }
0x253: {  	s24 =	sadd.s32 $0x280, s12;
	s25 =	simm.s32 $0x1E700  }
0x254: {  	[hbm4b:s24+s6] =	stream.linear.scatter [tilespmem:s25], [sflag:$0x3], $0x80, $0x38;
	[tilespmem:$0x1F180] =	vst v63  }
0x255: {  	s24 =	sadd.s32 $0x300, s12;
	s25 =	simm.s32 $0x1E800  }
0x256: {  	[hbm4b:s24+s6] =	stream.linear.scatter [tilespmem:s25], [sflag:$0x3], $0x80, $0x38;
	[tilespmem:$0x1F180] =	vst v63  }
0x257: {  	s24 =	sadd.s32 $0x380, s12;
	s25 =	simm.s32 $0x1E900  }
0x258: {  	[hbm4b:s24+s6] =	stream.linear.scatter [tilespmem:s25], [sflag:$0x3], $0x80, $0x38;
	[tilespmem:$0x1F180] =	vst v63  }
0x259: {  	s24 =	sadd.s32 $0x400, s12;
	s25 =	simm.s32 $0x1EA00  }
0x25a: {  	[hbm4b:s24+s6] =	stream.linear.scatter [tilespmem:s25], [sflag:$0x3], $0x80, $0x38;
	[tilespmem:$0x1F180] =	vst v63  }
0x25b: {  	s24 =	sadd.s32 $0x480, s12;
	s25 =	simm.s32 $0x1EB00  }
0x25c: {  	[hbm4b:s24+s6] =	stream.linear.scatter [tilespmem:s25], [sflag:$0x3], $0x80, $0x38;
	[tilespmem:$0x1F180] =	vst v63  }
0x25d: {  	s24 =	sadd.s32 $0x500, s12;
	s25 =	simm.s32 $0x1EC00  }
0x25e: {  	[hbm4b:s24+s6] =	stream.linear.scatter [tilespmem:s25], [sflag:$0x3], $0x80, $0x38;
	[tilespmem:$0x1F180] =	vst v63  }
0x25f: {  	s8 =	sadd.s32 $0x580, s12;
	s24 =	simm.s32 $0x1ED00  }
0x260: {  	[hbm4b:s8+s6] =	stream.linear.scatter [tilespmem:s24], [sflag:$0x3], $0x80, $0x38;
	[tilespmem:$0x1F180] =	vst v63  }
0x261: {  	s25 =	sadd.s32 $0x600, s12  }
0x262: {  	[hbm4b:s25+s6] =	stream.linear.scatter [tilespmem:s31], [sflag:$0x3], $0x80, $0x38;
	[tilespmem:$0x1F180] =	vst v63  }
0x263: {  	s8 =	sadd.s32 $0x680, s12  }
0x264: {  	[hbm4b:s8+s6] =	stream.linear.scatter [tilespmem:s1], [sflag:$0x3], $0x80, $0x38;
	[tilespmem:$0x1F180] =	vst v63  }
0x265: {  	s24 =	sadd.s32 $0x700, s12  }
0x266: {  	[hbm4b:s24+s6] =	stream.linear.scatter [tilespmem:s2], [sflag:$0x3], $0x80, $0x38;
	[tilespmem:$0x1F180] =	vst v63  }
0x267: {  	s25 =	sadd.s32 $0x780, s12  }
0x268: {  	[hbm4b:s25+s6] =	stream.linear.scatter [tilespmem:s0], [sflag:$0x3], $0x80, $0x38;
	[tilespmem:$0x1F180] =	vst v63  }
0x269: {  	_ =	swait.ge [sflag:s30], $0x800  }
0x26a: {  	[sflag:s30] =	ssyncset.done $0x0  }
0x26b: {  	s8 =	simm.s32 $0x1D200;
	[sflag:s30] =	ssyncadd.s32 $0xFFFFF800  }
0x26c: {  	[tilespmem:s8], [sflag:$0x2] =	stream.linear.gather [hbm4b:s13+s6], $0x80, $0x38;
	[tilespmem:$0x1F180] =	vst v63  }
0x26d: {  	s24 =	sadd.s32 $0x10, s13;
	s25 =	simm.s32 $0x1D300  }
0x26e: {  	[tilespmem:s25], [sflag:$0x2] =	stream.linear.gather [hbm4b:s24+s6], $0x80, $0x38;
	[tilespmem:$0x1F180] =	vst v63  }
0x26f: {  	s24 =	sadd.s32 $0x20, s13;
	s25 =	simm.s32 $0x1D400  }
0x270: {  	[tilespmem:s25], [sflag:$0x2] =	stream.linear.gather [hbm4b:s24+s6], $0x80, $0x38;
	[tilespmem:$0x1F180] =	vst v63  }
0x271: {  	s24 =	sadd.s32 $0x30, s13;
	s25 =	simm.s32 $0x1D500  }
0x272: {  	[tilespmem:s25], [sflag:$0x2] =	stream.linear.gather [hbm4b:s24+s6], $0x80, $0x38;
	[tilespmem:$0x1F180] =	vst v63  }
0x273: {  	s24 =	sadd.s32 $0x40, s13;
	s25 =	simm.s32 $0x1D600  }
0x274: {  	[tilespmem:s25], [sflag:$0x2] =	stream.linear.gather [hbm4b:s24+s6], $0x80, $0x38;
	[tilespmem:$0x1F180] =	vst v63  }
0x275: {  	s24 =	sadd.s32 $0x50, s13;
	s25 =	simm.s32 $0x1D700  }
0x276: {  	[tilespmem:s25], [sflag:$0x2] =	stream.linear.gather [hbm4b:s24+s6], $0x80, $0x38;
	[tilespmem:$0x1F180] =	vst v63  }
0x277: {  	s24 =	sadd.s32 $0x60, s13;
	s25 =	simm.s32 $0x1D800  }
0x278: {  	[tilespmem:s25], [sflag:$0x2] =	stream.linear.gather [hbm4b:s24+s6], $0x80, $0x38;
	[tilespmem:$0x1F180] =	vst v63  }
0x279: {  	s24 =	sadd.s32 $0x70, s13;
	s25 =	simm.s32 $0x1D900  }
0x27a: {  	[tilespmem:s25], [sflag:$0x2] =	stream.linear.gather [hbm4b:s24+s6], $0x80, $0x38;
	[tilespmem:$0x1F180] =	vst v63  }
0x27b: {  	s24 =	sadd.s32 $0x80, s13;
	s25 =	simm.s32 $0x1DA00  }
0x27c: {  	[tilespmem:s25], [sflag:$0x2] =	stream.linear.gather [hbm4b:s24+s6], $0x80, $0x38;
	[tilespmem:$0x1F180] =	vst v63  }
0x27d: {  	s24 =	sadd.s32 $0x90, s13;
	s25 =	simm.s32 $0x1DB00  }
0x27e: {  	[tilespmem:s25], [sflag:$0x2] =	stream.linear.gather [hbm4b:s24+s6], $0x80, $0x38;
	[tilespmem:$0x1F180] =	vst v63  }
0x27f: {  	s24 =	sadd.s32 $0xA0, s13;
	s25 =	simm.s32 $0x1DC00  }
0x280: {  	[tilespmem:s25], [sflag:$0x2] =	stream.linear.gather [hbm4b:s24+s6], $0x80, $0x38;
	[tilespmem:$0x1F180] =	vst v63  }
0x281: {  	s24 =	sadd.s32 $0xB0, s13;
	s25 =	simm.s32 $0x1DD00  }
0x282: {  	[tilespmem:s25], [sflag:$0x2] =	stream.linear.gather [hbm4b:s24+s6], $0x80, $0x38;
	[tilespmem:$0x1F180] =	vst v63  }
0x283: {  	s24 =	sadd.s32 $0xC0, s13;
	s25 =	simm.s32 $0x1DE00  }
0x284: {  	[tilespmem:s25], [sflag:$0x2] =	stream.linear.gather [hbm4b:s24+s6], $0x80, $0x38;
	[tilespmem:$0x1F180] =	vst v63  }
0x285: {  	s24 =	sadd.s32 $0xD0, s13;
	s25 =	simm.s32 $0x1DF00  }
0x286: {  	[tilespmem:s25], [sflag:$0x2] =	stream.linear.gather [hbm4b:s24+s6], $0x80, $0x38;
	[tilespmem:$0x1F180] =	vst v63  }
0x287: {  	s24 =	sadd.s32 $0xE0, s13;
	s25 =	simm.s32 $0x1E000  }
0x288: {  	[tilespmem:s25], [sflag:$0x2] =	stream.linear.gather [hbm4b:s24+s6], $0x80, $0x38;
	[tilespmem:$0x1F180] =	vst v63  }
0x289: {  	s24 =	sadd.s32 $0xF0, s13;
	s25 =	simm.s32 $0x1E100  }
0x28a: {  	[tilespmem:s25], [sflag:$0x2] =	stream.linear.gather [hbm4b:s24+s6], $0x80, $0x38;
	[tilespmem:$0x1F180] =	vst v63  }
0x28b: {  	_ =	swait.ge [sflag:s4], $0x800  }
0x28c: {  	s24 =	sand.u32 $0x70, s6;
	s6 =	sand.u32 $0xF00, s6;
	[sflag:s4] =	ssyncset.done $0x0  }
0x28d: {  	s6 =	sor.u32 s24, s6;
	[sflag:s4] =	ssyncadd.s32 $0xFFFFF800  }
0x28e: {  	v0 =	vld [tilespmem:s6+$0x1D180];
	_ =	sdelay $0x5  }
0x28f: {  	s7 =	simm.s32 $0x20;
	s25 =	simm.s32 $0x10  }
0x290: {  	s8 =	simm.s32 $0x20;
	s24 =	sand.u32 $0x70, s25;
	s25 =	sand.u32 $0xF00, s7  }
.LBB2_8:
0x291: {  	p0 =	sne.s32 s8, $0x7F0;
	s24 =	sor.u32 s24, s25;
	v1 =	vld.idx.msk [tilespmem:v0+s3+$0x0], $0xffff  }
0x292: {  	v0 =	vld [tilespmem:s24+$0x1D180];
	_ =	sdelay $0x2  }
.Ltmp3:
0x293: {  	(pc) =	sbr.rel @p0 .LBB2_8-.Ltmp3, $4  }
0x294: {  	_ = 	snop  }
0x295: {  	[tilespmem:s6+$0x1E180] =	vst v1;
	s6 =	smov.u32 s24  }
0x296: {  	s7 =	sadd.s32 $0x20, s7  }
0x297: {  	s25 =	sand.u32 $0xF00, s7;
	s24 =	sand.u32 $0x70, s8;
	s8 =	sadd.s32 $0x10, s8  }
0x298: {  	_ = 	snop  }
0x299: {  	s7 =	sor.u32 s24, s25  }
0x29a: {  	v1 =	vld [tilespmem:s7+$0x1D180];
	_ =	sdelay $0x1  }
0x29b: {  	v0 =	vld.idx.msk [tilespmem:v0+s3+$0x0], $0xffff;
	_ =	sdelay $0x4  }
0x29c: {  	[tilespmem:s6+$0x1E180] =	vst v0  }
0x29d: {  	v0 =	vld.idx.msk [tilespmem:v1+s3+$0x0], $0xffff;
	_ =	sdelay $0x4  }
0x29e: {  	s24 =	simm.s32 $0x1E180;
	s6 =	simm.s32 $0x0;
	[tilespmem:s7+$0x1E180] =	vst v0  }
0x29f: {  	[hbm4b:s14+s6] =	stream.linear.scatter [tilespmem:s24], [sflag:$0x3], $0x80, $0x38;
	[tilespmem:$0x1F180] =	vst v63  }
0x2a0: {  	s25 =	sadd.s32 $0x80, s14;
	s8 =	simm.s32 $0x1E280  }
0x2a1: {  	[hbm4b:s25+s6] =	stream.linear.scatter [tilespmem:s8], [sflag:$0x3], $0x80, $0x38;
	[tilespmem:$0x1F180] =	vst v63  }
0x2a2: {  	s24 =	sadd.s32 $0x100, s14;
	s25 =	simm.s32 $0x1E380  }
0x2a3: {  	[hbm4b:s24+s6] =	stream.linear.scatter [tilespmem:s25], [sflag:$0x3], $0x80, $0x38;
	[tilespmem:$0x1F180] =	vst v63  }
0x2a4: {  	s24 =	sadd.s32 $0x180, s14;
	s25 =	simm.s32 $0x1E480  }
0x2a5: {  	[hbm4b:s24+s6] =	stream.linear.scatter [tilespmem:s25], [sflag:$0x3], $0x80, $0x38;
	[tilespmem:$0x1F180] =	vst v63  }
0x2a6: {  	s24 =	sadd.s32 $0x200, s14;
	s25 =	simm.s32 $0x1E580  }
0x2a7: {  	[hbm4b:s24+s6] =	stream.linear.scatter [tilespmem:s25], [sflag:$0x3], $0x80, $0x38;
	[tilespmem:$0x1F180] =	vst v63  }
0x2a8: {  	s24 =	sadd.s32 $0x280, s14;
	s25 =	simm.s32 $0x1E680  }
0x2a9: {  	[hbm4b:s24+s6] =	stream.linear.scatter [tilespmem:s25], [sflag:$0x3], $0x80, $0x38;
	[tilespmem:$0x1F180] =	vst v63  }
0x2aa: {  	s24 =	sadd.s32 $0x300, s14;
	s25 =	simm.s32 $0x1E780  }
0x2ab: {  	[hbm4b:s24+s6] =	stream.linear.scatter [tilespmem:s25], [sflag:$0x3], $0x80, $0x38;
	[tilespmem:$0x1F180] =	vst v63  }
0x2ac: {  	s24 =	sadd.s32 $0x380, s14;
	s25 =	simm.s32 $0x1E880  }
0x2ad: {  	[hbm4b:s24+s6] =	stream.linear.scatter [tilespmem:s25], [sflag:$0x3], $0x80, $0x38;
	[tilespmem:$0x1F180] =	vst v63  }
0x2ae: {  	s24 =	sadd.s32 $0x400, s14;
	s25 =	simm.s32 $0x1E980  }
0x2af: {  	[hbm4b:s24+s6] =	stream.linear.scatter [tilespmem:s25], [sflag:$0x3], $0x80, $0x38;
	[tilespmem:$0x1F180] =	vst v63  }
0x2b0: {  	s24 =	sadd.s32 $0x480, s14;
	s25 =	simm.s32 $0x1EA80  }
0x2b1: {  	[hbm4b:s24+s6] =	stream.linear.scatter [tilespmem:s25], [sflag:$0x3], $0x80, $0x38;
	[tilespmem:$0x1F180] =	vst v63  }
0x2b2: {  	s24 =	sadd.s32 $0x500, s14;
	s25 =	simm.s32 $0x1EB80  }
0x2b3: {  	[hbm4b:s24+s6] =	stream.linear.scatter [tilespmem:s25], [sflag:$0x3], $0x80, $0x38;
	[tilespmem:$0x1F180] =	vst v63  }
0x2b4: {  	s24 =	sadd.s32 $0x580, s14;
	s25 =	simm.s32 $0x1EC80  }
0x2b5: {  	[hbm4b:s24+s6] =	stream.linear.scatter [tilespmem:s25], [sflag:$0x3], $0x80, $0x38;
	[tilespmem:$0x1F180] =	vst v63  }
0x2b6: {  	s24 =	sadd.s32 $0x600, s14;
	s25 =	simm.s32 $0x1ED80  }
0x2b7: {  	[hbm4b:s24+s6] =	stream.linear.scatter [tilespmem:s25], [sflag:$0x3], $0x80, $0x38;
	[tilespmem:$0x1F180] =	vst v63  }
0x2b8: {  	s24 =	sadd.s32 $0x680, s14;
	s25 =	simm.s32 $0x1EE80  }
0x2b9: {  	[hbm4b:s24+s6] =	stream.linear.scatter [tilespmem:s25], [sflag:$0x3], $0x80, $0x38;
	[tilespmem:$0x1F180] =	vst v63  }
0x2ba: {  	s24 =	sadd.s32 $0x700, s14;
	s25 =	simm.s32 $0x1EF80  }
0x2bb: {  	[hbm4b:s24+s6] =	stream.linear.scatter [tilespmem:s25], [sflag:$0x3], $0x80, $0x38;
	[tilespmem:$0x1F180] =	vst v63  }
0x2bc: {  	s24 =	sadd.s32 $0x780, s14;
	s25 =	simm.s32 $0x1F080  }
0x2bd: {  	[hbm4b:s24+s6] =	stream.linear.scatter [tilespmem:s25], [sflag:$0x3], $0x80, $0x38;
	[tilespmem:$0x1F180] =	vst v63  }
0x2be: {  	_ =	swait.ge [sflag:s30], $0x800  }
0x2bf: {  	[sflag:s30] =	ssyncset.done $0x0  }
0x2c0: {  	s8 =	simm.s32 $0x1D180;
	[sflag:s30] =	ssyncadd.s32 $0xFFFFF800  }
0x2c1: {  	[tilespmem:s8], [sflag:$0x2] =	stream.linear.gather [hbm4b:s15+s6], $0x80, $0x38;
	[tilespmem:$0x1F180] =	vst v63  }
0x2c2: {  	s24 =	sadd.s32 $0x10, s15;
	s25 =	simm.s32 $0x1D280  }
0x2c3: {  	[tilespmem:s25], [sflag:$0x2] =	stream.linear.gather [hbm4b:s24+s6], $0x80, $0x38;
	[tilespmem:$0x1F180] =	vst v63  }
0x2c4: {  	s24 =	sadd.s32 $0x20, s15;
	s25 =	simm.s32 $0x1D380  }
0x2c5: {  	[tilespmem:s25], [sflag:$0x2] =	stream.linear.gather [hbm4b:s24+s6], $0x80, $0x38;
	[tilespmem:$0x1F180] =	vst v63  }
0x2c6: {  	s24 =	sadd.s32 $0x30, s15;
	s25 =	simm.s32 $0x1D480  }
0x2c7: {  	[tilespmem:s25], [sflag:$0x2] =	stream.linear.gather [hbm4b:s24+s6], $0x80, $0x38;
	[tilespmem:$0x1F180] =	vst v63  }
0x2c8: {  	s24 =	sadd.s32 $0x40, s15;
	s25 =	simm.s32 $0x1D580  }
0x2c9: {  	[tilespmem:s25], [sflag:$0x2] =	stream.linear.gather [hbm4b:s24+s6], $0x80, $0x38;
	[tilespmem:$0x1F180] =	vst v63  }
0x2ca: {  	s24 =	sadd.s32 $0x50, s15;
	s25 =	simm.s32 $0x1D680  }
0x2cb: {  	[tilespmem:s25], [sflag:$0x2] =	stream.linear.gather [hbm4b:s24+s6], $0x80, $0x38;
	[tilespmem:$0x1F180] =	vst v63  }
0x2cc: {  	s24 =	sadd.s32 $0x60, s15;
	s25 =	simm.s32 $0x1D780  }
0x2cd: {  	[tilespmem:s25], [sflag:$0x2] =	stream.linear.gather [hbm4b:s24+s6], $0x80, $0x38;
	[tilespmem:$0x1F180] =	vst v63  }
0x2ce: {  	s24 =	sadd.s32 $0x70, s15;
	s25 =	simm.s32 $0x1D880  }
0x2cf: {  	[tilespmem:s25], [sflag:$0x2] =	stream.linear.gather [hbm4b:s24+s6], $0x80, $0x38;
	[tilespmem:$0x1F180] =	vst v63  }
0x2d0: {  	s24 =	sadd.s32 $0x80, s15;
	s25 =	simm.s32 $0x1D980  }
0x2d1: {  	[tilespmem:s25], [sflag:$0x2] =	stream.linear.gather [hbm4b:s24+s6], $0x80, $0x38;
	[tilespmem:$0x1F180] =	vst v63  }
0x2d2: {  	s24 =	sadd.s32 $0x90, s15;
	s25 =	simm.s32 $0x1DA80  }
0x2d3: {  	[tilespmem:s25], [sflag:$0x2] =	stream.linear.gather [hbm4b:s24+s6], $0x80, $0x38;
	[tilespmem:$0x1F180] =	vst v63  }
0x2d4: {  	s24 =	sadd.s32 $0xA0, s15;
	s25 =	simm.s32 $0x1DB80  }
0x2d5: {  	[tilespmem:s25], [sflag:$0x2] =	stream.linear.gather [hbm4b:s24+s6], $0x80, $0x38;
	[tilespmem:$0x1F180] =	vst v63  }
0x2d6: {  	s24 =	sadd.s32 $0xB0, s15;
	s25 =	simm.s32 $0x1DC80  }
0x2d7: {  	[tilespmem:s25], [sflag:$0x2] =	stream.linear.gather [hbm4b:s24+s6], $0x80, $0x38;
	[tilespmem:$0x1F180] =	vst v63  }
0x2d8: {  	s24 =	sadd.s32 $0xC0, s15;
	s25 =	simm.s32 $0x1DD80  }
0x2d9: {  	[tilespmem:s25], [sflag:$0x2] =	stream.linear.gather [hbm4b:s24+s6], $0x80, $0x38;
	[tilespmem:$0x1F180] =	vst v63  }
0x2da: {  	s24 =	sadd.s32 $0xD0, s15;
	s25 =	simm.s32 $0x1DE80  }
0x2db: {  	[tilespmem:s25], [sflag:$0x2] =	stream.linear.gather [hbm4b:s24+s6], $0x80, $0x38;
	[tilespmem:$0x1F180] =	vst v63  }
0x2dc: {  	s24 =	sadd.s32 $0xE0, s15;
	s25 =	simm.s32 $0x1DF80  }
0x2dd: {  	[tilespmem:s25], [sflag:$0x2] =	stream.linear.gather [hbm4b:s24+s6], $0x80, $0x38;
	[tilespmem:$0x1F180] =	vst v63  }
0x2de: {  	s24 =	sadd.s32 $0xF0, s15;
	s25 =	simm.s32 $0x1E080  }
0x2df: {  	[tilespmem:s25], [sflag:$0x2] =	stream.linear.gather [hbm4b:s24+s6], $0x80, $0x38;
	[tilespmem:$0x1F180] =	vst v63  }
0x2e0: {  	_ =	swait.ge [sflag:s4], $0x800  }
0x2e1: {  	s24 =	sand.u32 $0x70, s6;
	s6 =	sand.u32 $0xF00, s6;
	[sflag:s4] =	ssyncset.done $0x0  }
0x2e2: {  	s6 =	sor.u32 s6, s24;
	[sflag:s4] =	ssyncadd.s32 $0xFFFFF800  }
0x2e3: {  	v0 =	vld [tilespmem:s6+$0x1D200];
	_ =	sdelay $0x5  }
0x2e4: {  	s7 =	simm.s32 $0x20;
	s25 =	simm.s32 $0x10  }
0x2e5: {  	s8 =	simm.s32 $0x20;
	s24 =	sand.u32 $0x70, s25;
	s25 =	sand.u32 $0xF00, s7  }
.LBB2_10:
0x2e6: {  	p0 =	sne.s32 s8, $0x7F0;
	s24 =	sor.u32 s25, s24;
	v1 =	vld.idx.msk [tilespmem:v0+s3+$0x0], $0xffff  }
0x2e7: {  	v0 =	vld [tilespmem:s24+$0x1D200];
	_ =	sdelay $0x2  }
.Ltmp4:
0x2e8: {  	(pc) =	sbr.rel @p0 .LBB2_10-.Ltmp4, $4  }
0x2e9: {  	_ = 	snop  }
0x2ea: {  	[tilespmem:s6+$0x1E200] =	vst v1;
	s6 =	smov.u32 s24  }
0x2eb: {  	s7 =	sadd.s32 $0x20, s7  }
0x2ec: {  	s25 =	sand.u32 $0xF00, s7;
	s24 =	sand.u32 $0x70, s8;
	s8 =	sadd.s32 $0x10, s8  }
0x2ed: {  	_ = 	snop  }
0x2ee: {  	s7 =	sor.u32 s25, s24  }
0x2ef: {  	v1 =	vld [tilespmem:s7+$0x1D200];
	_ =	sdelay $0x1  }
0x2f0: {  	v0 =	vld.idx.msk [tilespmem:v0+s3+$0x0], $0xffff;
	_ =	sdelay $0x4  }
0x2f1: {  	[tilespmem:s6+$0x1E200] =	vst v0  }
0x2f2: {  	v0 =	vld.idx.msk [tilespmem:v1+s3+$0x0], $0xffff;
	_ =	sdelay $0x4  }
0x2f3: {  	s24 =	simm.s32 $0x1E200;
	s6 =	simm.s32 $0x0;
	[tilespmem:s7+$0x1E200] =	vst v0  }
0x2f4: {  	[hbm4b:s16+s6] =	stream.linear.scatter [tilespmem:s24], [sflag:$0x3], $0x80, $0x38;
	[tilespmem:$0x1F180] =	vst v63  }
0x2f5: {  	s25 =	sadd.s32 $0x80, s16;
	s8 =	simm.s32 $0x1E300  }
0x2f6: {  	[hbm4b:s25+s6] =	stream.linear.scatter [tilespmem:s8], [sflag:$0x3], $0x80, $0x38;
	[tilespmem:$0x1F180] =	vst v63  }
0x2f7: {  	s24 =	sadd.s32 $0x100, s16;
	s25 =	simm.s32 $0x1E400  }
0x2f8: {  	[hbm4b:s24+s6] =	stream.linear.scatter [tilespmem:s25], [sflag:$0x3], $0x80, $0x38;
	[tilespmem:$0x1F180] =	vst v63  }
0x2f9: {  	s24 =	sadd.s32 $0x180, s16;
	s25 =	simm.s32 $0x1E500  }
0x2fa: {  	[hbm4b:s24+s6] =	stream.linear.scatter [tilespmem:s25], [sflag:$0x3], $0x80, $0x38;
	[tilespmem:$0x1F180] =	vst v63  }
0x2fb: {  	s24 =	sadd.s32 $0x200, s16;
	s25 =	simm.s32 $0x1E600  }
0x2fc: {  	[hbm4b:s24+s6] =	stream.linear.scatter [tilespmem:s25], [sflag:$0x3], $0x80, $0x38;
	[tilespmem:$0x1F180] =	vst v63  }
0x2fd: {  	s24 =	sadd.s32 $0x280, s16;
	s25 =	simm.s32 $0x1E700  }
0x2fe: {  	[hbm4b:s24+s6] =	stream.linear.scatter [tilespmem:s25], [sflag:$0x3], $0x80, $0x38;
	[tilespmem:$0x1F180] =	vst v63  }
0x2ff: {  	s24 =	sadd.s32 $0x300, s16;
	s25 =	simm.s32 $0x1E800  }
0x300: {  	[hbm4b:s24+s6] =	stream.linear.scatter [tilespmem:s25], [sflag:$0x3], $0x80, $0x38;
	[tilespmem:$0x1F180] =	vst v63  }
0x301: {  	s24 =	sadd.s32 $0x380, s16;
	s25 =	simm.s32 $0x1E900  }
0x302: {  	[hbm4b:s24+s6] =	stream.linear.scatter [tilespmem:s25], [sflag:$0x3], $0x80, $0x38;
	[tilespmem:$0x1F180] =	vst v63  }
0x303: {  	s24 =	sadd.s32 $0x400, s16;
	s25 =	simm.s32 $0x1EA00  }
0x304: {  	[hbm4b:s24+s6] =	stream.linear.scatter [tilespmem:s25], [sflag:$0x3], $0x80, $0x38;
	[tilespmem:$0x1F180] =	vst v63  }
0x305: {  	s24 =	sadd.s32 $0x480, s16;
	s25 =	simm.s32 $0x1EB00  }
0x306: {  	[hbm4b:s24+s6] =	stream.linear.scatter [tilespmem:s25], [sflag:$0x3], $0x80, $0x38;
	[tilespmem:$0x1F180] =	vst v63  }
0x307: {  	s24 =	sadd.s32 $0x500, s16;
	s25 =	simm.s32 $0x1EC00  }
0x308: {  	[hbm4b:s24+s6] =	stream.linear.scatter [tilespmem:s25], [sflag:$0x3], $0x80, $0x38;
	[tilespmem:$0x1F180] =	vst v63  }
0x309: {  	s8 =	sadd.s32 $0x580, s16;
	s24 =	simm.s32 $0x1ED00  }
0x30a: {  	[hbm4b:s8+s6] =	stream.linear.scatter [tilespmem:s24], [sflag:$0x3], $0x80, $0x38;
	[tilespmem:$0x1F180] =	vst v63  }
0x30b: {  	s25 =	sadd.s32 $0x600, s16  }
0x30c: {  	[hbm4b:s25+s6] =	stream.linear.scatter [tilespmem:s31], [sflag:$0x3], $0x80, $0x38;
	[tilespmem:$0x1F180] =	vst v63  }
0x30d: {  	s8 =	sadd.s32 $0x680, s16  }
0x30e: {  	[hbm4b:s8+s6] =	stream.linear.scatter [tilespmem:s1], [sflag:$0x3], $0x80, $0x38;
	[tilespmem:$0x1F180] =	vst v63  }
0x30f: {  	s24 =	sadd.s32 $0x700, s16  }
0x310: {  	[hbm4b:s24+s6] =	stream.linear.scatter [tilespmem:s2], [sflag:$0x3], $0x80, $0x38;
	[tilespmem:$0x1F180] =	vst v63  }
0x311: {  	s25 =	sadd.s32 $0x780, s16  }
0x312: {  	[hbm4b:s25+s6] =	stream.linear.scatter [tilespmem:s0], [sflag:$0x3], $0x80, $0x38;
	[tilespmem:$0x1F180] =	vst v63  }
0x313: {  	_ =	swait.ge [sflag:s30], $0x800  }
0x314: {  	[sflag:s30] =	ssyncset.done $0x0  }
0x315: {  	s8 =	simm.s32 $0x1D200;
	[sflag:s30] =	ssyncadd.s32 $0xFFFFF800  }
0x316: {  	[tilespmem:s8], [sflag:$0x2] =	stream.linear.gather [hbm4b:s17+s6], $0x80, $0x38;
	[tilespmem:$0x1F180] =	vst v63  }
0x317: {  	s24 =	sadd.s32 $0x10, s17;
	s25 =	simm.s32 $0x1D300  }
0x318: {  	[tilespmem:s25], [sflag:$0x2] =	stream.linear.gather [hbm4b:s24+s6], $0x80, $0x38;
	[tilespmem:$0x1F180] =	vst v63  }
0x319: {  	s24 =	sadd.s32 $0x20, s17;
	s25 =	simm.s32 $0x1D400  }
0x31a: {  	[tilespmem:s25], [sflag:$0x2] =	stream.linear.gather [hbm4b:s24+s6], $0x80, $0x38;
	[tilespmem:$0x1F180] =	vst v63  }
0x31b: {  	s24 =	sadd.s32 $0x30, s17;
	s25 =	simm.s32 $0x1D500  }
0x31c: {  	[tilespmem:s25], [sflag:$0x2] =	stream.linear.gather [hbm4b:s24+s6], $0x80, $0x38;
	[tilespmem:$0x1F180] =	vst v63  }
0x31d: {  	s24 =	sadd.s32 $0x40, s17;
	s25 =	simm.s32 $0x1D600  }
0x31e: {  	[tilespmem:s25], [sflag:$0x2] =	stream.linear.gather [hbm4b:s24+s6], $0x80, $0x38;
	[tilespmem:$0x1F180] =	vst v63  }
0x31f: {  	s24 =	sadd.s32 $0x50, s17;
	s25 =	simm.s32 $0x1D700  }
0x320: {  	[tilespmem:s25], [sflag:$0x2] =	stream.linear.gather [hbm4b:s24+s6], $0x80, $0x38;
	[tilespmem:$0x1F180] =	vst v63  }
0x321: {  	s24 =	sadd.s32 $0x60, s17;
	s25 =	simm.s32 $0x1D800  }
0x322: {  	[tilespmem:s25], [sflag:$0x2] =	stream.linear.gather [hbm4b:s24+s6], $0x80, $0x38;
	[tilespmem:$0x1F180] =	vst v63  }
0x323: {  	s24 =	sadd.s32 $0x70, s17;
	s25 =	simm.s32 $0x1D900  }
0x324: {  	[tilespmem:s25], [sflag:$0x2] =	stream.linear.gather [hbm4b:s24+s6], $0x80, $0x38;
	[tilespmem:$0x1F180] =	vst v63  }
0x325: {  	s24 =	sadd.s32 $0x80, s17;
	s25 =	simm.s32 $0x1DA00  }
0x326: {  	[tilespmem:s25], [sflag:$0x2] =	stream.linear.gather [hbm4b:s24+s6], $0x80, $0x38;
	[tilespmem:$0x1F180] =	vst v63  }
0x327: {  	s24 =	sadd.s32 $0x90, s17;
	s25 =	simm.s32 $0x1DB00  }
0x328: {  	[tilespmem:s25], [sflag:$0x2] =	stream.linear.gather [hbm4b:s24+s6], $0x80, $0x38;
	[tilespmem:$0x1F180] =	vst v63  }
0x329: {  	s24 =	sadd.s32 $0xA0, s17;
	s25 =	simm.s32 $0x1DC00  }
0x32a: {  	[tilespmem:s25], [sflag:$0x2] =	stream.linear.gather [hbm4b:s24+s6], $0x80, $0x38;
	[tilespmem:$0x1F180] =	vst v63  }
0x32b: {  	s24 =	sadd.s32 $0xB0, s17;
	s25 =	simm.s32 $0x1DD00  }
0x32c: {  	[tilespmem:s25], [sflag:$0x2] =	stream.linear.gather [hbm4b:s24+s6], $0x80, $0x38;
	[tilespmem:$0x1F180] =	vst v63  }
0x32d: {  	s24 =	sadd.s32 $0xC0, s17;
	s25 =	simm.s32 $0x1DE00  }
0x32e: {  	[tilespmem:s25], [sflag:$0x2] =	stream.linear.gather [hbm4b:s24+s6], $0x80, $0x38;
	[tilespmem:$0x1F180] =	vst v63  }
0x32f: {  	s24 =	sadd.s32 $0xD0, s17;
	s25 =	simm.s32 $0x1DF00  }
0x330: {  	[tilespmem:s25], [sflag:$0x2] =	stream.linear.gather [hbm4b:s24+s6], $0x80, $0x38;
	[tilespmem:$0x1F180] =	vst v63  }
0x331: {  	s24 =	sadd.s32 $0xE0, s17;
	s25 =	simm.s32 $0x1E000  }
0x332: {  	[tilespmem:s25], [sflag:$0x2] =	stream.linear.gather [hbm4b:s24+s6], $0x80, $0x38;
	[tilespmem:$0x1F180] =	vst v63  }
0x333: {  	s24 =	sadd.s32 $0xF0, s17;
	s25 =	simm.s32 $0x1E100  }
0x334: {  	[tilespmem:s25], [sflag:$0x2] =	stream.linear.gather [hbm4b:s24+s6], $0x80, $0x38;
	[tilespmem:$0x1F180] =	vst v63  }
0x335: {  	_ =	swait.ge [sflag:s4], $0x800  }
0x336: {  	s24 =	sand.u32 $0x70, s6;
	s6 =	sand.u32 $0xF00, s6;
	[sflag:s4] =	ssyncset.done $0x0  }
0x337: {  	s6 =	sor.u32 s24, s6;
	[sflag:s4] =	ssyncadd.s32 $0xFFFFF800  }
0x338: {  	v0 =	vld [tilespmem:s6+$0x1D180];
	_ =	sdelay $0x5  }
0x339: {  	s7 =	simm.s32 $0x20;
	s25 =	simm.s32 $0x10  }
0x33a: {  	s8 =	simm.s32 $0x20;
	s24 =	sand.u32 $0x70, s25;
	s25 =	sand.u32 $0xF00, s7  }
.LBB2_12:
0x33b: {  	p0 =	sne.s32 s8, $0x7F0;
	s24 =	sor.u32 s24, s25;
	v1 =	vld.idx.msk [tilespmem:v0+s3+$0x0], $0xffff  }
0x33c: {  	v0 =	vld [tilespmem:s24+$0x1D180];
	_ =	sdelay $0x2  }
.Ltmp5:
0x33d: {  	(pc) =	sbr.rel @p0 .LBB2_12-.Ltmp5, $4  }
0x33e: {  	_ = 	snop  }
0x33f: {  	[tilespmem:s6+$0x1E180] =	vst v1;
	s6 =	smov.u32 s24  }
0x340: {  	s7 =	sadd.s32 $0x20, s7  }
0x341: {  	s25 =	sand.u32 $0xF00, s7;
	s24 =	sand.u32 $0x70, s8;
	s8 =	sadd.s32 $0x10, s8  }
0x342: {  	_ = 	snop  }
0x343: {  	s7 =	sor.u32 s24, s25  }
0x344: {  	v1 =	vld [tilespmem:s7+$0x1D180];
	_ =	sdelay $0x1  }
0x345: {  	v0 =	vld.idx.msk [tilespmem:v0+s3+$0x0], $0xffff;
	_ =	sdelay $0x4  }
0x346: {  	[tilespmem:s6+$0x1E180] =	vst v0  }
0x347: {  	v0 =	vld.idx.msk [tilespmem:v1+s3+$0x0], $0xffff;
	_ =	sdelay $0x4  }
0x348: {  	s24 =	simm.s32 $0x1E180;
	s6 =	simm.s32 $0x0;
	[tilespmem:s7+$0x1E180] =	vst v0  }
0x349: {  	[hbm4b:s18+s6] =	stream.linear.scatter [tilespmem:s24], [sflag:$0x3], $0x80, $0x38;
	[tilespmem:$0x1F180] =	vst v63  }
0x34a: {  	s25 =	sadd.s32 $0x80, s18;
	s8 =	simm.s32 $0x1E280  }
0x34b: {  	[hbm4b:s25+s6] =	stream.linear.scatter [tilespmem:s8], [sflag:$0x3], $0x80, $0x38;
	[tilespmem:$0x1F180] =	vst v63  }
0x34c: {  	s24 =	sadd.s32 $0x100, s18;
	s25 =	simm.s32 $0x1E380  }
0x34d: {  	[hbm4b:s24+s6] =	stream.linear.scatter [tilespmem:s25], [sflag:$0x3], $0x80, $0x38;
	[tilespmem:$0x1F180] =	vst v63  }
0x34e: {  	s24 =	sadd.s32 $0x180, s18;
	s25 =	simm.s32 $0x1E480  }
0x34f: {  	[hbm4b:s24+s6] =	stream.linear.scatter [tilespmem:s25], [sflag:$0x3], $0x80, $0x38;
	[tilespmem:$0x1F180] =	vst v63  }
0x350: {  	s24 =	sadd.s32 $0x200, s18;
	s25 =	simm.s32 $0x1E580  }
0x351: {  	[hbm4b:s24+s6] =	stream.linear.scatter [tilespmem:s25], [sflag:$0x3], $0x80, $0x38;
	[tilespmem:$0x1F180] =	vst v63  }
0x352: {  	s24 =	sadd.s32 $0x280, s18;
	s25 =	simm.s32 $0x1E680  }
0x353: {  	[hbm4b:s24+s6] =	stream.linear.scatter [tilespmem:s25], [sflag:$0x3], $0x80, $0x38;
	[tilespmem:$0x1F180] =	vst v63  }
0x354: {  	s24 =	sadd.s32 $0x300, s18;
	s25 =	simm.s32 $0x1E780  }
0x355: {  	[hbm4b:s24+s6] =	stream.linear.scatter [tilespmem:s25], [sflag:$0x3], $0x80, $0x38;
	[tilespmem:$0x1F180] =	vst v63  }
0x356: {  	s24 =	sadd.s32 $0x380, s18;
	s25 =	simm.s32 $0x1E880  }
0x357: {  	[hbm4b:s24+s6] =	stream.linear.scatter [tilespmem:s25], [sflag:$0x3], $0x80, $0x38;
	[tilespmem:$0x1F180] =	vst v63  }
0x358: {  	s24 =	sadd.s32 $0x400, s18;
	s25 =	simm.s32 $0x1E980  }
0x359: {  	[hbm4b:s24+s6] =	stream.linear.scatter [tilespmem:s25], [sflag:$0x3], $0x80, $0x38;
	[tilespmem:$0x1F180] =	vst v63  }
0x35a: {  	s24 =	sadd.s32 $0x480, s18;
	s25 =	simm.s32 $0x1EA80  }
0x35b: {  	[hbm4b:s24+s6] =	stream.linear.scatter [tilespmem:s25], [sflag:$0x3], $0x80, $0x38;
	[tilespmem:$0x1F180] =	vst v63  }
0x35c: {  	s24 =	sadd.s32 $0x500, s18;
	s25 =	simm.s32 $0x1EB80  }
0x35d: {  	[hbm4b:s24+s6] =	stream.linear.scatter [tilespmem:s25], [sflag:$0x3], $0x80, $0x38;
	[tilespmem:$0x1F180] =	vst v63  }
0x35e: {  	s24 =	sadd.s32 $0x580, s18;
	s25 =	simm.s32 $0x1EC80  }
0x35f: {  	[hbm4b:s24+s6] =	stream.linear.scatter [tilespmem:s25], [sflag:$0x3], $0x80, $0x38;
	[tilespmem:$0x1F180] =	vst v63  }
0x360: {  	s24 =	sadd.s32 $0x600, s18;
	s25 =	simm.s32 $0x1ED80  }
0x361: {  	[hbm4b:s24+s6] =	stream.linear.scatter [tilespmem:s25], [sflag:$0x3], $0x80, $0x38;
	[tilespmem:$0x1F180] =	vst v63  }
0x362: {  	s24 =	sadd.s32 $0x680, s18;
	s25 =	simm.s32 $0x1EE80  }
0x363: {  	[hbm4b:s24+s6] =	stream.linear.scatter [tilespmem:s25], [sflag:$0x3], $0x80, $0x38;
	[tilespmem:$0x1F180] =	vst v63  }
0x364: {  	s24 =	sadd.s32 $0x700, s18;
	s25 =	simm.s32 $0x1EF80  }
0x365: {  	[hbm4b:s24+s6] =	stream.linear.scatter [tilespmem:s25], [sflag:$0x3], $0x80, $0x38;
	[tilespmem:$0x1F180] =	vst v63  }
0x366: {  	s24 =	sadd.s32 $0x780, s18;
	s25 =	simm.s32 $0x1F080  }
0x367: {  	[hbm4b:s24+s6] =	stream.linear.scatter [tilespmem:s25], [sflag:$0x3], $0x80, $0x38;
	[tilespmem:$0x1F180] =	vst v63  }
0x368: {  	_ =	swait.ge [sflag:s30], $0x800  }
0x369: {  	[sflag:s30] =	ssyncset.done $0x0  }
0x36a: {  	s8 =	simm.s32 $0x1D180;
	[sflag:s30] =	ssyncadd.s32 $0xFFFFF800  }
0x36b: {  	[tilespmem:s8], [sflag:$0x2] =	stream.linear.gather [hbm4b:s19+s6], $0x80, $0x38;
	[tilespmem:$0x1F180] =	vst v63  }
0x36c: {  	s24 =	sadd.s32 $0x10, s19;
	s25 =	simm.s32 $0x1D280  }
0x36d: {  	[tilespmem:s25], [sflag:$0x2] =	stream.linear.gather [hbm4b:s24+s6], $0x80, $0x38;
	[tilespmem:$0x1F180] =	vst v63  }
0x36e: {  	s24 =	sadd.s32 $0x20, s19;
	s25 =	simm.s32 $0x1D380  }
0x36f: {  	[tilespmem:s25], [sflag:$0x2] =	stream.linear.gather [hbm4b:s24+s6], $0x80, $0x38;
	[tilespmem:$0x1F180] =	vst v63  }
0x370: {  	s24 =	sadd.s32 $0x30, s19;
	s25 =	simm.s32 $0x1D480  }
0x371: {  	[tilespmem:s25], [sflag:$0x2] =	stream.linear.gather [hbm4b:s24+s6], $0x80, $0x38;
	[tilespmem:$0x1F180] =	vst v63  }
0x372: {  	s24 =	sadd.s32 $0x40, s19;
	s25 =	simm.s32 $0x1D580  }
0x373: {  	[tilespmem:s25], [sflag:$0x2] =	stream.linear.gather [hbm4b:s24+s6], $0x80, $0x38;
	[tilespmem:$0x1F180] =	vst v63  }
0x374: {  	s24 =	sadd.s32 $0x50, s19;
	s25 =	simm.s32 $0x1D680  }
0x375: {  	[tilespmem:s25], [sflag:$0x2] =	stream.linear.gather [hbm4b:s24+s6], $0x80, $0x38;
	[tilespmem:$0x1F180] =	vst v63  }
0x376: {  	s24 =	sadd.s32 $0x60, s19;
	s25 =	simm.s32 $0x1D780  }
0x377: {  	[tilespmem:s25], [sflag:$0x2] =	stream.linear.gather [hbm4b:s24+s6], $0x80, $0x38;
	[tilespmem:$0x1F180] =	vst v63  }
0x378: {  	s24 =	sadd.s32 $0x70, s19;
	s25 =	simm.s32 $0x1D880  }
0x379: {  	[tilespmem:s25], [sflag:$0x2] =	stream.linear.gather [hbm4b:s24+s6], $0x80, $0x38;
	[tilespmem:$0x1F180] =	vst v63  }
0x37a: {  	s24 =	sadd.s32 $0x80, s19;
	s25 =	simm.s32 $0x1D980  }
0x37b: {  	[tilespmem:s25], [sflag:$0x2] =	stream.linear.gather [hbm4b:s24+s6], $0x80, $0x38;
	[tilespmem:$0x1F180] =	vst v63  }
0x37c: {  	s24 =	sadd.s32 $0x90, s19;
	s25 =	simm.s32 $0x1DA80  }
0x37d: {  	[tilespmem:s25], [sflag:$0x2] =	stream.linear.gather [hbm4b:s24+s6], $0x80, $0x38;
	[tilespmem:$0x1F180] =	vst v63  }
0x37e: {  	s24 =	sadd.s32 $0xA0, s19;
	s25 =	simm.s32 $0x1DB80  }
0x37f: {  	[tilespmem:s25], [sflag:$0x2] =	stream.linear.gather [hbm4b:s24+s6], $0x80, $0x38;
	[tilespmem:$0x1F180] =	vst v63  }
0x380: {  	s24 =	sadd.s32 $0xB0, s19;
	s25 =	simm.s32 $0x1DC80  }
0x381: {  	[tilespmem:s25], [sflag:$0x2] =	stream.linear.gather [hbm4b:s24+s6], $0x80, $0x38;
	[tilespmem:$0x1F180] =	vst v63  }
0x382: {  	s24 =	sadd.s32 $0xC0, s19;
	s25 =	simm.s32 $0x1DD80  }
0x383: {  	[tilespmem:s25], [sflag:$0x2] =	stream.linear.gather [hbm4b:s24+s6], $0x80, $0x38;
	[tilespmem:$0x1F180] =	vst v63  }
0x384: {  	s24 =	sadd.s32 $0xD0, s19;
	s25 =	simm.s32 $0x1DE80  }
0x385: {  	[tilespmem:s25], [sflag:$0x2] =	stream.linear.gather [hbm4b:s24+s6], $0x80, $0x38;
	[tilespmem:$0x1F180] =	vst v63  }
0x386: {  	s24 =	sadd.s32 $0xE0, s19;
	s25 =	simm.s32 $0x1DF80  }
0x387: {  	[tilespmem:s25], [sflag:$0x2] =	stream.linear.gather [hbm4b:s24+s6], $0x80, $0x38;
	[tilespmem:$0x1F180] =	vst v63  }
0x388: {  	s24 =	sadd.s32 $0xF0, s19;
	s25 =	simm.s32 $0x1E080  }
0x389: {  	[tilespmem:s25], [sflag:$0x2] =	stream.linear.gather [hbm4b:s24+s6], $0x80, $0x38;
	[tilespmem:$0x1F180] =	vst v63  }
0x38a: {  	_ =	swait.ge [sflag:s4], $0x800  }
0x38b: {  	s24 =	sand.u32 $0x70, s6;
	s6 =	sand.u32 $0xF00, s6;
	[sflag:s4] =	ssyncset.done $0x0  }
0x38c: {  	s6 =	sor.u32 s6, s24;
	[sflag:s4] =	ssyncadd.s32 $0xFFFFF800  }
0x38d: {  	v0 =	vld [tilespmem:s6+$0x1D200];
	_ =	sdelay $0x5  }
0x38e: {  	s7 =	simm.s32 $0x20;
	s25 =	simm.s32 $0x10  }
0x38f: {  	s8 =	simm.s32 $0x20;
	s24 =	sand.u32 $0x70, s25;
	s25 =	sand.u32 $0xF00, s7  }
.LBB2_14:
0x390: {  	p0 =	sne.s32 s8, $0x7F0;
	s24 =	sor.u32 s25, s24;
	v1 =	vld.idx.msk [tilespmem:v0+s3+$0x0], $0xffff  }
0x391: {  	v0 =	vld [tilespmem:s24+$0x1D200];
	_ =	sdelay $0x2  }
.Ltmp6:
0x392: {  	(pc) =	sbr.rel @p0 .LBB2_14-.Ltmp6, $4  }
0x393: {  	_ = 	snop  }
0x394: {  	[tilespmem:s6+$0x1E200] =	vst v1;
	s6 =	smov.u32 s24  }
0x395: {  	s7 =	sadd.s32 $0x20, s7  }
0x396: {  	s25 =	sand.u32 $0xF00, s7;
	s24 =	sand.u32 $0x70, s8;
	s8 =	sadd.s32 $0x10, s8  }
0x397: {  	_ = 	snop  }
0x398: {  	s7 =	sor.u32 s25, s24  }
0x399: {  	v1 =	vld [tilespmem:s7+$0x1D200];
	_ =	sdelay $0x1  }
0x39a: {  	v0 =	vld.idx.msk [tilespmem:v0+s3+$0x0], $0xffff;
	_ =	sdelay $0x4  }
0x39b: {  	[tilespmem:s6+$0x1E200] =	vst v0  }
0x39c: {  	v0 =	vld.idx.msk [tilespmem:v1+s3+$0x0], $0xffff;
	_ =	sdelay $0x4  }
0x39d: {  	s24 =	simm.s32 $0x1E200;
	s6 =	simm.s32 $0x0;
	[tilespmem:s7+$0x1E200] =	vst v0  }
0x39e: {  	[hbm4b:s20+s6] =	stream.linear.scatter [tilespmem:s24], [sflag:$0x3], $0x80, $0x38;
	[tilespmem:$0x1F180] =	vst v63  }
0x39f: {  	s25 =	sadd.s32 $0x80, s20;
	s8 =	simm.s32 $0x1E300  }
0x3a0: {  	[hbm4b:s25+s6] =	stream.linear.scatter [tilespmem:s8], [sflag:$0x3], $0x80, $0x38;
	[tilespmem:$0x1F180] =	vst v63  }
0x3a1: {  	s24 =	sadd.s32 $0x100, s20;
	s25 =	simm.s32 $0x1E400  }
0x3a2: {  	[hbm4b:s24+s6] =	stream.linear.scatter [tilespmem:s25], [sflag:$0x3], $0x80, $0x38;
	[tilespmem:$0x1F180] =	vst v63  }
0x3a3: {  	s24 =	sadd.s32 $0x180, s20;
	s25 =	simm.s32 $0x1E500  }
0x3a4: {  	[hbm4b:s24+s6] =	stream.linear.scatter [tilespmem:s25], [sflag:$0x3], $0x80, $0x38;
	[tilespmem:$0x1F180] =	vst v63  }
0x3a5: {  	s24 =	sadd.s32 $0x200, s20;
	s25 =	simm.s32 $0x1E600  }
0x3a6: {  	[hbm4b:s24+s6] =	stream.linear.scatter [tilespmem:s25], [sflag:$0x3], $0x80, $0x38;
	[tilespmem:$0x1F180] =	vst v63  }
0x3a7: {  	s24 =	sadd.s32 $0x280, s20;
	s25 =	simm.s32 $0x1E700  }
0x3a8: {  	[hbm4b:s24+s6] =	stream.linear.scatter [tilespmem:s25], [sflag:$0x3], $0x80, $0x38;
	[tilespmem:$0x1F180] =	vst v63  }
0x3a9: {  	s24 =	sadd.s32 $0x300, s20;
	s25 =	simm.s32 $0x1E800  }
0x3aa: {  	[hbm4b:s24+s6] =	stream.linear.scatter [tilespmem:s25], [sflag:$0x3], $0x80, $0x38;
	[tilespmem:$0x1F180] =	vst v63  }
0x3ab: {  	s24 =	sadd.s32 $0x380, s20;
	s25 =	simm.s32 $0x1E900  }
0x3ac: {  	[hbm4b:s24+s6] =	stream.linear.scatter [tilespmem:s25], [sflag:$0x3], $0x80, $0x38;
	[tilespmem:$0x1F180] =	vst v63  }
0x3ad: {  	s24 =	sadd.s32 $0x400, s20;
	s25 =	simm.s32 $0x1EA00  }
0x3ae: {  	[hbm4b:s24+s6] =	stream.linear.scatter [tilespmem:s25], [sflag:$0x3], $0x80, $0x38;
	[tilespmem:$0x1F180] =	vst v63  }
0x3af: {  	s24 =	sadd.s32 $0x480, s20;
	s25 =	simm.s32 $0x1EB00  }
0x3b0: {  	[hbm4b:s24+s6] =	stream.linear.scatter [tilespmem:s25], [sflag:$0x3], $0x80, $0x38;
	[tilespmem:$0x1F180] =	vst v63  }
0x3b1: {  	s24 =	sadd.s32 $0x500, s20;
	s25 =	simm.s32 $0x1EC00  }
0x3b2: {  	[hbm4b:s24+s6] =	stream.linear.scatter [tilespmem:s25], [sflag:$0x3], $0x80, $0x38;
	[tilespmem:$0x1F180] =	vst v63  }
0x3b3: {  	s8 =	sadd.s32 $0x580, s20;
	s24 =	simm.s32 $0x1ED00  }
0x3b4: {  	[hbm4b:s8+s6] =	stream.linear.scatter [tilespmem:s24], [sflag:$0x3], $0x80, $0x38;
	[tilespmem:$0x1F180] =	vst v63  }
0x3b5: {  	s25 =	sadd.s32 $0x600, s20  }
0x3b6: {  	[hbm4b:s25+s6] =	stream.linear.scatter [tilespmem:s31], [sflag:$0x3], $0x80, $0x38;
	[tilespmem:$0x1F180] =	vst v63  }
0x3b7: {  	s8 =	sadd.s32 $0x680, s20  }
0x3b8: {  	[hbm4b:s8+s6] =	stream.linear.scatter [tilespmem:s1], [sflag:$0x3], $0x80, $0x38;
	[tilespmem:$0x1F180] =	vst v63  }
0x3b9: {  	s24 =	sadd.s32 $0x700, s20  }
0x3ba: {  	[hbm4b:s24+s6] =	stream.linear.scatter [tilespmem:s2], [sflag:$0x3], $0x80, $0x38;
	[tilespmem:$0x1F180] =	vst v63  }
0x3bb: {  	s25 =	sadd.s32 $0x780, s20  }
0x3bc: {  	[hbm4b:s25+s6] =	stream.linear.scatter [tilespmem:s0], [sflag:$0x3], $0x80, $0x38;
	[tilespmem:$0x1F180] =	vst v63  }
0x3bd: {  	_ =	swait.ge [sflag:s30], $0x800  }
0x3be: {  	[sflag:s30] =	ssyncset.done $0x0  }
0x3bf: {  	s8 =	simm.s32 $0x1D200;
	[sflag:s30] =	ssyncadd.s32 $0xFFFFF800  }
0x3c0: {  	[tilespmem:s8], [sflag:$0x2] =	stream.linear.gather [hbm4b:s21+s6], $0x80, $0x38;
	[tilespmem:$0x1F180] =	vst v63  }
0x3c1: {  	s24 =	sadd.s32 $0x10, s21;
	s25 =	simm.s32 $0x1D300  }
0x3c2: {  	[tilespmem:s25], [sflag:$0x2] =	stream.linear.gather [hbm4b:s24+s6], $0x80, $0x38;
	[tilespmem:$0x1F180] =	vst v63  }
0x3c3: {  	s24 =	sadd.s32 $0x20, s21;
	s25 =	simm.s32 $0x1D400  }
0x3c4: {  	[tilespmem:s25], [sflag:$0x2] =	stream.linear.gather [hbm4b:s24+s6], $0x80, $0x38;
	[tilespmem:$0x1F180] =	vst v63  }
0x3c5: {  	s24 =	sadd.s32 $0x30, s21;
	s25 =	simm.s32 $0x1D500  }
0x3c6: {  	[tilespmem:s25], [sflag:$0x2] =	stream.linear.gather [hbm4b:s24+s6], $0x80, $0x38;
	[tilespmem:$0x1F180] =	vst v63  }
0x3c7: {  	s24 =	sadd.s32 $0x40, s21;
	s25 =	simm.s32 $0x1D600  }
0x3c8: {  	[tilespmem:s25], [sflag:$0x2] =	stream.linear.gather [hbm4b:s24+s6], $0x80, $0x38;
	[tilespmem:$0x1F180] =	vst v63  }
0x3c9: {  	s24 =	sadd.s32 $0x50, s21;
	s25 =	simm.s32 $0x1D700  }
0x3ca: {  	[tilespmem:s25], [sflag:$0x2] =	stream.linear.gather [hbm4b:s24+s6], $0x80, $0x38;
	[tilespmem:$0x1F180] =	vst v63  }
0x3cb: {  	s24 =	sadd.s32 $0x60, s21;
	s25 =	simm.s32 $0x1D800  }
0x3cc: {  	[tilespmem:s25], [sflag:$0x2] =	stream.linear.gather [hbm4b:s24+s6], $0x80, $0x38;
	[tilespmem:$0x1F180] =	vst v63  }
0x3cd: {  	s24 =	sadd.s32 $0x70, s21;
	s25 =	simm.s32 $0x1D900  }
0x3ce: {  	[tilespmem:s25], [sflag:$0x2] =	stream.linear.gather [hbm4b:s24+s6], $0x80, $0x38;
	[tilespmem:$0x1F180] =	vst v63  }
0x3cf: {  	s24 =	sadd.s32 $0x80, s21;
	s25 =	simm.s32 $0x1DA00  }
0x3d0: {  	[tilespmem:s25], [sflag:$0x2] =	stream.linear.gather [hbm4b:s24+s6], $0x80, $0x38;
	[tilespmem:$0x1F180] =	vst v63  }
0x3d1: {  	s24 =	sadd.s32 $0x90, s21;
	s25 =	simm.s32 $0x1DB00  }
0x3d2: {  	[tilespmem:s25], [sflag:$0x2] =	stream.linear.gather [hbm4b:s24+s6], $0x80, $0x38;
	[tilespmem:$0x1F180] =	vst v63  }
0x3d3: {  	s24 =	sadd.s32 $0xA0, s21;
	s25 =	simm.s32 $0x1DC00  }
0x3d4: {  	[tilespmem:s25], [sflag:$0x2] =	stream.linear.gather [hbm4b:s24+s6], $0x80, $0x38;
	[tilespmem:$0x1F180] =	vst v63  }
0x3d5: {  	s24 =	sadd.s32 $0xB0, s21;
	s25 =	simm.s32 $0x1DD00  }
0x3d6: {  	[tilespmem:s25], [sflag:$0x2] =	stream.linear.gather [hbm4b:s24+s6], $0x80, $0x38;
	[tilespmem:$0x1F180] =	vst v63  }
0x3d7: {  	s24 =	sadd.s32 $0xC0, s21;
	s25 =	simm.s32 $0x1DE00  }
0x3d8: {  	[tilespmem:s25], [sflag:$0x2] =	stream.linear.gather [hbm4b:s24+s6], $0x80, $0x38;
	[tilespmem:$0x1F180] =	vst v63  }
0x3d9: {  	s24 =	sadd.s32 $0xD0, s21;
	s25 =	simm.s32 $0x1DF00  }
0x3da: {  	[tilespmem:s25], [sflag:$0x2] =	stream.linear.gather [hbm4b:s24+s6], $0x80, $0x38;
	[tilespmem:$0x1F180] =	vst v63  }
0x3db: {  	s24 =	sadd.s32 $0xE0, s21;
	s25 =	simm.s32 $0x1E000  }
0x3dc: {  	[tilespmem:s25], [sflag:$0x2] =	stream.linear.gather [hbm4b:s24+s6], $0x80, $0x38;
	[tilespmem:$0x1F180] =	vst v63  }
0x3dd: {  	s24 =	sadd.s32 $0xF0, s21;
	s25 =	simm.s32 $0x1E100  }
0x3de: {  	[tilespmem:s25], [sflag:$0x2] =	stream.linear.gather [hbm4b:s24+s6], $0x80, $0x38;
	[tilespmem:$0x1F180] =	vst v63  }
0x3df: {  	_ =	swait.ge [sflag:s4], $0x800  }
0x3e0: {  	s24 =	sand.u32 $0x70, s6;
	s6 =	sand.u32 $0xF00, s6;
	[sflag:s4] =	ssyncset.done $0x0  }
0x3e1: {  	s6 =	sor.u32 s24, s6;
	[sflag:s4] =	ssyncadd.s32 $0xFFFFF800  }
0x3e2: {  	v0 =	vld [tilespmem:s6+$0x1D180];
	_ =	sdelay $0x5  }
0x3e3: {  	s7 =	simm.s32 $0x20;
	s25 =	simm.s32 $0x10  }
0x3e4: {  	s8 =	simm.s32 $0x20;
	s24 =	sand.u32 $0x70, s25;
	s25 =	sand.u32 $0xF00, s7  }
.LBB2_16:
0x3e5: {  	p0 =	sne.s32 s8, $0x7F0;
	s24 =	sor.u32 s24, s25;
	v1 =	vld.idx.msk [tilespmem:v0+s3+$0x0], $0xffff  }
0x3e6: {  	v0 =	vld [tilespmem:s24+$0x1D180];
	_ =	sdelay $0x2  }
.Ltmp7:
0x3e7: {  	(pc) =	sbr.rel @p0 .LBB2_16-.Ltmp7, $4  }
0x3e8: {  	_ = 	snop  }
0x3e9: {  	[tilespmem:s6+$0x1E180] =	vst v1;
	s6 =	smov.u32 s24  }
0x3ea: {  	s7 =	sadd.s32 $0x20, s7  }
0x3eb: {  	s25 =	sand.u32 $0xF00, s7;
	s24 =	sand.u32 $0x70, s8;
	s8 =	sadd.s32 $0x10, s8  }
0x3ec: {  	_ = 	snop  }
0x3ed: {  	s7 =	sor.u32 s24, s25  }
0x3ee: {  	v1 =	vld [tilespmem:s7+$0x1D180];
	_ =	sdelay $0x1  }
0x3ef: {  	v0 =	vld.idx.msk [tilespmem:v0+s3+$0x0], $0xffff;
	_ =	sdelay $0x4  }
0x3f0: {  	[tilespmem:s6+$0x1E180] =	vst v0  }
0x3f1: {  	v0 =	vld.idx.msk [tilespmem:v1+s3+$0x0], $0xffff;
	_ =	sdelay $0x4  }
0x3f2: {  	s24 =	simm.s32 $0x1E180;
	s6 =	simm.s32 $0x0;
	[tilespmem:s7+$0x1E180] =	vst v0  }
0x3f3: {  	[hbm4b:s22+s6] =	stream.linear.scatter [tilespmem:s24], [sflag:$0x3], $0x80, $0x38;
	[tilespmem:$0x1F180] =	vst v63  }
0x3f4: {  	s25 =	sadd.s32 $0x80, s22;
	s8 =	simm.s32 $0x1E280  }
0x3f5: {  	[hbm4b:s25+s6] =	stream.linear.scatter [tilespmem:s8], [sflag:$0x3], $0x80, $0x38;
	[tilespmem:$0x1F180] =	vst v63  }
0x3f6: {  	s24 =	sadd.s32 $0x100, s22;
	s25 =	simm.s32 $0x1E380  }
0x3f7: {  	[hbm4b:s24+s6] =	stream.linear.scatter [tilespmem:s25], [sflag:$0x3], $0x80, $0x38;
	[tilespmem:$0x1F180] =	vst v63  }
0x3f8: {  	s24 =	sadd.s32 $0x180, s22;
	s25 =	simm.s32 $0x1E480  }
0x3f9: {  	[hbm4b:s24+s6] =	stream.linear.scatter [tilespmem:s25], [sflag:$0x3], $0x80, $0x38;
	[tilespmem:$0x1F180] =	vst v63  }
0x3fa: {  	s24 =	sadd.s32 $0x200, s22;
	s25 =	simm.s32 $0x1E580  }
0x3fb: {  	[hbm4b:s24+s6] =	stream.linear.scatter [tilespmem:s25], [sflag:$0x3], $0x80, $0x38;
	[tilespmem:$0x1F180] =	vst v63  }
0x3fc: {  	s24 =	sadd.s32 $0x280, s22;
	s25 =	simm.s32 $0x1E680  }
0x3fd: {  	[hbm4b:s24+s6] =	stream.linear.scatter [tilespmem:s25], [sflag:$0x3], $0x80, $0x38;
	[tilespmem:$0x1F180] =	vst v63  }
0x3fe: {  	s24 =	sadd.s32 $0x300, s22;
	s25 =	simm.s32 $0x1E780  }
0x3ff: {  	[hbm4b:s24+s6] =	stream.linear.scatter [tilespmem:s25], [sflag:$0x3], $0x80, $0x38;
	[tilespmem:$0x1F180] =	vst v63  }
0x400: {  	s24 =	sadd.s32 $0x380, s22;
	s25 =	simm.s32 $0x1E880  }
0x401: {  	[hbm4b:s24+s6] =	stream.linear.scatter [tilespmem:s25], [sflag:$0x3], $0x80, $0x38;
	[tilespmem:$0x1F180] =	vst v63  }
0x402: {  	s24 =	sadd.s32 $0x400, s22;
	s25 =	simm.s32 $0x1E980  }
0x403: {  	[hbm4b:s24+s6] =	stream.linear.scatter [tilespmem:s25], [sflag:$0x3], $0x80, $0x38;
	[tilespmem:$0x1F180] =	vst v63  }
0x404: {  	s24 =	sadd.s32 $0x480, s22;
	s25 =	simm.s32 $0x1EA80  }
0x405: {  	[hbm4b:s24+s6] =	stream.linear.scatter [tilespmem:s25], [sflag:$0x3], $0x80, $0x38;
	[tilespmem:$0x1F180] =	vst v63  }
0x406: {  	s24 =	sadd.s32 $0x500, s22;
	s25 =	simm.s32 $0x1EB80  }
0x407: {  	[hbm4b:s24+s6] =	stream.linear.scatter [tilespmem:s25], [sflag:$0x3], $0x80, $0x38;
	[tilespmem:$0x1F180] =	vst v63  }
0x408: {  	s24 =	sadd.s32 $0x580, s22;
	s25 =	simm.s32 $0x1EC80  }
0x409: {  	[hbm4b:s24+s6] =	stream.linear.scatter [tilespmem:s25], [sflag:$0x3], $0x80, $0x38;
	[tilespmem:$0x1F180] =	vst v63  }
0x40a: {  	s24 =	sadd.s32 $0x600, s22;
	s25 =	simm.s32 $0x1ED80  }
0x40b: {  	[hbm4b:s24+s6] =	stream.linear.scatter [tilespmem:s25], [sflag:$0x3], $0x80, $0x38;
	[tilespmem:$0x1F180] =	vst v63  }
0x40c: {  	s24 =	sadd.s32 $0x680, s22;
	s25 =	simm.s32 $0x1EE80  }
0x40d: {  	[hbm4b:s24+s6] =	stream.linear.scatter [tilespmem:s25], [sflag:$0x3], $0x80, $0x38;
	[tilespmem:$0x1F180] =	vst v63  }
0x40e: {  	s24 =	sadd.s32 $0x700, s22;
	s25 =	simm.s32 $0x1EF80  }
0x40f: {  	[hbm4b:s24+s6] =	stream.linear.scatter [tilespmem:s25], [sflag:$0x3], $0x80, $0x38;
	[tilespmem:$0x1F180] =	vst v63  }
0x410: {  	s24 =	sadd.s32 $0x780, s22;
	s25 =	simm.s32 $0x1F080  }
0x411: {  	[hbm4b:s24+s6] =	stream.linear.scatter [tilespmem:s25], [sflag:$0x3], $0x80, $0x38;
	[tilespmem:$0x1F180] =	vst v63  }
0x412: {  	_ =	swait.ge [sflag:s30], $0x800  }
0x413: {  	[sflag:s30] =	ssyncset.done $0x0  }
0x414: {  	[sflag:s30] =	ssyncadd.s32 $0xFFFFF800  }
0x415: {  	_ =	swait.ge [sflag:s4], $0x800  }
0x416: {  	s24 =	sand.u32 $0x70, s6;
	s6 =	sand.u32 $0xF00, s6;
	[sflag:s4] =	ssyncset.done $0x0  }
0x417: {  	s6 =	sor.u32 s6, s24;
	[sflag:s4] =	ssyncadd.s32 $0xFFFFF800  }
0x418: {  	v0 =	vld [tilespmem:s6+$0x1D200];
	_ =	sdelay $0x5  }
0x419: {  	s7 =	simm.s32 $0x20;
	s25 =	simm.s32 $0x10  }
0x41a: {  	s8 =	simm.s32 $0x20;
	s24 =	sand.u32 $0x70, s25;
	s25 =	sand.u32 $0xF00, s7  }
.LBB2_18:
0x41b: {  	p0 =	sne.s32 s8, $0x7F0;
	s24 =	sor.u32 s25, s24;
	v1 =	vld.idx.msk [tilespmem:v0+s3+$0x0], $0xffff  }
0x41c: {  	v0 =	vld [tilespmem:s24+$0x1D200];
	_ =	sdelay $0x2  }
.Ltmp8:
0x41d: {  	(pc) =	sbr.rel @p0 .LBB2_18-.Ltmp8, $4  }
0x41e: {  	_ = 	snop  }
0x41f: {  	[tilespmem:s6+$0x1E200] =	vst v1;
	s6 =	smov.u32 s24  }
0x420: {  	s7 =	sadd.s32 $0x20, s7  }
0x421: {  	s25 =	sand.u32 $0xF00, s7;
	s24 =	sand.u32 $0x70, s8;
	s8 =	sadd.s32 $0x10, s8  }
0x422: {  	_ = 	snop  }
0x423: {  	s7 =	sor.u32 s25, s24  }
0x424: {  	v1 =	vld [tilespmem:s7+$0x1D200];
	_ =	sdelay $0x1  }
0x425: {  	v0 =	vld.idx.msk [tilespmem:v0+s3+$0x0], $0xffff;
	_ =	sdelay $0x4  }
0x426: {  	[tilespmem:s6+$0x1E200] =	vst v0  }
0x427: {  	v0 =	vld.idx.msk [tilespmem:v1+s3+$0x0], $0xffff;
	_ =	sdelay $0x4  }
0x428: {  	s25 =	simm.s32 $0x1E200;
	[tilespmem:s7+$0x1E200] =	vst v0  }
0x429: {  	[hbm4b:s23+s3] =	stream.linear.scatter [tilespmem:s25], [sflag:$0x3], $0x80, $0x38;
	[tilespmem:$0x1F180] =	vst v63  }
0x42a: {  	s8 =	simm.s32 $0x1E300;
	s7 =	sadd.s32 $0x80, s23  }
0x42b: {  	[hbm4b:s7+s3] =	stream.linear.scatter [tilespmem:s8], [sflag:$0x3], $0x80, $0x38;
	[tilespmem:$0x1F180] =	vst v63  }
0x42c: {  	s24 =	sadd.s32 $0x100, s23;
	s25 =	simm.s32 $0x1E400  }
0x42d: {  	[hbm4b:s24+s3] =	stream.linear.scatter [tilespmem:s25], [sflag:$0x3], $0x80, $0x38;
	[tilespmem:$0x1F180] =	vst v63  }
0x42e: {  	s7 =	sadd.s32 $0x180, s23;
	s8 =	simm.s32 $0x1E500  }
0x42f: {  	[hbm4b:s7+s3] =	stream.linear.scatter [tilespmem:s8], [sflag:$0x3], $0x80, $0x38;
	[tilespmem:$0x1F180] =	vst v63  }
0x430: {  	s24 =	sadd.s32 $0x200, s23;
	s25 =	simm.s32 $0x1E600  }
0x431: {  	[hbm4b:s24+s3] =	stream.linear.scatter [tilespmem:s25], [sflag:$0x3], $0x80, $0x38;
	[tilespmem:$0x1F180] =	vst v63  }
0x432: {  	s7 =	sadd.s32 $0x280, s23;
	s8 =	simm.s32 $0x1E700  }
0x433: {  	[hbm4b:s7+s3] =	stream.linear.scatter [tilespmem:s8], [sflag:$0x3], $0x80, $0x38;
	[tilespmem:$0x1F180] =	vst v63  }
0x434: {  	s24 =	sadd.s32 $0x300, s23;
	s25 =	simm.s32 $0x1E800  }
0x435: {  	[hbm4b:s24+s3] =	stream.linear.scatter [tilespmem:s25], [sflag:$0x3], $0x80, $0x38;
	[tilespmem:$0x1F180] =	vst v63  }
0x436: {  	s7 =	sadd.s32 $0x380, s23;
	s8 =	simm.s32 $0x1E900  }
0x437: {  	[hbm4b:s7+s3] =	stream.linear.scatter [tilespmem:s8], [sflag:$0x3], $0x80, $0x38;
	[tilespmem:$0x1F180] =	vst v63  }
0x438: {  	s24 =	sadd.s32 $0x400, s23;
	s25 =	simm.s32 $0x1EA00  }
0x439: {  	[hbm4b:s24+s3] =	stream.linear.scatter [tilespmem:s25], [sflag:$0x3], $0x80, $0x38;
	[tilespmem:$0x1F180] =	vst v63  }
0x43a: {  	s7 =	sadd.s32 $0x480, s23;
	s8 =	simm.s32 $0x1EB00  }
0x43b: {  	[hbm4b:s7+s3] =	stream.linear.scatter [tilespmem:s8], [sflag:$0x3], $0x80, $0x38;
	[tilespmem:$0x1F180] =	vst v63  }
0x43c: {  	s24 =	sadd.s32 $0x500, s23;
	s25 =	simm.s32 $0x1EC00  }
0x43d: {  	[hbm4b:s24+s3] =	stream.linear.scatter [tilespmem:s25], [sflag:$0x3], $0x80, $0x38;
	[tilespmem:$0x1F180] =	vst v63  }
0x43e: {  	s8 =	sadd.s32 $0x580, s23;
	s24 =	simm.s32 $0x1ED00  }
0x43f: {  	[hbm4b:s8+s3] =	stream.linear.scatter [tilespmem:s24], [sflag:$0x3], $0x80, $0x38;
	[tilespmem:$0x1F180] =	vst v63  }
0x440: {  	s25 =	sadd.s32 $0x600, s23  }
0x441: {  	[hbm4b:s25+s3] =	stream.linear.scatter [tilespmem:s31], [sflag:$0x3], $0x80, $0x38;
	[tilespmem:$0x1F180] =	vst v63  }
0x442: {  	s7 =	sadd.s32 $0x680, s23  }
0x443: {  	[hbm4b:s7+s3] =	stream.linear.scatter [tilespmem:s1], [sflag:$0x3], $0x80, $0x38;
	[tilespmem:$0x1F180] =	vst v63  }
0x444: {  	s8 =	sadd.s32 $0x700, s23  }
0x445: {  	[hbm4b:s8+s3] =	stream.linear.scatter [tilespmem:s2], [sflag:$0x3], $0x80, $0x38;
	[tilespmem:$0x1F180] =	vst v63  }
0x446: {  	s24 =	sadd.s32 $0x780, s23  }
0x447: {  	[hbm4b:s24+s3] =	stream.linear.scatter [tilespmem:s0], [sflag:$0x3], $0x80, $0x38;
	[tilespmem:$0x1F180] =	vst v63  }
0x448: {  	_ =	swait.ge [sflag:s4], $0x800  }
0x449: {  	[sflag:s4] =	ssyncset.done $0x0  }
0x44a: {  	[sflag:s4] =	ssyncadd.s32 $0xFFFFF800  }
0x44b: {  	_ =	swait.ge [sflag:s4], $0x800  }
0x44c: {  	[sflag:s4] =	ssyncset.done $0x0  }
0x44d: {  	[sflag:s4] =	ssyncadd.s32 $0xFFFFF800  }
0x44e: {  	_ =	swait.ge [sflag:s4], $0x4000  }
0x44f: {  	s5 =	sadd.s32 $0x1, s5;
	s25 =	rddreg [dreg:$0xb]  }
0x450: {  	p0 =	sne.s32 s5, s25  }
.Ltmp9:
0x451: {  	_ = 	snop;
	(pc) =	sbr.rel @p0 .LBB2_1-.Ltmp9, $3  }
0x452: {  	_ =	sdelay $0x1  }
0x453: {  	[sflag:s4] =	ssyncset.done $0x0  }
0x454: {  	[sflag:s4] =	ssyncadd.s32 $0xFFFFC000  }
0x455: {  	_ =	sfence.sel $0x180000  }
0x456: {  	[bflag:$0x0] =	sbarrier.arrive $0xFFFF  }
0x457: {  	_ =	strace $0x90000047  }
0x458: {  	s0 =	stileid.u32;
	[bflag:$0x2] =	sbarrier.arrive $0xFFFF  }
0x459: {  	p0 =	sne.s32 s0, $0x0;
	s0 =	rddreg [dreg:$0x5]  }
0x45a: {  	s0 =	sadd.s32 @!p0 $0x100000, s0  }
0x45b: {  	[sflag:s0] =	ssyncadd.tile.s32 @!p0 $0x1;
	_ =	shalt  }
.Lfunc_end2:
_tile_overlayer_lowered:
.L_overlay_start_2:
0x45c: {  	(tag) =	ssettag $0x2  }
0x45d: {  	s0 =	rddreg [dreg:$0x0];
	s2 =	stileid.u32  }
0x45e: {  	s1 =	rddreg [dreg:$0x1];
	p0 =	sne.s32 s2, $0x0  }
0x45f: {  	s3 =	rddreg [dreg:$0x2];
	[bflag:$0x3] =	sbarrier.arrive $0xFFFF;
	s2 =	simm.s32 @!p0 $0x1C04  }
0x460: {  	[timem:s3], [sflag:s2] =	dma.local @!p0 [hbm:s0], s1  }
0x461: {  	s0 =	simm.s32 @!p0 $0x4  }
0x462: {  	_ =	swait.ge @!p0 [sflag:s0], s1  }
0x463: {  	s1 =	ssub.s32 @!p0 $0x0, s1;
	[sflag:s0] =	ssyncset.done @!p0 $0x0  }
0x464: {  	[sflag:s0] =	ssyncadd.s32 @!p0 s1  }
0x465: {  	[bflag:$0x3] =	sbarrier.arrive $0xFFFF  }
0x466: {  	_ =	shalt  }

</sc_bundles>
